<compile_context>
chip_gen: v7x
topology: tpu7x:2x2x1
jax: 0.10.2.dev20260603
libtpu: 0.0.44.dev20260713+nightly
codegen_flags: <defaults>
</compile_context>

<pallas_src>
import functools

import jax
import jax.numpy as jnp
from jax import lax
from jax.experimental import pallas as pl
from jax.experimental.pallas import tpu as pltpu
from jax.experimental.pallas import tpu_sc as plsc

CHUNK = 128
SCH = 6
BUFR = SCH * CHUNK
NW = 16


def _build(T, H, B, NSUP):
    HP = H // NW
    NCH = NSUP * SCH
    mesh = plsc.VectorSubcoreMesh(
        core_axis_name="c", subcore_axis_name="s", num_cores=1)

    @functools.partial(
        pl.kernel,
        out_type=[
            jax.ShapeDtypeStruct((T, H, B), jnp.float32),
        ],
        mesh=mesh,
        compiler_params=pltpu.CompilerParams(use_tc_tiling_on_sc=False),
        scratch_types=[
            pltpu.VMEM_SHARED((H, B), jnp.float32),
            pltpu.VMEM((NCH, CHUNK), jnp.int32),
            pltpu.VMEM((NCH, CHUNK), jnp.int32),
            pltpu.VMEM((NCH * CHUNK,), jnp.float32),
            pltpu.VMEM((2, BUFR, B), jnp.float32),
            pltpu.VMEM((HP, B), jnp.float32),
            pltpu.SemaphoreType.DMA,
            pltpu.SemaphoreType.DMA,
            pltpu.SemaphoreType.DMA,
            pltpu.SemaphoreType.DMA,
        ],
    )
    def rnn(xb_hbm, cols_hbm, rows_hbm, vals_hbm, hs_hbm,
            acc_sh, cols_v, rows_v, vals_v, gbuf, pbuf,
            gsem0, gsem1, ssem0, ssem1):
        wid = lax.axis_index("s")
        rbase = wid * HP
        gsems = (gsem0, gsem1)
        ssems = (ssem0, ssem1)
        pltpu.sync_copy(cols_hbm.at[wid], cols_v)
        pltpu.sync_copy(rows_hbm.at[wid], rows_v)
        pltpu.sync_copy(vals_hbm.at[wid], vals_v)

        def gather_descs(t, s, b):
            hprev = hs_hbm.at[t - 1]
            for c in range(SCH):
                yield (hprev.at[cols_v.at[s * SCH + c]],
                       gbuf.at[b, pl.ds(c * CHUNK, CHUNK)], gsems[b])

        def scatter_descs(s, b):
            for c in range(SCH):
                yield (gbuf.at[b, pl.ds(c * CHUNK, CHUNK)],
                       acc_sh.at[rows_v.at[s * SCH + c]], ssems[b])

        def scale(s, b):
            @plsc.parallel_loop(0, BUFR // 16, unroll=2)
            def _grp(g):
                vals_vec = vals_v[pl.ds(s * BUFR + g * 16, 16)]
                for lane in range(16):
                    vv = jnp.full((16,), vals_vec[lane], jnp.float32)
                    r = g * 16 + lane
                    gbuf[b, r, :] = gbuf[b, r, :] * vv

        @pl.loop(0, T)
        def _step(t):
            @pl.when(t > 0)
            def _prefetch():
                for sd in gather_descs(t, 0, 0):
                    pltpu.async_copy(*sd)

            pltpu.sync_copy(xb_hbm.at[t, pl.ds(rbase, HP)],
                            acc_sh.at[pl.ds(rbase, HP)])
            plsc.subcore_barrier()

            @pl.when(t > 0)
            def _spmm():
                @pl.loop(0, NSUP, step=2)
                def _sup(s0):
                    for b in range(2):
                        s = s0 + b
                        nb = 1 - b

                        @pl.when(s >= 1)
                        def _drain_scatter():
                            for sd in scatter_descs(s, nb):
                                pltpu.make_async_copy(*sd).wait()

                        @pl.when(s + 1 < NSUP)
                        def _next_gather():
                            for sd in gather_descs(t, s + 1, nb):
                                pltpu.async_copy(*sd)

                        for sd in gather_descs(t, s, b):
                            pltpu.make_async_copy(*sd).wait()
                        scale(s, b)
                        for sd in scatter_descs(s, b):
                            pltpu.async_copy(*sd, add=True)

                for sd in scatter_descs(NSUP - 1, 1):
                    pltpu.make_async_copy(*sd).wait()

            plsc.subcore_barrier()

            pltpu.sync_copy(acc_sh.at[pl.ds(rbase, HP)], pbuf)

            @plsc.parallel_loop(0, HP, unroll=4)
            def _pw(i):
                v = pbuf[i, :]
                pbuf[i, :] = 1.0 / (1.0 + jnp.exp(-v))

            pltpu.sync_copy(pbuf, hs_hbm.at[t, pl.ds(rbase, HP)])
            plsc.subcore_barrier()

    return rnn


def kernel(x, hh_indices, hh_values, bias_hh):
    B, T, H = x.shape
    NNZ = hh_values.shape[0]
    per = -(-NNZ // NW)
    NSUP = -(-per // BUFR)
    NSUP += NSUP % 2
    cap = NW * NSUP * BUFR
    pad = cap - NNZ
    NCH = NSUP * SCH

    rows = jnp.concatenate([hh_indices[0], jnp.zeros((pad,), jnp.int32)])
    cols = jnp.concatenate([hh_indices[1], jnp.zeros((pad,), jnp.int32)])
    vals = jnp.concatenate([hh_values, jnp.zeros((pad,), jnp.float32)])
    rows = rows.reshape(NW, NCH, CHUNK)
    cols = cols.reshape(NW, NCH, CHUNK)
    vals = vals.reshape(NW, NCH * CHUNK)

    xb = jnp.transpose(x, (1, 2, 0)) + bias_hh[None]

    (hs,) = _build(T, H, B, NSUP)(xb, cols, rows, vals)
    return jnp.transpose(hs, (2, 0, 1))

# --- scband reference (transcript-rebuilt; emitter-appended) ---
"""Pipeline reference for scband-sparse-rnn-31860067401969 (READ-ONLY COPY).

The authoritative reference and input builder live on the scoring server;
editing this copy changes nothing except your own understanding.
"""

import jax, jax.numpy as jnp
import numpy as np

H = 16384
B = 16
T = 16
NNZ = 268435


def setup_inputs(seed: int = 0) -> dict:
    key = jax.random.key(seed)
    k1, k2, k3 = jax.random.split(key, 3)
    x = jax.random.normal(k1, (B, T, H), dtype=jnp.float32)
    # COO connectivity for hidden-to-hidden sparse weight (duplicates are fine:
    # scatter-add coalesces them, matching torch_sparse.coalesce semantics numerically)
    hh_indices = jax.random.randint(k2, (2, NNZ), 0, H, dtype=jnp.int32)
    hh_values = jax.random.normal(k3, (NNZ,), dtype=jnp.float32) * 0.05
    bias_hh = jnp.zeros((H, 1), dtype=jnp.float32)
    return {"x": x, "hh_indices": hh_indices, "hh_values": hh_values, "bias_hh": bias_hh}


def reference(x, hh_indices, hh_values, bias_hh):
    # SparseRNN forward: batch_first x (B, T, H).
    # ih = Identity (input_size == hidden_size, no connectivity_ih),
    # ho = Identity (output_size is None).
    rows = hh_indices[0]
    cols = hh_indices[1]

    def spmm(h):  # h: (H, B) -> (H, B); feature_dim=0 sparse linear
        gathered = hh_values[:, None] * jnp.take(h, cols, axis=0)
        return jax.ops.segment_sum(gathered, rows, num_segments=H)

    xs = jnp.transpose(x, (1, 2, 0))  # (T, H, B): features on dim 0 per step
    h0 = jnp.zeros((H, x.shape[0]), dtype=x.dtype)

    def step(h, x_t):
        pre = spmm(h) + bias_hh + x_t  # hh(h) + bias + ih(x_t)
        h_new = jax.nn.sigmoid(pre)
        return h_new, h_new

    _, hs = jax.lax.scan(step, h0, xs)  # (T, H, B)
    out = jnp.transpose(hs, (2, 0, 1))  # back to batch_first (B, T, H)
    return out

if __name__ == "__main__":
    import jax
    _d = setup_inputs()
    print(jax.jit(kernel)(*tuple(_d.values())))

</pallas_src>

<mosaic_0001>
#map = affine_map<(d0, d1) -> (0, 0, 0)>
#map1 = affine_map<(d0, d1) -> (0, 0)>
module attributes {stable_mosaic.version = 14 : i64} {
  func.func @rnn(%arg0: i32, %arg1: i32, %arg2: memref<16x16384x16xf32, #tpu.memory_space<hbm>>, %arg3: memref<16x132x128xi32, #tpu.memory_space<hbm>>, %arg4: memref<16x132x128xi32, #tpu.memory_space<hbm>>, %arg5: memref<16x16896xf32, #tpu.memory_space<hbm>>, %arg6: memref<16x16384x16xf32, #tpu.memory_space<hbm>>, %arg7: memref<16384x16xf32, #tpu.memory_space<vmem_shared>>, %arg8: memref<132x128xi32, #tpu.memory_space<vmem>>, %arg9: memref<132x128xi32, #tpu.memory_space<vmem>>, %arg10: memref<16896xf32, #tpu.memory_space<vmem>>, %arg11: memref<2x768x16xf32, #tpu.memory_space<vmem>>, %arg12: memref<1024x16xf32, #tpu.memory_space<vmem>>, %arg13: memref<!tpu.dma_semaphore, #tpu.memory_space<semaphore_mem>>, %arg14: memref<!tpu.dma_semaphore, #tpu.memory_space<semaphore_mem>>, %arg15: memref<!tpu.dma_semaphore, #tpu.memory_space<semaphore_mem>>, %arg16: memref<!tpu.dma_semaphore, #tpu.memory_space<semaphore_mem>>) attributes {dimension_semantics = [#tpu.dimension_semantics<core_parallel>, #tpu.dimension_semantics<subcore_parallel>], iteration_bounds = array<i64: 1, 16>, scalar_prefetch = 0 : i64, scratch_operands = 10 : i64, tpu.core_type = #tpu.core_type<sc_vector_subcore>, window_params = [{transform_indices = #map}, {transform_indices = #map}, {transform_indices = #map}, {transform_indices = #map1}, {transform_indices = #map}]} {
    %mul3A = arith.constant 1024 : i32
    %mul3A_0 = arith.muli %arg1, %mul3A : i32
    "tpu.region"() ({
      %run_scoped3A = tpu.sem_alloc : memref<!tpu.dma_semaphore, #tpu.memory_space<semaphore_mem>>
      %dma_start3A = arith.constant 0 : i32
      %dma_start3A_5 = arith.constant 0 : i32
      %dma_start3A_6 = tpu.memref_slice %arg3[%arg1, %dma_start3A, %dma_start3A_5] : memref<16x132x128xi32, #tpu.memory_space<hbm>> -> memref<1x132x128xi32, #tpu.memory_space<hbm>>
      %dma_start3A_7 = tpu.memref_squeeze %dma_start3A_6 : memref<1x132x128xi32, #tpu.memory_space<hbm>> -> memref<132x128xi32, #tpu.memory_space<hbm>>
      %dma_start3A_8 = arith.constant 0 : i32
      %dma_start3A_9 = arith.constant 0 : i32
      %dma_start3A_10 = tpu.memref_slice %arg3[%arg1, %dma_start3A_8, %dma_start3A_9] : memref<16x132x128xi32, #tpu.memory_space<hbm>> -> memref<1x132x128xi32, #tpu.memory_space<hbm>>
      %dma_start3A_11 = tpu.memref_squeeze %dma_start3A_10 : memref<1x132x128xi32, #tpu.memory_space<hbm>> -> memref<132x128xi32, #tpu.memory_space<hbm>>
      tpu.enqueue_dma source(%dma_start3A_11 : memref<132x128xi32, #tpu.memory_space<hbm>>) target(%arg8 : memref<132x128xi32, #tpu.memory_space<vmem>>) target_semaphore(%run_scoped3A : memref<!tpu.dma_semaphore, #tpu.memory_space<semaphore_mem>>)
      %dma_wait3A = arith.constant 0 : i32
      %dma_wait3A_12 = arith.constant 0 : i32
      %dma_wait3A_13 = tpu.memref_slice %arg3[%arg1, %dma_wait3A, %dma_wait3A_12] : memref<16x132x128xi32, #tpu.memory_space<hbm>> -> memref<1x132x128xi32, #tpu.memory_space<hbm>>
      %dma_wait3A_14 = tpu.memref_squeeze %dma_wait3A_13 : memref<1x132x128xi32, #tpu.memory_space<hbm>> -> memref<132x128xi32, #tpu.memory_space<hbm>>
      %dma_wait3A_15 = arith.constant 0 : i32
      %dma_wait3A_16 = arith.constant 0 : i32
      %dma_wait3A_17 = tpu.memref_slice %arg3[%arg1, %dma_wait3A_15, %dma_wait3A_16] : memref<16x132x128xi32, #tpu.memory_space<hbm>> -> memref<1x132x128xi32, #tpu.memory_space<hbm>>
      %dma_wait3A_18 = tpu.memref_squeeze %dma_wait3A_17 : memref<1x132x128xi32, #tpu.memory_space<hbm>> -> memref<132x128xi32, #tpu.memory_space<hbm>>
      tpu.wait_dma2 semaphore(%run_scoped3A : memref<!tpu.dma_semaphore, #tpu.memory_space<semaphore_mem>>) src(%dma_wait3A_18 : memref<132x128xi32, #tpu.memory_space<hbm>>) dst(%arg8 : memref<132x128xi32, #tpu.memory_space<vmem>>)
      tpu.yield
    }) : () -> ()
    "tpu.region"() ({
      %run_scoped3A = tpu.sem_alloc : memref<!tpu.dma_semaphore, #tpu.memory_space<semaphore_mem>>
      %dma_start3A = arith.constant 0 : i32
      %dma_start3A_5 = arith.constant 0 : i32
      %dma_start3A_6 = tpu.memref_slice %arg4[%arg1, %dma_start3A, %dma_start3A_5] : memref<16x132x128xi32, #tpu.memory_space<hbm>> -> memref<1x132x128xi32, #tpu.memory_space<hbm>>
      %dma_start3A_7 = tpu.memref_squeeze %dma_start3A_6 : memref<1x132x128xi32, #tpu.memory_space<hbm>> -> memref<132x128xi32, #tpu.memory_space<hbm>>
      %dma_start3A_8 = arith.constant 0 : i32
      %dma_start3A_9 = arith.constant 0 : i32
      %dma_start3A_10 = tpu.memref_slice %arg4[%arg1, %dma_start3A_8, %dma_start3A_9] : memref<16x132x128xi32, #tpu.memory_space<hbm>> -> memref<1x132x128xi32, #tpu.memory_space<hbm>>
      %dma_start3A_11 = tpu.memref_squeeze %dma_start3A_10 : memref<1x132x128xi32, #tpu.memory_space<hbm>> -> memref<132x128xi32, #tpu.memory_space<hbm>>
      tpu.enqueue_dma source(%dma_start3A_11 : memref<132x128xi32, #tpu.memory_space<hbm>>) target(%arg9 : memref<132x128xi32, #tpu.memory_space<vmem>>) target_semaphore(%run_scoped3A : memref<!tpu.dma_semaphore, #tpu.memory_space<semaphore_mem>>)
      %dma_wait3A = arith.constant 0 : i32
      %dma_wait3A_12 = arith.constant 0 : i32
      %dma_wait3A_13 = tpu.memref_slice %arg4[%arg1, %dma_wait3A, %dma_wait3A_12] : memref<16x132x128xi32, #tpu.memory_space<hbm>> -> memref<1x132x128xi32, #tpu.memory_space<hbm>>
      %dma_wait3A_14 = tpu.memref_squeeze %dma_wait3A_13 : memref<1x132x128xi32, #tpu.memory_space<hbm>> -> memref<132x128xi32, #tpu.memory_space<hbm>>
      %dma_wait3A_15 = arith.constant 0 : i32
      %dma_wait3A_16 = arith.constant 0 : i32
      %dma_wait3A_17 = tpu.memref_slice %arg4[%arg1, %dma_wait3A_15, %dma_wait3A_16] : memref<16x132x128xi32, #tpu.memory_space<hbm>> -> memref<1x132x128xi32, #tpu.memory_space<hbm>>
      %dma_wait3A_18 = tpu.memref_squeeze %dma_wait3A_17 : memref<1x132x128xi32, #tpu.memory_space<hbm>> -> memref<132x128xi32, #tpu.memory_space<hbm>>
      tpu.wait_dma2 semaphore(%run_scoped3A : memref<!tpu.dma_semaphore, #tpu.memory_space<semaphore_mem>>) src(%dma_wait3A_18 : memref<132x128xi32, #tpu.memory_space<hbm>>) dst(%arg9 : memref<132x128xi32, #tpu.memory_space<vmem>>)
      tpu.yield
    }) : () -> ()
    "tpu.region"() ({
      %run_scoped3A = tpu.sem_alloc : memref<!tpu.dma_semaphore, #tpu.memory_space<semaphore_mem>>
      %dma_start3A = arith.constant 0 : i32
      %dma_start3A_5 = tpu.memref_slice %arg5[%arg1, %dma_start3A] : memref<16x16896xf32, #tpu.memory_space<hbm>> -> memref<1x16896xf32, #tpu.memory_space<hbm>>
      %dma_start3A_6 = tpu.memref_squeeze %dma_start3A_5 : memref<1x16896xf32, #tpu.memory_space<hbm>> -> memref<16896xf32, #tpu.memory_space<hbm>>
      %dma_start3A_7 = arith.constant 0 : i32
      %dma_start3A_8 = tpu.memref_slice %arg5[%arg1, %dma_start3A_7] : memref<16x16896xf32, #tpu.memory_space<hbm>> -> memref<1x16896xf32, #tpu.memory_space<hbm>>
      %dma_start3A_9 = tpu.memref_squeeze %dma_start3A_8 : memref<1x16896xf32, #tpu.memory_space<hbm>> -> memref<16896xf32, #tpu.memory_space<hbm>>
      tpu.enqueue_dma source(%dma_start3A_9 : memref<16896xf32, #tpu.memory_space<hbm>>) target(%arg10 : memref<16896xf32, #tpu.memory_space<vmem>>) target_semaphore(%run_scoped3A : memref<!tpu.dma_semaphore, #tpu.memory_space<semaphore_mem>>)
      %dma_wait3A = arith.constant 0 : i32
      %dma_wait3A_10 = tpu.memref_slice %arg5[%arg1, %dma_wait3A] : memref<16x16896xf32, #tpu.memory_space<hbm>> -> memref<1x16896xf32, #tpu.memory_space<hbm>>
      %dma_wait3A_11 = tpu.memref_squeeze %dma_wait3A_10 : memref<1x16896xf32, #tpu.memory_space<hbm>> -> memref<16896xf32, #tpu.memory_space<hbm>>
      %dma_wait3A_12 = arith.constant 0 : i32
      %dma_wait3A_13 = tpu.memref_slice %arg5[%arg1, %dma_wait3A_12] : memref<16x16896xf32, #tpu.memory_space<hbm>> -> memref<1x16896xf32, #tpu.memory_space<hbm>>
      %dma_wait3A_14 = tpu.memref_squeeze %dma_wait3A_13 : memref<1x16896xf32, #tpu.memory_space<hbm>> -> memref<16896xf32, #tpu.memory_space<hbm>>
      tpu.wait_dma2 semaphore(%run_scoped3A : memref<!tpu.dma_semaphore, #tpu.memory_space<semaphore_mem>>) src(%dma_wait3A_14 : memref<16896xf32, #tpu.memory_space<hbm>>) dst(%arg10 : memref<16896xf32, #tpu.memory_space<vmem>>)
      tpu.yield
    }) : () -> ()
    %scan3A = arith.constant 0 : i32
    %scan3A_1 = arith.constant 16 : i32
    %scan3A_2 = arith.addi %scan3A, %scan3A_1 : i32
    %scan3A_3 = arith.constant 1 : i32
    scf.for %scan3A_5 = %scan3A to %scan3A_2 step %scan3A_3  : i32 {
      %mul3A_6 = arith.constant 1 : i32
      %mul3A_7 = arith.muli %scan3A_5, %mul3A_6 : i32
      %add3A = arith.constant 0 : i32
      %add3A_8 = arith.addi %add3A, %mul3A_7 : i32
      %gt3A = arith.constant 0 : i32
      %gt3A_9 = arith.cmpi sgt, %add3A_8, %gt3A : i32
      %convert_element_type3A = arith.extui %gt3A_9 : i1 to i32
      %cond3A = arith.constant 0 : i32
      %cond3A_10 = arith.cmpi ne, %convert_element_type3A, %cond3A : i32
      scf.if %cond3A_10 {
        %sub3A = arith.constant 1 : i32
        %sub3A_20 = arith.subi %add3A_8, %sub3A : i32
        %dma_start3A = arith.constant 0 : i32
        %dma_start3A_21 = arith.constant 0 : i32
        %dma_start3A_22 = arith.constant 0 : i32
        %dma_start3A_23 = arith.constant 0 : i32
        %dma_start3A_24 = tpu.memref_slice %arg11[%dma_start3A_21, %dma_start3A_22, %dma_start3A_23] : memref<2x768x16xf32, #tpu.memory_space<vmem>> -> memref<1x128x16xf32, #tpu.memory_space<vmem>>
        %dma_start3A_25 = tpu.memref_squeeze %dma_start3A_24 : memref<1x128x16xf32, #tpu.memory_space<vmem>> -> memref<128x16xf32, #tpu.memory_space<vmem>>
        %dma_start3A_26 = arith.constant 0 : i32
        %dma_start3A_27 = tpu.memref_slice %arg8[%dma_start3A, %dma_start3A_26] : memref<132x128xi32, #tpu.memory_space<vmem>> -> memref<1x128xi32, #tpu.memory_space<vmem>>
        %dma_start3A_28 = tpu.memref_squeeze %dma_start3A_27 : memref<1x128xi32, #tpu.memory_space<vmem>> -> memref<128xi32, #tpu.memory_space<vmem>>
        %dma_start3A_29 = arith.constant 0 : i32
        %dma_start3A_30 = arith.constant 0 : i32
        %dma_start3A_31 = tpu.memref_slice %arg6[%sub3A_20, %dma_start3A_29, %dma_start3A_30] : memref<16x16384x16xf32, #tpu.memory_space<hbm>> -> memref<1x16384x16xf32, #tpu.memory_space<hbm>>
        %dma_start3A_32 = tpu.memref_squeeze %dma_start3A_31 : memref<1x16384x16xf32, #tpu.memory_space<hbm>> -> memref<16384x16xf32, #tpu.memory_space<hbm>>
        %dma_start3A_33 = arith.constant 0 : i32
        %dma_start3A_34 = arith.constant 0 : i32
        %dma_start3A_35 = tpu.memref_slice %dma_start3A_32[%dma_start3A_33, %dma_start3A_34] : memref<16384x16xf32, #tpu.memory_space<hbm>> -> memref<16384x16xf32, #tpu.memory_space<hbm>>
        tpu.enqueue_indirect_dma source(%dma_start3A_35 : memref<16384x16xf32, #tpu.memory_space<hbm>>) target(%dma_start3A_25 : memref<128x16xf32, #tpu.memory_space<vmem>>) offsets(%dma_start3A_28 : memref<128xi32, #tpu.memory_space<vmem>>) semaphore(%arg13 : memref<!tpu.dma_semaphore, #tpu.memory_space<semaphore_mem>>)
        %dma_start3A_36 = arith.constant 1 : i32
        %dma_start3A_37 = arith.constant 0 : i32
        %dma_start3A_38 = arith.constant 128 : i32
        %dma_start3A_39 = arith.constant 0 : i32
        %dma_start3A_40 = tpu.memref_slice %arg11[%dma_start3A_37, %dma_start3A_38, %dma_start3A_39] : memref<2x768x16xf32, #tpu.memory_space<vmem>> -> memref<1x128x16xf32, #tpu.memory_space<vmem>>
        %dma_start3A_41 = tpu.memref_squeeze %dma_start3A_40 : memref<1x128x16xf32, #tpu.memory_space<vmem>> -> memref<128x16xf32, #tpu.memory_space<vmem>>
        %dma_start3A_42 = arith.constant 0 : i32
        %dma_start3A_43 = tpu.memref_slice %arg8[%dma_start3A_36, %dma_start3A_42] : memref<132x128xi32, #tpu.memory_space<vmem>> -> memref<1x128xi32, #tpu.memory_space<vmem>>
        %dma_start3A_44 = tpu.memref_squeeze %dma_start3A_43 : memref<1x128xi32, #tpu.memory_space<vmem>> -> memref<128xi32, #tpu.memory_space<vmem>>
        %dma_start3A_45 = arith.constant 0 : i32
        %dma_start3A_46 = arith.constant 0 : i32
        %dma_start3A_47 = tpu.memref_slice %arg6[%sub3A_20, %dma_start3A_45, %dma_start3A_46] : memref<16x16384x16xf32, #tpu.memory_space<hbm>> -> memref<1x16384x16xf32, #tpu.memory_space<hbm>>
        %dma_start3A_48 = tpu.memref_squeeze %dma_start3A_47 : memref<1x16384x16xf32, #tpu.memory_space<hbm>> -> memref<16384x16xf32, #tpu.memory_space<hbm>>
        %dma_start3A_49 = arith.constant 0 : i32
        %dma_start3A_50 = arith.constant 0 : i32
        %dma_start3A_51 = tpu.memref_slice %dma_start3A_48[%dma_start3A_49, %dma_start3A_50] : memref<16384x16xf32, #tpu.memory_space<hbm>> -> memref<16384x16xf32, #tpu.memory_space<hbm>>
        tpu.enqueue_indirect_dma source(%dma_start3A_51 : memref<16384x16xf32, #tpu.memory_space<hbm>>) target(%dma_start3A_41 : memref<128x16xf32, #tpu.memory_space<vmem>>) offsets(%dma_start3A_44 : memref<128xi32, #tpu.memory_space<vmem>>) semaphore(%arg13 : memref<!tpu.dma_semaphore, #tpu.memory_space<semaphore_mem>>)
        %dma_start3A_52 = arith.constant 2 : i32
        %dma_start3A_53 = arith.constant 0 : i32
        %dma_start3A_54 = arith.constant 256 : i32
        %dma_start3A_55 = arith.constant 0 : i32
        %dma_start3A_56 = tpu.memref_slice %arg11[%dma_start3A_53, %dma_start3A_54, %dma_start3A_55] : memref<2x768x16xf32, #tpu.memory_space<vmem>> -> memref<1x128x16xf32, #tpu.memory_space<vmem>>
        %dma_start3A_57 = tpu.memref_squeeze %dma_start3A_56 : memref<1x128x16xf32, #tpu.memory_space<vmem>> -> memref<128x16xf32, #tpu.memory_space<vmem>>
        %dma_start3A_58 = arith.constant 0 : i32
        %dma_start3A_59 = tpu.memref_slice %arg8[%dma_start3A_52, %dma_start3A_58] : memref<132x128xi32, #tpu.memory_space<vmem>> -> memref<1x128xi32, #tpu.memory_space<vmem>>
        %dma_start3A_60 = tpu.memref_squeeze %dma_start3A_59 : memref<1x128xi32, #tpu.memory_space<vmem>> -> memref<128xi32, #tpu.memory_space<vmem>>
        %dma_start3A_61 = arith.constant 0 : i32
        %dma_start3A_62 = arith.constant 0 : i32
        %dma_start3A_63 = tpu.memref_slice %arg6[%sub3A_20, %dma_start3A_61, %dma_start3A_62] : memref<16x16384x16xf32, #tpu.memory_space<hbm>> -> memref<1x16384x16xf32, #tpu.memory_space<hbm>>
        %dma_start3A_64 = tpu.memref_squeeze %dma_start3A_63 : memref<1x16384x16xf32, #tpu.memory_space<hbm>> -> memref<16384x16xf32, #tpu.memory_space<hbm>>
        %dma_start3A_65 = arith.constant 0 : i32
        %dma_start3A_66 = arith.constant 0 : i32
        %dma_start3A_67 = tpu.memref_slice %dma_start3A_64[%dma_start3A_65, %dma_start3A_66] : memref<16384x16xf32, #tpu.memory_space<hbm>> -> memref<16384x16xf32, #tpu.memory_space<hbm>>
        tpu.enqueue_indirect_dma source(%dma_start3A_67 : memref<16384x16xf32, #tpu.memory_space<hbm>>) target(%dma_start3A_57 : memref<128x16xf32, #tpu.memory_space<vmem>>) offsets(%dma_start3A_60 : memref<128xi32, #tpu.memory_space<vmem>>) semaphore(%arg13 : memref<!tpu.dma_semaphore, #tpu.memory_space<semaphore_mem>>)
        %dma_start3A_68 = arith.constant 3 : i32
        %dma_start3A_69 = arith.constant 0 : i32
        %dma_start3A_70 = arith.constant 384 : i32
        %dma_start3A_71 = arith.constant 0 : i32
        %dma_start3A_72 = tpu.memref_slice %arg11[%dma_start3A_69, %dma_start3A_70, %dma_start3A_71] : memref<2x768x16xf32, #tpu.memory_space<vmem>> -> memref<1x128x16xf32, #tpu.memory_space<vmem>>
        %dma_start3A_73 = tpu.memref_squeeze %dma_start3A_72 : memref<1x128x16xf32, #tpu.memory_space<vmem>> -> memref<128x16xf32, #tpu.memory_space<vmem>>
        %dma_start3A_74 = arith.constant 0 : i32
        %dma_start3A_75 = tpu.memref_slice %arg8[%dma_start3A_68, %dma_start3A_74] : memref<132x128xi32, #tpu.memory_space<vmem>> -> memref<1x128xi32, #tpu.memory_space<vmem>>
        %dma_start3A_76 = tpu.memref_squeeze %dma_start3A_75 : memref<1x128xi32, #tpu.memory_space<vmem>> -> memref<128xi32, #tpu.memory_space<vmem>>
        %dma_start3A_77 = arith.constant 0 : i32
        %dma_start3A_78 = arith.constant 0 : i32
        %dma_start3A_79 = tpu.memref_slice %arg6[%sub3A_20, %dma_start3A_77, %dma_start3A_78] : memref<16x16384x16xf32, #tpu.memory_space<hbm>> -> memref<1x16384x16xf32, #tpu.memory_space<hbm>>
        %dma_start3A_80 = tpu.memref_squeeze %dma_start3A_79 : memref<1x16384x16xf32, #tpu.memory_space<hbm>> -> memref<16384x16xf32, #tpu.memory_space<hbm>>
        %dma_start3A_81 = arith.constant 0 : i32
        %dma_start3A_82 = arith.constant 0 : i32
        %dma_start3A_83 = tpu.memref_slice %dma_start3A_80[%dma_start3A_81, %dma_start3A_82] : memref<16384x16xf32, #tpu.memory_space<hbm>> -> memref<16384x16xf32, #tpu.memory_space<hbm>>
        tpu.enqueue_indirect_dma source(%dma_start3A_83 : memref<16384x16xf32, #tpu.memory_space<hbm>>) target(%dma_start3A_73 : memref<128x16xf32, #tpu.memory_space<vmem>>) offsets(%dma_start3A_76 : memref<128xi32, #tpu.memory_space<vmem>>) semaphore(%arg13 : memref<!tpu.dma_semaphore, #tpu.memory_space<semaphore_mem>>)
        %dma_start3A_84 = arith.constant 4 : i32
        %dma_start3A_85 = arith.constant 0 : i32
        %dma_start3A_86 = arith.constant 512 : i32
        %dma_start3A_87 = arith.constant 0 : i32
        %dma_start3A_88 = tpu.memref_slice %arg11[%dma_start3A_85, %dma_start3A_86, %dma_start3A_87] : memref<2x768x16xf32, #tpu.memory_space<vmem>> -> memref<1x128x16xf32, #tpu.memory_space<vmem>>
        %dma_start3A_89 = tpu.memref_squeeze %dma_start3A_88 : memref<1x128x16xf32, #tpu.memory_space<vmem>> -> memref<128x16xf32, #tpu.memory_space<vmem>>
        %dma_start3A_90 = arith.constant 0 : i32
        %dma_start3A_91 = tpu.memref_slice %arg8[%dma_start3A_84, %dma_start3A_90] : memref<132x128xi32, #tpu.memory_space<vmem>> -> memref<1x128xi32, #tpu.memory_space<vmem>>
        %dma_start3A_92 = tpu.memref_squeeze %dma_start3A_91 : memref<1x128xi32, #tpu.memory_space<vmem>> -> memref<128xi32, #tpu.memory_space<vmem>>
        %dma_start3A_93 = arith.constant 0 : i32
        %dma_start3A_94 = arith.constant 0 : i32
        %dma_start3A_95 = tpu.memref_slice %arg6[%sub3A_20, %dma_start3A_93, %dma_start3A_94] : memref<16x16384x16xf32, #tpu.memory_space<hbm>> -> memref<1x16384x16xf32, #tpu.memory_space<hbm>>
        %dma_start3A_96 = tpu.memref_squeeze %dma_start3A_95 : memref<1x16384x16xf32, #tpu.memory_space<hbm>> -> memref<16384x16xf32, #tpu.memory_space<hbm>>
        %dma_start3A_97 = arith.constant 0 : i32
        %dma_start3A_98 = arith.constant 0 : i32
        %dma_start3A_99 = tpu.memref_slice %dma_start3A_96[%dma_start3A_97, %dma_start3A_98] : memref<16384x16xf32, #tpu.memory_space<hbm>> -> memref<16384x16xf32, #tpu.memory_space<hbm>>
        tpu.enqueue_indirect_dma source(%dma_start3A_99 : memref<16384x16xf32, #tpu.memory_space<hbm>>) target(%dma_start3A_89 : memref<128x16xf32, #tpu.memory_space<vmem>>) offsets(%dma_start3A_92 : memref<128xi32, #tpu.memory_space<vmem>>) semaphore(%arg13 : memref<!tpu.dma_semaphore, #tpu.memory_space<semaphore_mem>>)
        %dma_start3A_100 = arith.constant 5 : i32
        %dma_start3A_101 = arith.constant 0 : i32
        %dma_start3A_102 = arith.constant 640 : i32
        %dma_start3A_103 = arith.constant 0 : i32
        %dma_start3A_104 = tpu.memref_slice %arg11[%dma_start3A_101, %dma_start3A_102, %dma_start3A_103] : memref<2x768x16xf32, #tpu.memory_space<vmem>> -> memref<1x128x16xf32, #tpu.memory_space<vmem>>
        %dma_start3A_105 = tpu.memref_squeeze %dma_start3A_104 : memref<1x128x16xf32, #tpu.memory_space<vmem>> -> memref<128x16xf32, #tpu.memory_space<vmem>>
        %dma_start3A_106 = arith.constant 0 : i32
        %dma_start3A_107 = tpu.memref_slice %arg8[%dma_start3A_100, %dma_start3A_106] : memref<132x128xi32, #tpu.memory_space<vmem>> -> memref<1x128xi32, #tpu.memory_space<vmem>>
        %dma_start3A_108 = tpu.memref_squeeze %dma_start3A_107 : memref<1x128xi32, #tpu.memory_space<vmem>> -> memref<128xi32, #tpu.memory_space<vmem>>
        %dma_start3A_109 = arith.constant 0 : i32
        %dma_start3A_110 = arith.constant 0 : i32
        %dma_start3A_111 = tpu.memref_slice %arg6[%sub3A_20, %dma_start3A_109, %dma_start3A_110] : memref<16x16384x16xf32, #tpu.memory_space<hbm>> -> memref<1x16384x16xf32, #tpu.memory_space<hbm>>
        %dma_start3A_112 = tpu.memref_squeeze %dma_start3A_111 : memref<1x16384x16xf32, #tpu.memory_space<hbm>> -> memref<16384x16xf32, #tpu.memory_space<hbm>>
        %dma_start3A_113 = arith.constant 0 : i32
        %dma_start3A_114 = arith.constant 0 : i32
        %dma_start3A_115 = tpu.memref_slice %dma_start3A_112[%dma_start3A_113, %dma_start3A_114] : memref<16384x16xf32, #tpu.memory_space<hbm>> -> memref<16384x16xf32, #tpu.memory_space<hbm>>
        tpu.enqueue_indirect_dma source(%dma_start3A_115 : memref<16384x16xf32, #tpu.memory_space<hbm>>) target(%dma_start3A_105 : memref<128x16xf32, #tpu.memory_space<vmem>>) offsets(%dma_start3A_108 : memref<128xi32, #tpu.memory_space<vmem>>) semaphore(%arg13 : memref<!tpu.dma_semaphore, #tpu.memory_space<semaphore_mem>>)
      } else {
      }
      "tpu.region"() ({
        %run_scoped3A = tpu.sem_alloc : memref<!tpu.dma_semaphore, #tpu.memory_space<semaphore_mem>>
        %dma_start3A = arith.constant 0 : i32
        %dma_start3A_20 = tpu.memref_slice %arg7[%mul3A_0, %dma_start3A] : memref<16384x16xf32, #tpu.memory_space<vmem_shared>> -> memref<1024x16xf32, #tpu.memory_space<vmem_shared>>
        %dma_start3A_21 = arith.constant 0 : i32
        %dma_start3A_22 = tpu.memref_slice %arg2[%add3A_8, %mul3A_0, %dma_start3A_21] : memref<16x16384x16xf32, #tpu.memory_space<hbm>> -> memref<1x1024x16xf32, #tpu.memory_space<hbm>>
        %dma_start3A_23 = tpu.memref_squeeze %dma_start3A_22 : memref<1x1024x16xf32, #tpu.memory_space<hbm>> -> memref<1024x16xf32, #tpu.memory_space<hbm>>
        tpu.enqueue_dma source(%dma_start3A_23 : memref<1024x16xf32, #tpu.memory_space<hbm>>) target(%dma_start3A_20 : memref<1024x16xf32, #tpu.memory_space<vmem_shared>>) target_semaphore(%run_scoped3A : memref<!tpu.dma_semaphore, #tpu.memory_space<semaphore_mem>>)
        %dma_wait3A = arith.constant 0 : i32
        %dma_wait3A_24 = tpu.memref_slice %arg7[%mul3A_0, %dma_wait3A] : memref<16384x16xf32, #tpu.memory_space<vmem_shared>> -> memref<1024x16xf32, #tpu.memory_space<vmem_shared>>
        %dma_wait3A_25 = arith.constant 0 : i32
        %dma_wait3A_26 = tpu.memref_slice %arg2[%add3A_8, %mul3A_0, %dma_wait3A_25] : memref<16x16384x16xf32, #tpu.memory_space<hbm>> -> memref<1x1024x16xf32, #tpu.memory_space<hbm>>
        %dma_wait3A_27 = tpu.memref_squeeze %dma_wait3A_26 : memref<1x1024x16xf32, #tpu.memory_space<hbm>> -> memref<1024x16xf32, #tpu.memory_space<hbm>>
        tpu.wait_dma2 semaphore(%run_scoped3A : memref<!tpu.dma_semaphore, #tpu.memory_space<semaphore_mem>>) src(%dma_wait3A_27 : memref<1024x16xf32, #tpu.memory_space<hbm>>) dst(%dma_wait3A_24 : memref<1024x16xf32, #tpu.memory_space<vmem_shared>>)
        tpu.yield
      }) : () -> ()
      %barrier3A = arith.constant 0 : index
      tpu.barrier barrier_id(%barrier3A)
      %gt3A_11 = arith.constant 0 : i32
      %gt3A_12 = arith.cmpi sgt, %add3A_8, %gt3A_11 : i32
      %convert_element_type3A_13 = arith.extui %gt3A_12 : i1 to i32
      %cond3A_14 = arith.constant 0 : i32
      %cond3A_15 = arith.cmpi ne, %convert_element_type3A_13, %cond3A_14 : i32
      scf.if %cond3A_15 {
        %scan3A_20 = arith.constant 0 : i32
        %scan3A_21 = arith.constant 11 : i32
        %scan3A_22 = arith.addi %scan3A_20, %scan3A_21 : i32
        %scan3A_23 = arith.constant 1 : i32
        scf.for %scan3A_96 = %scan3A_20 to %scan3A_22 step %scan3A_23  : i32 {
          %mul3A_97 = arith.constant 2 : i32
          %mul3A_98 = arith.muli %scan3A_96, %mul3A_97 : i32
          %add3A_99 = arith.constant 0 : i32
          %add3A_100 = arith.addi %add3A_99, %mul3A_98 : i32
          %add3A_101 = arith.constant 0 : i32
          %add3A_102 = arith.addi %add3A_100, %add3A_101 : i32
          %ge3A = arith.constant 1 : i32
          %ge3A_103 = arith.cmpi sge, %add3A_102, %ge3A : i32
          %convert_element_type3A_104 = arith.extui %ge3A_103 : i1 to i32
          %cond3A_105 = arith.constant 0 : i32
          %cond3A_106 = arith.cmpi ne, %convert_element_type3A_104, %cond3A_105 : i32
          scf.if %cond3A_106 {
            %mul3A_543 = arith.constant 6 : i32
            %mul3A_544 = arith.muli %add3A_102, %mul3A_543 : i32
            %add3A_545 = arith.constant 0 : i32
            %add3A_546 = arith.addi %mul3A_544, %add3A_545 : i32
            %dma_wait3A_547 = arith.constant 1 : i32
            %dma_wait3A_548 = arith.constant 0 : i32
            %dma_wait3A_549 = arith.constant 0 : i32
            %dma_wait3A_550 = tpu.memref_slice %arg11[%dma_wait3A_547, %dma_wait3A_548, %dma_wait3A_549] : memref<2x768x16xf32, #tpu.memory_space<vmem>> -> memref<1x128x16xf32, #tpu.memory_space<vmem>>
            %dma_wait3A_551 = tpu.memref_squeeze %dma_wait3A_550 : memref<1x128x16xf32, #tpu.memory_space<vmem>> -> memref<128x16xf32, #tpu.memory_space<vmem>>
            %dma_wait3A_552 = arith.constant 0 : i32
            %dma_wait3A_553 = tpu.memref_slice %arg9[%add3A_546, %dma_wait3A_552] : memref<132x128xi32, #tpu.memory_space<vmem>> -> memref<1x128xi32, #tpu.memory_space<vmem>>
            %dma_wait3A_554 = tpu.memref_squeeze %dma_wait3A_553 : memref<1x128xi32, #tpu.memory_space<vmem>> -> memref<128xi32, #tpu.memory_space<vmem>>
            %dma_wait3A_555 = arith.constant 0 : i32
            %dma_wait3A_556 = arith.constant 0 : i32
            %dma_wait3A_557 = tpu.memref_slice %arg7[%dma_wait3A_555, %dma_wait3A_556] : memref<16384x16xf32, #tpu.memory_space<vmem_shared>> -> memref<16384x16xf32, #tpu.memory_space<vmem_shared>>
            tpu.wait_indirect_dma semaphore(%arg16 : memref<!tpu.dma_semaphore, #tpu.memory_space<semaphore_mem>>) src(%dma_wait3A_551 : memref<128x16xf32, #tpu.memory_space<vmem>>) dst(%dma_wait3A_557 : memref<16384x16xf32, #tpu.memory_space<vmem_shared>>)
            %mul3A_558 = arith.constant 6 : i32
            %mul3A_559 = arith.muli %add3A_102, %mul3A_558 : i32
            %add3A_560 = arith.constant 1 : i32
            %add3A_561 = arith.addi %mul3A_559, %add3A_560 : i32
            %dma_wait3A_562 = arith.constant 1 : i32
            %dma_wait3A_563 = arith.constant 128 : i32
            %dma_wait3A_564 = arith.constant 0 : i32
            %dma_wait3A_565 = tpu.memref_slice %arg11[%dma_wait3A_562, %dma_wait3A_563, %dma_wait3A_564] : memref<2x768x16xf32, #tpu.memory_space<vmem>> -> memref<1x128x16xf32, #tpu.memory_space<vmem>>
            %dma_wait3A_566 = tpu.memref_squeeze %dma_wait3A_565 : memref<1x128x16xf32, #tpu.memory_space<vmem>> -> memref<128x16xf32, #tpu.memory_space<vmem>>
            %dma_wait3A_567 = arith.constant 0 : i32
            %dma_wait3A_568 = tpu.memref_slice %arg9[%add3A_561, %dma_wait3A_567] : memref<132x128xi32, #tpu.memory_space<vmem>> -> memref<1x128xi32, #tpu.memory_space<vmem>>
            %dma_wait3A_569 = tpu.memref_squeeze %dma_wait3A_568 : memref<1x128xi32, #tpu.memory_space<vmem>> -> memref<128xi32, #tpu.memory_space<vmem>>
            %dma_wait3A_570 = arith.constant 0 : i32
            %dma_wait3A_571 = arith.constant 0 : i32
            %dma_wait3A_572 = tpu.memref_slice %arg7[%dma_wait3A_570, %dma_wait3A_571] : memref<16384x16xf32, #tpu.memory_space<vmem_shared>> -> memref<16384x16xf32, #tpu.memory_space<vmem_shared>>
            tpu.wait_indirect_dma semaphore(%arg16 : memref<!tpu.dma_semaphore, #tpu.memory_space<semaphore_mem>>) src(%dma_wait3A_566 : memref<128x16xf32, #tpu.memory_space<vmem>>) dst(%dma_wait3A_572 : memref<16384x16xf32, #tpu.memory_space<vmem_shared>>)
            %mul3A_573 = arith.constant 6 : i32
            %mul3A_574 = arith.muli %add3A_102, %mul3A_573 : i32
            %add3A_575 = arith.constant 2 : i32
            %add3A_576 = arith.addi %mul3A_574, %add3A_575 : i32
            %dma_wait3A_577 = arith.constant 1 : i32
            %dma_wait3A_578 = arith.constant 256 : i32
            %dma_wait3A_579 = arith.constant 0 : i32
            %dma_wait3A_580 = tpu.memref_slice %arg11[%dma_wait3A_577, %dma_wait3A_578, %dma_wait3A_579] : memref<2x768x16xf32, #tpu.memory_space<vmem>> -> memref<1x128x16xf32, #tpu.memory_space<vmem>>
            %dma_wait3A_581 = tpu.memref_squeeze %dma_wait3A_580 : memref<1x128x16xf32, #tpu.memory_space<vmem>> -> memref<128x16xf32, #tpu.memory_space<vmem>>
            %dma_wait3A_582 = arith.constant 0 : i32
            %dma_wait3A_583 = tpu.memref_slice %arg9[%add3A_576, %dma_wait3A_582] : memref<132x128xi32, #tpu.memory_space<vmem>> -> memref<1x128xi32, #tpu.memory_space<vmem>>
            %dma_wait3A_584 = tpu.memref_squeeze %dma_wait3A_583 : memref<1x128xi32, #tpu.memory_space<vmem>> -> memref<128xi32, #tpu.memory_space<vmem>>
            %dma_wait3A_585 = arith.constant 0 : i32
            %dma_wait3A_586 = arith.constant 0 : i32
            %dma_wait3A_587 = tpu.memref_slice %arg7[%dma_wait3A_585, %dma_wait3A_586] : memref<16384x16xf32, #tpu.memory_space<vmem_shared>> -> memref<16384x16xf32, #tpu.memory_space<vmem_shared>>
            tpu.wait_indirect_dma semaphore(%arg16 : memref<!tpu.dma_semaphore, #tpu.memory_space<semaphore_mem>>) src(%dma_wait3A_581 : memref<128x16xf32, #tpu.memory_space<vmem>>) dst(%dma_wait3A_587 : memref<16384x16xf32, #tpu.memory_space<vmem_shared>>)
            %mul3A_588 = arith.constant 6 : i32
            %mul3A_589 = arith.muli %add3A_102, %mul3A_588 : i32
            %add3A_590 = arith.constant 3 : i32
            %add3A_591 = arith.addi %mul3A_589, %add3A_590 : i32
            %dma_wait3A_592 = arith.constant 1 : i32
            %dma_wait3A_593 = arith.constant 384 : i32
            %dma_wait3A_594 = arith.constant 0 : i32
            %dma_wait3A_595 = tpu.memref_slice %arg11[%dma_wait3A_592, %dma_wait3A_593, %dma_wait3A_594] : memref<2x768x16xf32, #tpu.memory_space<vmem>> -> memref<1x128x16xf32, #tpu.memory_space<vmem>>
            %dma_wait3A_596 = tpu.memref_squeeze %dma_wait3A_595 : memref<1x128x16xf32, #tpu.memory_space<vmem>> -> memref<128x16xf32, #tpu.memory_space<vmem>>
            %dma_wait3A_597 = arith.constant 0 : i32
            %dma_wait3A_598 = tpu.memref_slice %arg9[%add3A_591, %dma_wait3A_597] : memref<132x128xi32, #tpu.memory_space<vmem>> -> memref<1x128xi32, #tpu.memory_space<vmem>>
            %dma_wait3A_599 = tpu.memref_squeeze %dma_wait3A_598 : memref<1x128xi32, #tpu.memory_space<vmem>> -> memref<128xi32, #tpu.memory_space<vmem>>
            %dma_wait3A_600 = arith.constant 0 : i32
            %dma_wait3A_601 = arith.constant 0 : i32
            %dma_wait3A_602 = tpu.memref_slice %arg7[%dma_wait3A_600, %dma_wait3A_601] : memref<16384x16xf32, #tpu.memory_space<vmem_shared>> -> memref<16384x16xf32, #tpu.memory_space<vmem_shared>>
            tpu.wait_indirect_dma semaphore(%arg16 : memref<!tpu.dma_semaphore, #tpu.memory_space<semaphore_mem>>) src(%dma_wait3A_596 : memref<128x16xf32, #tpu.memory_space<vmem>>) dst(%dma_wait3A_602 : memref<16384x16xf32, #tpu.memory_space<vmem_shared>>)
            %mul3A_603 = arith.constant 6 : i32
            %mul3A_604 = arith.muli %add3A_102, %mul3A_603 : i32
            %add3A_605 = arith.constant 4 : i32
            %add3A_606 = arith.addi %mul3A_604, %add3A_605 : i32
            %dma_wait3A_607 = arith.constant 1 : i32
            %dma_wait3A_608 = arith.constant 512 : i32
            %dma_wait3A_609 = arith.constant 0 : i32
            %dma_wait3A_610 = tpu.memref_slice %arg11[%dma_wait3A_607, %dma_wait3A_608, %dma_wait3A_609] : memref<2x768x16xf32, #tpu.memory_space<vmem>> -> memref<1x128x16xf32, #tpu.memory_space<vmem>>
            %dma_wait3A_611 = tpu.memref_squeeze %dma_wait3A_610 : memref<1x128x16xf32, #tpu.memory_space<vmem>> -> memref<128x16xf32, #tpu.memory_space<vmem>>
            %dma_wait3A_612 = arith.constant 0 : i32
            %dma_wait3A_613 = tpu.memref_slice %arg9[%add3A_606, %dma_wait3A_612] : memref<132x128xi32, #tpu.memory_space<vmem>> -> memref<1x128xi32, #tpu.memory_space<vmem>>
            %dma_wait3A_614 = tpu.memref_squeeze %dma_wait3A_613 : memref<1x128xi32, #tpu.memory_space<vmem>> -> memref<128xi32, #tpu.memory_space<vmem>>
            %dma_wait3A_615 = arith.constant 0 : i32
            %dma_wait3A_616 = arith.constant 0 : i32
            %dma_wait3A_617 = tpu.memref_slice %arg7[%dma_wait3A_615, %dma_wait3A_616] : memref<16384x16xf32, #tpu.memory_space<vmem_shared>> -> memref<16384x16xf32, #tpu.memory_space<vmem_shared>>
            tpu.wait_indirect_dma semaphore(%arg16 : memref<!tpu.dma_semaphore, #tpu.memory_space<semaphore_mem>>) src(%dma_wait3A_611 : memref<128x16xf32, #tpu.memory_space<vmem>>) dst(%dma_wait3A_617 : memref<16384x16xf32, #tpu.memory_space<vmem_shared>>)
            %mul3A_618 = arith.constant 6 : i32
            %mul3A_619 = arith.muli %add3A_102, %mul3A_618 : i32
            %add3A_620 = arith.constant 5 : i32
            %add3A_621 = arith.addi %mul3A_619, %add3A_620 : i32
            %dma_wait3A_622 = arith.constant 1 : i32
            %dma_wait3A_623 = arith.constant 640 : i32
            %dma_wait3A_624 = arith.constant 0 : i32
            %dma_wait3A_625 = tpu.memref_slice %arg11[%dma_wait3A_622, %dma_wait3A_623, %dma_wait3A_624] : memref<2x768x16xf32, #tpu.memory_space<vmem>> -> memref<1x128x16xf32, #tpu.memory_space<vmem>>
            %dma_wait3A_626 = tpu.memref_squeeze %dma_wait3A_625 : memref<1x128x16xf32, #tpu.memory_space<vmem>> -> memref<128x16xf32, #tpu.memory_space<vmem>>
            %dma_wait3A_627 = arith.constant 0 : i32
            %dma_wait3A_628 = tpu.memref_slice %arg9[%add3A_621, %dma_wait3A_627] : memref<132x128xi32, #tpu.memory_space<vmem>> -> memref<1x128xi32, #tpu.memory_space<vmem>>
            %dma_wait3A_629 = tpu.memref_squeeze %dma_wait3A_628 : memref<1x128xi32, #tpu.memory_space<vmem>> -> memref<128xi32, #tpu.memory_space<vmem>>
            %dma_wait3A_630 = arith.constant 0 : i32
            %dma_wait3A_631 = arith.constant 0 : i32
            %dma_wait3A_632 = tpu.memref_slice %arg7[%dma_wait3A_630, %dma_wait3A_631] : memref<16384x16xf32, #tpu.memory_space<vmem_shared>> -> memref<16384x16xf32, #tpu.memory_space<vmem_shared>>
            tpu.wait_indirect_dma semaphore(%arg16 : memref<!tpu.dma_semaphore, #tpu.memory_space<semaphore_mem>>) src(%dma_wait3A_626 : memref<128x16xf32, #tpu.memory_space<vmem>>) dst(%dma_wait3A_632 : memref<16384x16xf32, #tpu.memory_space<vmem_shared>>)
          } else {
          }
          %add3A_107 = arith.constant 1 : i32
          %add3A_108 = arith.addi %add3A_102, %add3A_107 : i32
          %lt3A = arith.constant 22 : i32
          %lt3A_109 = arith.cmpi slt, %add3A_108, %lt3A : i32
          %convert_element_type3A_110 = arith.extui %lt3A_109 : i1 to i32
          %cond3A_111 = arith.constant 0 : i32
          %cond3A_112 = arith.cmpi ne, %convert_element_type3A_110, %cond3A_111 : i32
          scf.if %cond3A_112 {
            %add3A_543 = arith.constant 1 : i32
            %add3A_544 = arith.addi %add3A_102, %add3A_543 : i32
            %sub3A_545 = arith.constant 1 : i32
            %sub3A_546 = arith.subi %add3A_8, %sub3A_545 : i32
            %mul3A_547 = arith.constant 6 : i32
            %mul3A_548 = arith.muli %add3A_544, %mul3A_547 : i32
            %add3A_549 = arith.constant 0 : i32
            %add3A_550 = arith.addi %mul3A_548, %add3A_549 : i32
            %dma_start3A_551 = arith.constant 1 : i32
            %dma_start3A_552 = arith.constant 0 : i32
            %dma_start3A_553 = arith.constant 0 : i32
            %dma_start3A_554 = tpu.memref_slice %arg11[%dma_start3A_551, %dma_start3A_552, %dma_start3A_553] : memref<2x768x16xf32, #tpu.memory_space<vmem>> -> memref<1x128x16xf32, #tpu.memory_space<vmem>>
            %dma_start3A_555 = tpu.memref_squeeze %dma_start3A_554 : memref<1x128x16xf32, #tpu.memory_space<vmem>> -> memref<128x16xf32, #tpu.memory_space<vmem>>
            %dma_start3A_556 = arith.constant 0 : i32
            %dma_start3A_557 = tpu.memref_slice %arg8[%add3A_550, %dma_start3A_556] : memref<132x128xi32, #tpu.memory_space<vmem>> -> memref<1x128xi32, #tpu.memory_space<vmem>>
            %dma_start3A_558 = tpu.memref_squeeze %dma_start3A_557 : memref<1x128xi32, #tpu.memory_space<vmem>> -> memref<128xi32, #tpu.memory_space<vmem>>
            %dma_start3A_559 = arith.constant 0 : i32
            %dma_start3A_560 = arith.constant 0 : i32
            %dma_start3A_561 = tpu.memref_slice %arg6[%sub3A_546, %dma_start3A_559, %dma_start3A_560] : memref<16x16384x16xf32, #tpu.memory_space<hbm>> -> memref<1x16384x16xf32, #tpu.memory_space<hbm>>
            %dma_start3A_562 = tpu.memref_squeeze %dma_start3A_561 : memref<1x16384x16xf32, #tpu.memory_space<hbm>> -> memref<16384x16xf32, #tpu.memory_space<hbm>>
            %dma_start3A_563 = arith.constant 0 : i32
            %dma_start3A_564 = arith.constant 0 : i32
            %dma_start3A_565 = tpu.memref_slice %dma_start3A_562[%dma_start3A_563, %dma_start3A_564] : memref<16384x16xf32, #tpu.memory_space<hbm>> -> memref<16384x16xf32, #tpu.memory_space<hbm>>
            tpu.enqueue_indirect_dma source(%dma_start3A_565 : memref<16384x16xf32, #tpu.memory_space<hbm>>) target(%dma_start3A_555 : memref<128x16xf32, #tpu.memory_space<vmem>>) offsets(%dma_start3A_558 : memref<128xi32, #tpu.memory_space<vmem>>) semaphore(%arg14 : memref<!tpu.dma_semaphore, #tpu.memory_space<semaphore_mem>>)
            %mul3A_566 = arith.constant 6 : i32
            %mul3A_567 = arith.muli %add3A_544, %mul3A_566 : i32
            %add3A_568 = arith.constant 1 : i32
            %add3A_569 = arith.addi %mul3A_567, %add3A_568 : i32
            %dma_start3A_570 = arith.constant 1 : i32
            %dma_start3A_571 = arith.constant 128 : i32
            %dma_start3A_572 = arith.constant 0 : i32
            %dma_start3A_573 = tpu.memref_slice %arg11[%dma_start3A_570, %dma_start3A_571, %dma_start3A_572] : memref<2x768x16xf32, #tpu.memory_space<vmem>> -> memref<1x128x16xf32, #tpu.memory_space<vmem>>
            %dma_start3A_574 = tpu.memref_squeeze %dma_start3A_573 : memref<1x128x16xf32, #tpu.memory_space<vmem>> -> memref<128x16xf32, #tpu.memory_space<vmem>>
            %dma_start3A_575 = arith.constant 0 : i32
            %dma_start3A_576 = tpu.memref_slice %arg8[%add3A_569, %dma_start3A_575] : memref<132x128xi32, #tpu.memory_space<vmem>> -> memref<1x128xi32, #tpu.memory_space<vmem>>
            %dma_start3A_577 = tpu.memref_squeeze %dma_start3A_576 : memref<1x128xi32, #tpu.memory_space<vmem>> -> memref<128xi32, #tpu.memory_space<vmem>>
            %dma_start3A_578 = arith.constant 0 : i32
            %dma_start3A_579 = arith.constant 0 : i32
            %dma_start3A_580 = tpu.memref_slice %arg6[%sub3A_546, %dma_start3A_578, %dma_start3A_579] : memref<16x16384x16xf32, #tpu.memory_space<hbm>> -> memref<1x16384x16xf32, #tpu.memory_space<hbm>>
            %dma_start3A_581 = tpu.memref_squeeze %dma_start3A_580 : memref<1x16384x16xf32, #tpu.memory_space<hbm>> -> memref<16384x16xf32, #tpu.memory_space<hbm>>
            %dma_start3A_582 = arith.constant 0 : i32
            %dma_start3A_583 = arith.constant 0 : i32
            %dma_start3A_584 = tpu.memref_slice %dma_start3A_581[%dma_start3A_582, %dma_start3A_583] : memref<16384x16xf32, #tpu.memory_space<hbm>> -> memref<16384x16xf32, #tpu.memory_space<hbm>>
            tpu.enqueue_indirect_dma source(%dma_start3A_584 : memref<16384x16xf32, #tpu.memory_space<hbm>>) target(%dma_start3A_574 : memref<128x16xf32, #tpu.memory_space<vmem>>) offsets(%dma_start3A_577 : memref<128xi32, #tpu.memory_space<vmem>>) semaphore(%arg14 : memref<!tpu.dma_semaphore, #tpu.memory_space<semaphore_mem>>)
            %mul3A_585 = arith.constant 6 : i32
            %mul3A_586 = arith.muli %add3A_544, %mul3A_585 : i32
            %add3A_587 = arith.constant 2 : i32
            %add3A_588 = arith.addi %mul3A_586, %add3A_587 : i32
            %dma_start3A_589 = arith.constant 1 : i32
            %dma_start3A_590 = arith.constant 256 : i32
            %dma_start3A_591 = arith.constant 0 : i32
            %dma_start3A_592 = tpu.memref_slice %arg11[%dma_start3A_589, %dma_start3A_590, %dma_start3A_591] : memref<2x768x16xf32, #tpu.memory_space<vmem>> -> memref<1x128x16xf32, #tpu.memory_space<vmem>>
            %dma_start3A_593 = tpu.memref_squeeze %dma_start3A_592 : memref<1x128x16xf32, #tpu.memory_space<vmem>> -> memref<128x16xf32, #tpu.memory_space<vmem>>
            %dma_start3A_594 = arith.constant 0 : i32
            %dma_start3A_595 = tpu.memref_slice %arg8[%add3A_588, %dma_start3A_594] : memref<132x128xi32, #tpu.memory_space<vmem>> -> memref<1x128xi32, #tpu.memory_space<vmem>>
            %dma_start3A_596 = tpu.memref_squeeze %dma_start3A_595 : memref<1x128xi32, #tpu.memory_space<vmem>> -> memref<128xi32, #tpu.memory_space<vmem>>
            %dma_start3A_597 = arith.constant 0 : i32
            %dma_start3A_598 = arith.constant 0 : i32
            %dma_start3A_599 = tpu.memref_slice %arg6[%sub3A_546, %dma_start3A_597, %dma_start3A_598] : memref<16x16384x16xf32, #tpu.memory_space<hbm>> -> memref<1x16384x16xf32, #tpu.memory_space<hbm>>
            %dma_start3A_600 = tpu.memref_squeeze %dma_start3A_599 : memref<1x16384x16xf32, #tpu.memory_space<hbm>> -> memref<16384x16xf32, #tpu.memory_space<hbm>>
            %dma_start3A_601 = arith.constant 0 : i32
            %dma_start3A_602 = arith.constant 0 : i32
            %dma_start3A_603 = tpu.memref_slice %dma_start3A_600[%dma_start3A_601, %dma_start3A_602] : memref<16384x16xf32, #tpu.memory_space<hbm>> -> memref<16384x16xf32, #tpu.memory_space<hbm>>
            tpu.enqueue_indirect_dma source(%dma_start3A_603 : memref<16384x16xf32, #tpu.memory_space<hbm>>) target(%dma_start3A_593 : memref<128x16xf32, #tpu.memory_space<vmem>>) offsets(%dma_start3A_596 : memref<128xi32, #tpu.memory_space<vmem>>) semaphore(%arg14 : memref<!tpu.dma_semaphore, #tpu.memory_space<semaphore_mem>>)
            %mul3A_604 = arith.constant 6 : i32
            %mul3A_605 = arith.muli %add3A_544, %mul3A_604 : i32
            %add3A_606 = arith.constant 3 : i32
            %add3A_607 = arith.addi %mul3A_605, %add3A_606 : i32
            %dma_start3A_608 = arith.constant 1 : i32
            %dma_start3A_609 = arith.constant 384 : i32
            %dma_start3A_610 = arith.constant 0 : i32
            %dma_start3A_611 = tpu.memref_slice %arg11[%dma_start3A_608, %dma_start3A_609, %dma_start3A_610] : memref<2x768x16xf32, #tpu.memory_space<vmem>> -> memref<1x128x16xf32, #tpu.memory_space<vmem>>
            %dma_start3A_612 = tpu.memref_squeeze %dma_start3A_611 : memref<1x128x16xf32, #tpu.memory_space<vmem>> -> memref<128x16xf32, #tpu.memory_space<vmem>>
            %dma_start3A_613 = arith.constant 0 : i32
            %dma_start3A_614 = tpu.memref_slice %arg8[%add3A_607, %dma_start3A_613] : memref<132x128xi32, #tpu.memory_space<vmem>> -> memref<1x128xi32, #tpu.memory_space<vmem>>
            %dma_start3A_615 = tpu.memref_squeeze %dma_start3A_614 : memref<1x128xi32, #tpu.memory_space<vmem>> -> memref<128xi32, #tpu.memory_space<vmem>>
            %dma_start3A_616 = arith.constant 0 : i32
            %dma_start3A_617 = arith.constant 0 : i32
            %dma_start3A_618 = tpu.memref_slice %arg6[%sub3A_546, %dma_start3A_616, %dma_start3A_617] : memref<16x16384x16xf32, #tpu.memory_space<hbm>> -> memref<1x16384x16xf32, #tpu.memory_space<hbm>>
            %dma_start3A_619 = tpu.memref_squeeze %dma_start3A_618 : memref<1x16384x16xf32, #tpu.memory_space<hbm>> -> memref<16384x16xf32, #tpu.memory_space<hbm>>
            %dma_start3A_620 = arith.constant 0 : i32
            %dma_start3A_621 = arith.constant 0 : i32
            %dma_start3A_622 = tpu.memref_slice %dma_start3A_619[%dma_start3A_620, %dma_start3A_621] : memref<16384x16xf32, #tpu.memory_space<hbm>> -> memref<16384x16xf32, #tpu.memory_space<hbm>>
            tpu.enqueue_indirect_dma source(%dma_start3A_622 : memref<16384x16xf32, #tpu.memory_space<hbm>>) target(%dma_start3A_612 : memref<128x16xf32, #tpu.memory_space<vmem>>) offsets(%dma_start3A_615 : memref<128xi32, #tpu.memory_space<vmem>>) semaphore(%arg14 : memref<!tpu.dma_semaphore, #tpu.memory_space<semaphore_mem>>)
            %mul3A_623 = arith.constant 6 : i32
            %mul3A_624 = arith.muli %add3A_544, %mul3A_623 : i32
            %add3A_625 = arith.constant 4 : i32
            %add3A_626 = arith.addi %mul3A_624, %add3A_625 : i32
            %dma_start3A_627 = arith.constant 1 : i32
            %dma_start3A_628 = arith.constant 512 : i32
            %dma_start3A_629 = arith.constant 0 : i32
            %dma_start3A_630 = tpu.memref_slice %arg11[%dma_start3A_627, %dma_start3A_628, %dma_start3A_629] : memref<2x768x16xf32, #tpu.memory_space<vmem>> -> memref<1x128x16xf32, #tpu.memory_space<vmem>>
            %dma_start3A_631 = tpu.memref_squeeze %dma_start3A_630 : memref<1x128x16xf32, #tpu.memory_space<vmem>> -> memref<128x16xf32, #tpu.memory_space<vmem>>
            %dma_start3A_632 = arith.constant 0 : i32
            %dma_start3A_633 = tpu.memref_slice %arg8[%add3A_626, %dma_start3A_632] : memref<132x128xi32, #tpu.memory_space<vmem>> -> memref<1x128xi32, #tpu.memory_space<vmem>>
            %dma_start3A_634 = tpu.memref_squeeze %dma_start3A_633 : memref<1x128xi32, #tpu.memory_space<vmem>> -> memref<128xi32, #tpu.memory_space<vmem>>
            %dma_start3A_635 = arith.constant 0 : i32
            %dma_start3A_636 = arith.constant 0 : i32
            %dma_start3A_637 = tpu.memref_slice %arg6[%sub3A_546, %dma_start3A_635, %dma_start3A_636] : memref<16x16384x16xf32, #tpu.memory_space<hbm>> -> memref<1x16384x16xf32, #tpu.memory_space<hbm>>
            %dma_start3A_638 = tpu.memref_squeeze %dma_start3A_637 : memref<1x16384x16xf32, #tpu.memory_space<hbm>> -> memref<16384x16xf32, #tpu.memory_space<hbm>>
            %dma_start3A_639 = arith.constant 0 : i32
            %dma_start3A_640 = arith.constant 0 : i32
            %dma_start3A_641 = tpu.memref_slice %dma_start3A_638[%dma_start3A_639, %dma_start3A_640] : memref<16384x16xf32, #tpu.memory_space<hbm>> -> memref<16384x16xf32, #tpu.memory_space<hbm>>
            tpu.enqueue_indirect_dma source(%dma_start3A_641 : memref<16384x16xf32, #tpu.memory_space<hbm>>) target(%dma_start3A_631 : memref<128x16xf32, #tpu.memory_space<vmem>>) offsets(%dma_start3A_634 : memref<128xi32, #tpu.memory_space<vmem>>) semaphore(%arg14 : memref<!tpu.dma_semaphore, #tpu.memory_space<semaphore_mem>>)
            %mul3A_642 = arith.constant 6 : i32
            %mul3A_643 = arith.muli %add3A_544, %mul3A_642 : i32
            %add3A_644 = arith.constant 5 : i32
            %add3A_645 = arith.addi %mul3A_643, %add3A_644 : i32
            %dma_start3A_646 = arith.constant 1 : i32
            %dma_start3A_647 = arith.constant 640 : i32
            %dma_start3A_648 = arith.constant 0 : i32
            %dma_start3A_649 = tpu.memref_slice %arg11[%dma_start3A_646, %dma_start3A_647, %dma_start3A_648] : memref<2x768x16xf32, #tpu.memory_space<vmem>> -> memref<1x128x16xf32, #tpu.memory_space<vmem>>
            %dma_start3A_650 = tpu.memref_squeeze %dma_start3A_649 : memref<1x128x16xf32, #tpu.memory_space<vmem>> -> memref<128x16xf32, #tpu.memory_space<vmem>>
            %dma_start3A_651 = arith.constant 0 : i32
            %dma_start3A_652 = tpu.memref_slice %arg8[%add3A_645, %dma_start3A_651] : memref<132x128xi32, #tpu.memory_space<vmem>> -> memref<1x128xi32, #tpu.memory_space<vmem>>
            %dma_start3A_653 = tpu.memref_squeeze %dma_start3A_652 : memref<1x128xi32, #tpu.memory_space<vmem>> -> memref<128xi32, #tpu.memory_space<vmem>>
            %dma_start3A_654 = arith.constant 0 : i32
            %dma_start3A_655 = arith.constant 0 : i32
            %dma_start3A_656 = tpu.memref_slice %arg6[%sub3A_546, %dma_start3A_654, %dma_start3A_655] : memref<16x16384x16xf32, #tpu.memory_space<hbm>> -> memref<1x16384x16xf32, #tpu.memory_space<hbm>>
            %dma_start3A_657 = tpu.memref_squeeze %dma_start3A_656 : memref<1x16384x16xf32, #tpu.memory_space<hbm>> -> memref<16384x16xf32, #tpu.memory_space<hbm>>
            %dma_start3A_658 = arith.constant 0 : i32
            %dma_start3A_659 = arith.constant 0 : i32
            %dma_start3A_660 = tpu.memref_slice %dma_start3A_657[%dma_start3A_658, %dma_start3A_659] : memref<16384x16xf32, #tpu.memory_space<hbm>> -> memref<16384x16xf32, #tpu.memory_space<hbm>>
            tpu.enqueue_indirect_dma source(%dma_start3A_660 : memref<16384x16xf32, #tpu.memory_space<hbm>>) target(%dma_start3A_650 : memref<128x16xf32, #tpu.memory_space<vmem>>) offsets(%dma_start3A_653 : memref<128xi32, #tpu.memory_space<vmem>>) semaphore(%arg14 : memref<!tpu.dma_semaphore, #tpu.memory_space<semaphore_mem>>)
          } else {
          }
          %sub3A = arith.constant 1 : i32
          %sub3A_113 = arith.subi %add3A_8, %sub3A : i32
          %mul3A_114 = arith.constant 6 : i32
          %mul3A_115 = arith.muli %add3A_102, %mul3A_114 : i32
          %add3A_116 = arith.constant 0 : i32
          %add3A_117 = arith.addi %mul3A_115, %add3A_116 : i32
          %dma_wait3A_118 = arith.constant 0 : i32
          %dma_wait3A_119 = arith.constant 0 : i32
          %dma_wait3A_120 = arith.constant 0 : i32
          %dma_wait3A_121 = tpu.memref_slice %arg11[%dma_wait3A_118, %dma_wait3A_119, %dma_wait3A_120] : memref<2x768x16xf32, #tpu.memory_space<vmem>> -> memref<1x128x16xf32, #tpu.memory_space<vmem>>
          %dma_wait3A_122 = tpu.memref_squeeze %dma_wait3A_121 : memref<1x128x16xf32, #tpu.memory_space<vmem>> -> memref<128x16xf32, #tpu.memory_space<vmem>>
          %dma_wait3A_123 = arith.constant 0 : i32
          %dma_wait3A_124 = tpu.memref_slice %arg8[%add3A_117, %dma_wait3A_123] : memref<132x128xi32, #tpu.memory_space<vmem>> -> memref<1x128xi32, #tpu.memory_space<vmem>>
          %dma_wait3A_125 = tpu.memref_squeeze %dma_wait3A_124 : memref<1x128xi32, #tpu.memory_space<vmem>> -> memref<128xi32, #tpu.memory_space<vmem>>
          %dma_wait3A_126 = arith.constant 0 : i32
          %dma_wait3A_127 = arith.constant 0 : i32
          %dma_wait3A_128 = tpu.memref_slice %arg6[%sub3A_113, %dma_wait3A_126, %dma_wait3A_127] : memref<16x16384x16xf32, #tpu.memory_space<hbm>> -> memref<1x16384x16xf32, #tpu.memory_space<hbm>>
          %dma_wait3A_129 = tpu.memref_squeeze %dma_wait3A_128 : memref<1x16384x16xf32, #tpu.memory_space<hbm>> -> memref<16384x16xf32, #tpu.memory_space<hbm>>
          %dma_wait3A_130 = arith.constant 0 : i32
          %dma_wait3A_131 = arith.constant 0 : i32
          %dma_wait3A_132 = tpu.memref_slice %dma_wait3A_129[%dma_wait3A_130, %dma_wait3A_131] : memref<16384x16xf32, #tpu.memory_space<hbm>> -> memref<16384x16xf32, #tpu.memory_space<hbm>>
          tpu.wait_indirect_dma semaphore(%arg13 : memref<!tpu.dma_semaphore, #tpu.memory_space<semaphore_mem>>) src(%dma_wait3A_132 : memref<16384x16xf32, #tpu.memory_space<hbm>>) dst(%dma_wait3A_122 : memref<128x16xf32, #tpu.memory_space<vmem>>)
          %mul3A_133 = arith.constant 6 : i32
          %mul3A_134 = arith.muli %add3A_102, %mul3A_133 : i32
          %add3A_135 = arith.constant 1 : i32
          %add3A_136 = arith.addi %mul3A_134, %add3A_135 : i32
          %dma_wait3A_137 = arith.constant 0 : i32
          %dma_wait3A_138 = arith.constant 128 : i32
          %dma_wait3A_139 = arith.constant 0 : i32
          %dma_wait3A_140 = tpu.memref_slice %arg11[%dma_wait3A_137, %dma_wait3A_138, %dma_wait3A_139] : memref<2x768x16xf32, #tpu.memory_space<vmem>> -> memref<1x128x16xf32, #tpu.memory_space<vmem>>
          %dma_wait3A_141 = tpu.memref_squeeze %dma_wait3A_140 : memref<1x128x16xf32, #tpu.memory_space<vmem>> -> memref<128x16xf32, #tpu.memory_space<vmem>>
          %dma_wait3A_142 = arith.constant 0 : i32
          %dma_wait3A_143 = tpu.memref_slice %arg8[%add3A_136, %dma_wait3A_142] : memref<132x128xi32, #tpu.memory_space<vmem>> -> memref<1x128xi32, #tpu.memory_space<vmem>>
          %dma_wait3A_144 = tpu.memref_squeeze %dma_wait3A_143 : memref<1x128xi32, #tpu.memory_space<vmem>> -> memref<128xi32, #tpu.memory_space<vmem>>
          %dma_wait3A_145 = arith.constant 0 : i32
          %dma_wait3A_146 = arith.constant 0 : i32
          %dma_wait3A_147 = tpu.memref_slice %arg6[%sub3A_113, %dma_wait3A_145, %dma_wait3A_146] : memref<16x16384x16xf32, #tpu.memory_space<hbm>> -> memref<1x16384x16xf32, #tpu.memory_space<hbm>>
          %dma_wait3A_148 = tpu.memref_squeeze %dma_wait3A_147 : memref<1x16384x16xf32, #tpu.memory_space<hbm>> -> memref<16384x16xf32, #tpu.memory_space<hbm>>
          %dma_wait3A_149 = arith.constant 0 : i32
          %dma_wait3A_150 = arith.constant 0 : i32
          %dma_wait3A_151 = tpu.memref_slice %dma_wait3A_148[%dma_wait3A_149, %dma_wait3A_150] : memref<16384x16xf32, #tpu.memory_space<hbm>> -> memref<16384x16xf32, #tpu.memory_space<hbm>>
          tpu.wait_indirect_dma semaphore(%arg13 : memref<!tpu.dma_semaphore, #tpu.memory_space<semaphore_mem>>) src(%dma_wait3A_151 : memref<16384x16xf32, #tpu.memory_space<hbm>>) dst(%dma_wait3A_141 : memref<128x16xf32, #tpu.memory_space<vmem>>)
          %mul3A_152 = arith.constant 6 : i32
          %mul3A_153 = arith.muli %add3A_102, %mul3A_152 : i32
          %add3A_154 = arith.constant 2 : i32
          %add3A_155 = arith.addi %mul3A_153, %add3A_154 : i32
          %dma_wait3A_156 = arith.constant 0 : i32
          %dma_wait3A_157 = arith.constant 256 : i32
          %dma_wait3A_158 = arith.constant 0 : i32
          %dma_wait3A_159 = tpu.memref_slice %arg11[%dma_wait3A_156, %dma_wait3A_157, %dma_wait3A_158] : memref<2x768x16xf32, #tpu.memory_space<vmem>> -> memref<1x128x16xf32, #tpu.memory_space<vmem>>
          %dma_wait3A_160 = tpu.memref_squeeze %dma_wait3A_159 : memref<1x128x16xf32, #tpu.memory_space<vmem>> -> memref<128x16xf32, #tpu.memory_space<vmem>>
          %dma_wait3A_161 = arith.constant 0 : i32
          %dma_wait3A_162 = tpu.memref_slice %arg8[%add3A_155, %dma_wait3A_161] : memref<132x128xi32, #tpu.memory_space<vmem>> -> memref<1x128xi32, #tpu.memory_space<vmem>>
          %dma_wait3A_163 = tpu.memref_squeeze %dma_wait3A_162 : memref<1x128xi32, #tpu.memory_space<vmem>> -> memref<128xi32, #tpu.memory_space<vmem>>
          %dma_wait3A_164 = arith.constant 0 : i32
          %dma_wait3A_165 = arith.constant 0 : i32
          %dma_wait3A_166 = tpu.memref_slice %arg6[%sub3A_113, %dma_wait3A_164, %dma_wait3A_165] : memref<16x16384x16xf32, #tpu.memory_space<hbm>> -> memref<1x16384x16xf32, #tpu.memory_space<hbm>>
          %dma_wait3A_167 = tpu.memref_squeeze %dma_wait3A_166 : memref<1x16384x16xf32, #tpu.memory_space<hbm>> -> memref<16384x16xf32, #tpu.memory_space<hbm>>
          %dma_wait3A_168 = arith.constant 0 : i32
          %dma_wait3A_169 = arith.constant 0 : i32
          %dma_wait3A_170 = tpu.memref_slice %dma_wait3A_167[%dma_wait3A_168, %dma_wait3A_169] : memref<16384x16xf32, #tpu.memory_space<hbm>> -> memref<16384x16xf32, #tpu.memory_space<hbm>>
          tpu.wait_indirect_dma semaphore(%arg13 : memref<!tpu.dma_semaphore, #tpu.memory_space<semaphore_mem>>) src(%dma_wait3A_170 : memref<16384x16xf32, #tpu.memory_space<hbm>>) dst(%dma_wait3A_160 : memref<128x16xf32, #tpu.memory_space<vmem>>)
          %mul3A_171 = arith.constant 6 : i32
          %mul3A_172 = arith.muli %add3A_102, %mul3A_171 : i32
          %add3A_173 = arith.constant 3 : i32
          %add3A_174 = arith.addi %mul3A_172, %add3A_173 : i32
          %dma_wait3A_175 = arith.constant 0 : i32
          %dma_wait3A_176 = arith.constant 384 : i32
          %dma_wait3A_177 = arith.constant 0 : i32
          %dma_wait3A_178 = tpu.memref_slice %arg11[%dma_wait3A_175, %dma_wait3A_176, %dma_wait3A_177] : memref<2x768x16xf32, #tpu.memory_space<vmem>> -> memref<1x128x16xf32, #tpu.memory_space<vmem>>
          %dma_wait3A_179 = tpu.memref_squeeze %dma_wait3A_178 : memref<1x128x16xf32, #tpu.memory_space<vmem>> -> memref<128x16xf32, #tpu.memory_space<vmem>>
          %dma_wait3A_180 = arith.constant 0 : i32
          %dma_wait3A_181 = tpu.memref_slice %arg8[%add3A_174, %dma_wait3A_180] : memref<132x128xi32, #tpu.memory_space<vmem>> -> memref<1x128xi32, #tpu.memory_space<vmem>>
          %dma_wait3A_182 = tpu.memref_squeeze %dma_wait3A_181 : memref<1x128xi32, #tpu.memory_space<vmem>> -> memref<128xi32, #tpu.memory_space<vmem>>
          %dma_wait3A_183 = arith.constant 0 : i32
          %dma_wait3A_184 = arith.constant 0 : i32
          %dma_wait3A_185 = tpu.memref_slice %arg6[%sub3A_113, %dma_wait3A_183, %dma_wait3A_184] : memref<16x16384x16xf32, #tpu.memory_space<hbm>> -> memref<1x16384x16xf32, #tpu.memory_space<hbm>>
          %dma_wait3A_186 = tpu.memref_squeeze %dma_wait3A_185 : memref<1x16384x16xf32, #tpu.memory_space<hbm>> -> memref<16384x16xf32, #tpu.memory_space<hbm>>
          %dma_wait3A_187 = arith.constant 0 : i32
          %dma_wait3A_188 = arith.constant 0 : i32
          %dma_wait3A_189 = tpu.memref_slice %dma_wait3A_186[%dma_wait3A_187, %dma_wait3A_188] : memref<16384x16xf32, #tpu.memory_space<hbm>> -> memref<16384x16xf32, #tpu.memory_space<hbm>>
          tpu.wait_indirect_dma semaphore(%arg13 : memref<!tpu.dma_semaphore, #tpu.memory_space<semaphore_mem>>) src(%dma_wait3A_189 : memref<16384x16xf32, #tpu.memory_space<hbm>>) dst(%dma_wait3A_179 : memref<128x16xf32, #tpu.memory_space<vmem>>)
          %mul3A_190 = arith.constant 6 : i32
          %mul3A_191 = arith.muli %add3A_102, %mul3A_190 : i32
          %add3A_192 = arith.constant 4 : i32
          %add3A_193 = arith.addi %mul3A_191, %add3A_192 : i32
          %dma_wait3A_194 = arith.constant 0 : i32
          %dma_wait3A_195 = arith.constant 512 : i32
          %dma_wait3A_196 = arith.constant 0 : i32
          %dma_wait3A_197 = tpu.memref_slice %arg11[%dma_wait3A_194, %dma_wait3A_195, %dma_wait3A_196] : memref<2x768x16xf32, #tpu.memory_space<vmem>> -> memref<1x128x16xf32, #tpu.memory_space<vmem>>
          %dma_wait3A_198 = tpu.memref_squeeze %dma_wait3A_197 : memref<1x128x16xf32, #tpu.memory_space<vmem>> -> memref<128x16xf32, #tpu.memory_space<vmem>>
          %dma_wait3A_199 = arith.constant 0 : i32
          %dma_wait3A_200 = tpu.memref_slice %arg8[%add3A_193, %dma_wait3A_199] : memref<132x128xi32, #tpu.memory_space<vmem>> -> memref<1x128xi32, #tpu.memory_space<vmem>>
          %dma_wait3A_201 = tpu.memref_squeeze %dma_wait3A_200 : memref<1x128xi32, #tpu.memory_space<vmem>> -> memref<128xi32, #tpu.memory_space<vmem>>
          %dma_wait3A_202 = arith.constant 0 : i32
          %dma_wait3A_203 = arith.constant 0 : i32
          %dma_wait3A_204 = tpu.memref_slice %arg6[%sub3A_113, %dma_wait3A_202, %dma_wait3A_203] : memref<16x16384x16xf32, #tpu.memory_space<hbm>> -> memref<1x16384x16xf32, #tpu.memory_space<hbm>>
          %dma_wait3A_205 = tpu.memref_squeeze %dma_wait3A_204 : memref<1x16384x16xf32, #tpu.memory_space<hbm>> -> memref<16384x16xf32, #tpu.memory_space<hbm>>
          %dma_wait3A_206 = arith.constant 0 : i32
          %dma_wait3A_207 = arith.constant 0 : i32
          %dma_wait3A_208 = tpu.memref_slice %dma_wait3A_205[%dma_wait3A_206, %dma_wait3A_207] : memref<16384x16xf32, #tpu.memory_space<hbm>> -> memref<16384x16xf32, #tpu.memory_space<hbm>>
          tpu.wait_indirect_dma semaphore(%arg13 : memref<!tpu.dma_semaphore, #tpu.memory_space<semaphore_mem>>) src(%dma_wait3A_208 : memref<16384x16xf32, #tpu.memory_space<hbm>>) dst(%dma_wait3A_198 : memref<128x16xf32, #tpu.memory_space<vmem>>)
          %mul3A_209 = arith.constant 6 : i32
          %mul3A_210 = arith.muli %add3A_102, %mul3A_209 : i32
          %add3A_211 = arith.constant 5 : i32
          %add3A_212 = arith.addi %mul3A_210, %add3A_211 : i32
          %dma_wait3A_213 = arith.constant 0 : i32
          %dma_wait3A_214 = arith.constant 640 : i32
          %dma_wait3A_215 = arith.constant 0 : i32
          %dma_wait3A_216 = tpu.memref_slice %arg11[%dma_wait3A_213, %dma_wait3A_214, %dma_wait3A_215] : memref<2x768x16xf32, #tpu.memory_space<vmem>> -> memref<1x128x16xf32, #tpu.memory_space<vmem>>
          %dma_wait3A_217 = tpu.memref_squeeze %dma_wait3A_216 : memref<1x128x16xf32, #tpu.memory_space<vmem>> -> memref<128x16xf32, #tpu.memory_space<vmem>>
          %dma_wait3A_218 = arith.constant 0 : i32
          %dma_wait3A_219 = tpu.memref_slice %arg8[%add3A_212, %dma_wait3A_218] : memref<132x128xi32, #tpu.memory_space<vmem>> -> memref<1x128xi32, #tpu.memory_space<vmem>>
          %dma_wait3A_220 = tpu.memref_squeeze %dma_wait3A_219 : memref<1x128xi32, #tpu.memory_space<vmem>> -> memref<128xi32, #tpu.memory_space<vmem>>
          %dma_wait3A_221 = arith.constant 0 : i32
          %dma_wait3A_222 = arith.constant 0 : i32
          %dma_wait3A_223 = tpu.memref_slice %arg6[%sub3A_113, %dma_wait3A_221, %dma_wait3A_222] : memref<16x16384x16xf32, #tpu.memory_space<hbm>> -> memref<1x16384x16xf32, #tpu.memory_space<hbm>>
          %dma_wait3A_224 = tpu.memref_squeeze %dma_wait3A_223 : memref<1x16384x16xf32, #tpu.memory_space<hbm>> -> memref<16384x16xf32, #tpu.memory_space<hbm>>
          %dma_wait3A_225 = arith.constant 0 : i32
          %dma_wait3A_226 = arith.constant 0 : i32
          %dma_wait3A_227 = tpu.memref_slice %dma_wait3A_224[%dma_wait3A_225, %dma_wait3A_226] : memref<16384x16xf32, #tpu.memory_space<hbm>> -> memref<16384x16xf32, #tpu.memory_space<hbm>>
          tpu.wait_indirect_dma semaphore(%arg13 : memref<!tpu.dma_semaphore, #tpu.memory_space<semaphore_mem>>) src(%dma_wait3A_227 : memref<16384x16xf32, #tpu.memory_space<hbm>>) dst(%dma_wait3A_217 : memref<128x16xf32, #tpu.memory_space<vmem>>)
          %parallel_loop3A_228 = arith.constant 0 : i32
          %parallel_loop3A_229 = arith.constant 48 : i32
          %parallel_loop3A_230 = arith.constant 1 : i32
          scf.for %parallel_loop3A_543 = %parallel_loop3A_228 to %parallel_loop3A_229 step %parallel_loop3A_230  : i32 {
            %parallel_loop3A_544 = arith.constant 768 : i32
            %parallel_loop3A_545 = arith.muli %add3A_102, %parallel_loop3A_544 : i32
            %parallel_loop3A_546 = arith.constant 16 : i32
            %parallel_loop3A_547 = arith.muli %parallel_loop3A_543, %parallel_loop3A_546 : i32
            %parallel_loop3A_548 = arith.addi %parallel_loop3A_545, %parallel_loop3A_547 : i32
            %parallel_loop3A_549 = arith.index_cast %parallel_loop3A_548 : i32 to index
            %parallel_loop3A_550 = tpu.vector_load %arg10[%parallel_loop3A_549] {strides = array<i32>} : memref<16896xf32, #tpu.memory_space<vmem>>, vector<16xf32>,
            %parallel_loop3A_551 = vector.shape_cast %parallel_loop3A_550 : vector<16xf32> to vector<16xf32>
            %parallel_loop3A_552 = vector.extract_strided_slice %parallel_loop3A_551 {offsets = [0], sizes = [1], strides = [1]} : vector<16xf32> to vector<1xf32>
            %parallel_loop3A_553 = vector.extract %parallel_loop3A_552[0] : f32 from vector<1xf32>
            %parallel_loop3A_554 = vector.broadcast %parallel_loop3A_553 : f32 to vector<16xf32>
            %parallel_loop3A_555 = arith.constant 16 : i32
            %parallel_loop3A_556 = arith.muli %parallel_loop3A_543, %parallel_loop3A_555 : i32
            %parallel_loop3A_557 = arith.constant 0 : i32
            %parallel_loop3A_558 = arith.addi %parallel_loop3A_556, %parallel_loop3A_557 : i32
            %parallel_loop3A_559 = arith.constant 0 : i32
            %parallel_loop3A_560 = arith.index_cast %parallel_loop3A_559 : i32 to index
            %parallel_loop3A_561 = arith.index_cast %parallel_loop3A_558 : i32 to index
            %parallel_loop3A_562 = arith.constant 0 : index
            %parallel_loop3A_563 = tpu.vector_load %arg11[%parallel_loop3A_560, %parallel_loop3A_561, %parallel_loop3A_562] {strides = array<i32>} : memref<2x768x16xf32, #tpu.memory_space<vmem>>, vector<1x1x16xf32>,
            %parallel_loop3A_564 = vector.shape_cast %parallel_loop3A_563 : vector<1x1x16xf32> to vector<16xf32>
            %parallel_loop3A_565 = arith.mulf %parallel_loop3A_564, %parallel_loop3A_554 : vector<16xf32>
            %parallel_loop3A_566 = arith.constant 0 : i32
            %parallel_loop3A_567 = arith.index_cast %parallel_loop3A_566 : i32 to index
            %parallel_loop3A_568 = arith.index_cast %parallel_loop3A_558 : i32 to index
            %parallel_loop3A_569 = arith.constant 0 : index
            %parallel_loop3A_570 = tpu.vector_load %arg11[%parallel_loop3A_567, %parallel_loop3A_568, %parallel_loop3A_569] {strides = array<i32>} : memref<2x768x16xf32, #tpu.memory_space<vmem>>, vector<1x1x16xf32>,
            %parallel_loop3A_571 = vector.shape_cast %parallel_loop3A_570 : vector<1x1x16xf32> to vector<16xf32>
            %parallel_loop3A_572 = vector.shape_cast %parallel_loop3A_565 : vector<16xf32> to vector<1x1x16xf32>
            tpu.vector_store %arg11[%parallel_loop3A_567, %parallel_loop3A_568, %parallel_loop3A_569], %parallel_loop3A_572 {strides = array<i32>} : memref<2x768x16xf32, #tpu.memory_space<vmem>>, vector<1x1x16xf32>,
            %parallel_loop3A_573 = vector.extract_strided_slice %parallel_loop3A_551 {offsets = [1], sizes = [1], strides = [1]} : vector<16xf32> to vector<1xf32>
            %parallel_loop3A_574 = vector.extract %parallel_loop3A_573[0] : f32 from vector<1xf32>
            %parallel_loop3A_575 = vector.broadcast %parallel_loop3A_574 : f32 to vector<16xf32>
            %parallel_loop3A_576 = arith.constant 16 : i32
            %parallel_loop3A_577 = arith.muli %parallel_loop3A_543, %parallel_loop3A_576 : i32
            %parallel_loop3A_578 = arith.constant 1 : i32
            %parallel_loop3A_579 = arith.addi %parallel_loop3A_577, %parallel_loop3A_578 : i32
            %parallel_loop3A_580 = arith.constant 0 : i32
            %parallel_loop3A_581 = arith.index_cast %parallel_loop3A_580 : i32 to index
            %parallel_loop3A_582 = arith.index_cast %parallel_loop3A_579 : i32 to index
            %parallel_loop3A_583 = arith.constant 0 : index
            %parallel_loop3A_584 = tpu.vector_load %arg11[%parallel_loop3A_581, %parallel_loop3A_582, %parallel_loop3A_583] {strides = array<i32>} : memref<2x768x16xf32, #tpu.memory_space<vmem>>, vector<1x1x16xf32>,
            %parallel_loop3A_585 = vector.shape_cast %parallel_loop3A_584 : vector<1x1x16xf32> to vector<16xf32>
            %parallel_loop3A_586 = arith.mulf %parallel_loop3A_585, %parallel_loop3A_575 : vector<16xf32>
            %parallel_loop3A_587 = arith.constant 0 : i32
            %parallel_loop3A_588 = arith.index_cast %parallel_loop3A_587 : i32 to index
            %parallel_loop3A_589 = arith.index_cast %parallel_loop3A_579 : i32 to index
            %parallel_loop3A_590 = arith.constant 0 : index
            %parallel_loop3A_591 = tpu.vector_load %arg11[%parallel_loop3A_588, %parallel_loop3A_589, %parallel_loop3A_590] {strides = array<i32>} : memref<2x768x16xf32, #tpu.memory_space<vmem>>, vector<1x1x16xf32>,
            %parallel_loop3A_592 = vector.shape_cast %parallel_loop3A_591 : vector<1x1x16xf32> to vector<16xf32>
            %parallel_loop3A_593 = vector.shape_cast %parallel_loop3A_586 : vector<16xf32> to vector<1x1x16xf32>
            tpu.vector_store %arg11[%parallel_loop3A_588, %parallel_loop3A_589, %parallel_loop3A_590], %parallel_loop3A_593 {strides = array<i32>} : memref<2x768x16xf32, #tpu.memory_space<vmem>>, vector<1x1x16xf32>,
            %parallel_loop3A_594 = vector.extract_strided_slice %parallel_loop3A_551 {offsets = [2], sizes = [1], strides = [1]} : vector<16xf32> to vector<1xf32>
            %parallel_loop3A_595 = vector.extract %parallel_loop3A_594[0] : f32 from vector<1xf32>
            %parallel_loop3A_596 = vector.broadcast %parallel_loop3A_595 : f32 to vector<16xf32>
            %parallel_loop3A_597 = arith.constant 16 : i32
            %parallel_loop3A_598 = arith.muli %parallel_loop3A_543, %parallel_loop3A_597 : i32
            %parallel_loop3A_599 = arith.constant 2 : i32
            %parallel_loop3A_600 = arith.addi %parallel_loop3A_598, %parallel_loop3A_599 : i32
            %parallel_loop3A_601 = arith.constant 0 : i32
            %parallel_loop3A_602 = arith.index_cast %parallel_loop3A_601 : i32 to index
            %parallel_loop3A_603 = arith.index_cast %parallel_loop3A_600 : i32 to index
            %parallel_loop3A_604 = arith.constant 0 : index
            %parallel_loop3A_605 = tpu.vector_load %arg11[%parallel_loop3A_602, %parallel_loop3A_603, %parallel_loop3A_604] {strides = array<i32>} : memref<2x768x16xf32, #tpu.memory_space<vmem>>, vector<1x1x16xf32>,
            %parallel_loop3A_606 = vector.shape_cast %parallel_loop3A_605 : vector<1x1x16xf32> to vector<16xf32>
            %parallel_loop3A_607 = arith.mulf %parallel_loop3A_606, %parallel_loop3A_596 : vector<16xf32>
            %parallel_loop3A_608 = arith.constant 0 : i32
            %parallel_loop3A_609 = arith.index_cast %parallel_loop3A_608 : i32 to index
            %parallel_loop3A_610 = arith.index_cast %parallel_loop3A_600 : i32 to index
            %parallel_loop3A_611 = arith.constant 0 : index
            %parallel_loop3A_612 = tpu.vector_load %arg11[%parallel_loop3A_609, %parallel_loop3A_610, %parallel_loop3A_611] {strides = array<i32>} : memref<2x768x16xf32, #tpu.memory_space<vmem>>, vector<1x1x16xf32>,
            %parallel_loop3A_613 = vector.shape_cast %parallel_loop3A_612 : vector<1x1x16xf32> to vector<16xf32>
            %parallel_loop3A_614 = vector.shape_cast %parallel_loop3A_607 : vector<16xf32> to vector<1x1x16xf32>
            tpu.vector_store %arg11[%parallel_loop3A_609, %parallel_loop3A_610, %parallel_loop3A_611], %parallel_loop3A_614 {strides = array<i32>} : memref<2x768x16xf32, #tpu.memory_space<vmem>>, vector<1x1x16xf32>,
            %parallel_loop3A_615 = vector.extract_strided_slice %parallel_loop3A_551 {offsets = [3], sizes = [1], strides = [1]} : vector<16xf32> to vector<1xf32>
            %parallel_loop3A_616 = vector.extract %parallel_loop3A_615[0] : f32 from vector<1xf32>
            %parallel_loop3A_617 = vector.broadcast %parallel_loop3A_616 : f32 to vector<16xf32>
            %parallel_loop3A_618 = arith.constant 16 : i32
            %parallel_loop3A_619 = arith.muli %parallel_loop3A_543, %parallel_loop3A_618 : i32
            %parallel_loop3A_620 = arith.constant 3 : i32
            %parallel_loop3A_621 = arith.addi %parallel_loop3A_619, %parallel_loop3A_620 : i32
            %parallel_loop3A_622 = arith.constant 0 : i32
            %parallel_loop3A_623 = arith.index_cast %parallel_loop3A_622 : i32 to index
            %parallel_loop3A_624 = arith.index_cast %parallel_loop3A_621 : i32 to index
            %parallel_loop3A_625 = arith.constant 0 : index
            %parallel_loop3A_626 = tpu.vector_load %arg11[%parallel_loop3A_623, %parallel_loop3A_624, %parallel_loop3A_625] {strides = array<i32>} : memref<2x768x16xf32, #tpu.memory_space<vmem>>, vector<1x1x16xf32>,
            %parallel_loop3A_627 = vector.shape_cast %parallel_loop3A_626 : vector<1x1x16xf32> to vector<16xf32>
            %parallel_loop3A_628 = arith.mulf %parallel_loop3A_627, %parallel_loop3A_617 : vector<16xf32>
            %parallel_loop3A_629 = arith.constant 0 : i32
            %parallel_loop3A_630 = arith.index_cast %parallel_loop3A_629 : i32 to index
            %parallel_loop3A_631 = arith.index_cast %parallel_loop3A_621 : i32 to index
            %parallel_loop3A_632 = arith.constant 0 : index
            %parallel_loop3A_633 = tpu.vector_load %arg11[%parallel_loop3A_630, %parallel_loop3A_631, %parallel_loop3A_632] {strides = array<i32>} : memref<2x768x16xf32, #tpu.memory_space<vmem>>, vector<1x1x16xf32>,
            %parallel_loop3A_634 = vector.shape_cast %parallel_loop3A_633 : vector<1x1x16xf32> to vector<16xf32>
            %parallel_loop3A_635 = vector.shape_cast %parallel_loop3A_628 : vector<16xf32> to vector<1x1x16xf32>
            tpu.vector_store %arg11[%parallel_loop3A_630, %parallel_loop3A_631, %parallel_loop3A_632], %parallel_loop3A_635 {strides = array<i32>} : memref<2x768x16xf32, #tpu.memory_space<vmem>>, vector<1x1x16xf32>,
            %parallel_loop3A_636 = vector.extract_strided_slice %parallel_loop3A_551 {offsets = [4], sizes = [1], strides = [1]} : vector<16xf32> to vector<1xf32>
            %parallel_loop3A_637 = vector.extract %parallel_loop3A_636[0] : f32 from vector<1xf32>
            %parallel_loop3A_638 = vector.broadcast %parallel_loop3A_637 : f32 to vector<16xf32>
            %parallel_loop3A_639 = arith.constant 16 : i32
            %parallel_loop3A_640 = arith.muli %parallel_loop3A_543, %parallel_loop3A_639 : i32
            %parallel_loop3A_641 = arith.constant 4 : i32
            %parallel_loop3A_642 = arith.addi %parallel_loop3A_640, %parallel_loop3A_641 : i32
            %parallel_loop3A_643 = arith.constant 0 : i32
            %parallel_loop3A_644 = arith.index_cast %parallel_loop3A_643 : i32 to index
            %parallel_loop3A_645 = arith.index_cast %parallel_loop3A_642 : i32 to index
            %parallel_loop3A_646 = arith.constant 0 : index
            %parallel_loop3A_647 = tpu.vector_load %arg11[%parallel_loop3A_644, %parallel_loop3A_645, %parallel_loop3A_646] {strides = array<i32>} : memref<2x768x16xf32, #tpu.memory_space<vmem>>, vector<1x1x16xf32>,
            %parallel_loop3A_648 = vector.shape_cast %parallel_loop3A_647 : vector<1x1x16xf32> to vector<16xf32>
            %parallel_loop3A_649 = arith.mulf %parallel_loop3A_648, %parallel_loop3A_638 : vector<16xf32>
            %parallel_loop3A_650 = arith.constant 0 : i32
            %parallel_loop3A_651 = arith.index_cast %parallel_loop3A_650 : i32 to index
            %parallel_loop3A_652 = arith.index_cast %parallel_loop3A_642 : i32 to index
            %parallel_loop3A_653 = arith.constant 0 : index
            %parallel_loop3A_654 = tpu.vector_load %arg11[%parallel_loop3A_651, %parallel_loop3A_652, %parallel_loop3A_653] {strides = array<i32>} : memref<2x768x16xf32, #tpu.memory_space<vmem>>, vector<1x1x16xf32>,
            %parallel_loop3A_655 = vector.shape_cast %parallel_loop3A_654 : vector<1x1x16xf32> to vector<16xf32>
            %parallel_loop3A_656 = vector.shape_cast %parallel_loop3A_649 : vector<16xf32> to vector<1x1x16xf32>
            tpu.vector_store %arg11[%parallel_loop3A_651, %parallel_loop3A_652, %parallel_loop3A_653], %parallel_loop3A_656 {strides = array<i32>} : memref<2x768x16xf32, #tpu.memory_space<vmem>>, vector<1x1x16xf32>,
            %parallel_loop3A_657 = vector.extract_strided_slice %parallel_loop3A_551 {offsets = [5], sizes = [1], strides = [1]} : vector<16xf32> to vector<1xf32>
            %parallel_loop3A_658 = vector.extract %parallel_loop3A_657[0] : f32 from vector<1xf32>
            %parallel_loop3A_659 = vector.broadcast %parallel_loop3A_658 : f32 to vector<16xf32>
            %parallel_loop3A_660 = arith.constant 16 : i32
            %parallel_loop3A_661 = arith.muli %parallel_loop3A_543, %parallel_loop3A_660 : i32
            %parallel_loop3A_662 = arith.constant 5 : i32
            %parallel_loop3A_663 = arith.addi %parallel_loop3A_661, %parallel_loop3A_662 : i32
            %parallel_loop3A_664 = arith.constant 0 : i32
            %parallel_loop3A_665 = arith.index_cast %parallel_loop3A_664 : i32 to index
            %parallel_loop3A_666 = arith.index_cast %parallel_loop3A_663 : i32 to index
            %parallel_loop3A_667 = arith.constant 0 : index
            %parallel_loop3A_668 = tpu.vector_load %arg11[%parallel_loop3A_665, %parallel_loop3A_666, %parallel_loop3A_667] {strides = array<i32>} : memref<2x768x16xf32, #tpu.memory_space<vmem>>, vector<1x1x16xf32>,
            %parallel_loop3A_669 = vector.shape_cast %parallel_loop3A_668 : vector<1x1x16xf32> to vector<16xf32>
            %parallel_loop3A_670 = arith.mulf %parallel_loop3A_669, %parallel_loop3A_659 : vector<16xf32>
            %parallel_loop3A_671 = arith.constant 0 : i32
            %parallel_loop3A_672 = arith.index_cast %parallel_loop3A_671 : i32 to index
            %parallel_loop3A_673 = arith.index_cast %parallel_loop3A_663 : i32 to index
            %parallel_loop3A_674 = arith.constant 0 : index
            %parallel_loop3A_675 = tpu.vector_load %arg11[%parallel_loop3A_672, %parallel_loop3A_673, %parallel_loop3A_674] {strides = array<i32>} : memref<2x768x16xf32, #tpu.memory_space<vmem>>, vector<1x1x16xf32>,
            %parallel_loop3A_676 = vector.shape_cast %parallel_loop3A_675 : vector<1x1x16xf32> to vector<16xf32>
            %parallel_loop3A_677 = vector.shape_cast %parallel_loop3A_670 : vector<16xf32> to vector<1x1x16xf32>
            tpu.vector_store %arg11[%parallel_loop3A_672, %parallel_loop3A_673, %parallel_loop3A_674], %parallel_loop3A_677 {strides = array<i32>} : memref<2x768x16xf32, #tpu.memory_space<vmem>>, vector<1x1x16xf32>,
            %parallel_loop3A_678 = vector.extract_strided_slice %parallel_loop3A_551 {offsets = [6], sizes = [1], strides = [1]} : vector<16xf32> to vector<1xf32>
            %parallel_loop3A_679 = vector.extract %parallel_loop3A_678[0] : f32 from vector<1xf32>
            %parallel_loop3A_680 = vector.broadcast %parallel_loop3A_679 : f32 to vector<16xf32>
            %parallel_loop3A_681 = arith.constant 16 : i32
            %parallel_loop3A_682 = arith.muli %parallel_loop3A_543, %parallel_loop3A_681 : i32
            %parallel_loop3A_683 = arith.constant 6 : i32
            %parallel_loop3A_684 = arith.addi %parallel_loop3A_682, %parallel_loop3A_683 : i32
            %parallel_loop3A_685 = arith.constant 0 : i32
            %parallel_loop3A_686 = arith.index_cast %parallel_loop3A_685 : i32 to index
            %parallel_loop3A_687 = arith.index_cast %parallel_loop3A_684 : i32 to index
            %parallel_loop3A_688 = arith.constant 0 : index
            %parallel_loop3A_689 = tpu.vector_load %arg11[%parallel_loop3A_686, %parallel_loop3A_687, %parallel_loop3A_688] {strides = array<i32>} : memref<2x768x16xf32, #tpu.memory_space<vmem>>, vector<1x1x16xf32>,
            %parallel_loop3A_690 = vector.shape_cast %parallel_loop3A_689 : vector<1x1x16xf32> to vector<16xf32>
            %parallel_loop3A_691 = arith.mulf %parallel_loop3A_690, %parallel_loop3A_680 : vector<16xf32>
            %parallel_loop3A_692 = arith.constant 0 : i32
            %parallel_loop3A_693 = arith.index_cast %parallel_loop3A_692 : i32 to index
            %parallel_loop3A_694 = arith.index_cast %parallel_loop3A_684 : i32 to index
            %parallel_loop3A_695 = arith.constant 0 : index
            %parallel_loop3A_696 = tpu.vector_load %arg11[%parallel_loop3A_693, %parallel_loop3A_694, %parallel_loop3A_695] {strides = array<i32>} : memref<2x768x16xf32, #tpu.memory_space<vmem>>, vector<1x1x16xf32>,
            %parallel_loop3A_697 = vector.shape_cast %parallel_loop3A_696 : vector<1x1x16xf32> to vector<16xf32>
            %parallel_loop3A_698 = vector.shape_cast %parallel_loop3A_691 : vector<16xf32> to vector<1x1x16xf32>
            tpu.vector_store %arg11[%parallel_loop3A_693, %parallel_loop3A_694, %parallel_loop3A_695], %parallel_loop3A_698 {strides = array<i32>} : memref<2x768x16xf32, #tpu.memory_space<vmem>>, vector<1x1x16xf32>,
            %parallel_loop3A_699 = vector.extract_strided_slice %parallel_loop3A_551 {offsets = [7], sizes = [1], strides = [1]} : vector<16xf32> to vector<1xf32>
            %parallel_loop3A_700 = vector.extract %parallel_loop3A_699[0] : f32 from vector<1xf32>
            %parallel_loop3A_701 = vector.broadcast %parallel_loop3A_700 : f32 to vector<16xf32>
            %parallel_loop3A_702 = arith.constant 16 : i32
            %parallel_loop3A_703 = arith.muli %parallel_loop3A_543, %parallel_loop3A_702 : i32
            %parallel_loop3A_704 = arith.constant 7 : i32
            %parallel_loop3A_705 = arith.addi %parallel_loop3A_703, %parallel_loop3A_704 : i32
            %parallel_loop3A_706 = arith.constant 0 : i32
            %parallel_loop3A_707 = arith.index_cast %parallel_loop3A_706 : i32 to index
            %parallel_loop3A_708 = arith.index_cast %parallel_loop3A_705 : i32 to index
            %parallel_loop3A_709 = arith.constant 0 : index
            %parallel_loop3A_710 = tpu.vector_load %arg11[%parallel_loop3A_707, %parallel_loop3A_708, %parallel_loop3A_709] {strides = array<i32>} : memref<2x768x16xf32, #tpu.memory_space<vmem>>, vector<1x1x16xf32>,
            %parallel_loop3A_711 = vector.shape_cast %parallel_loop3A_710 : vector<1x1x16xf32> to vector<16xf32>
            %parallel_loop3A_712 = arith.mulf %parallel_loop3A_711, %parallel_loop3A_701 : vector<16xf32>
            %parallel_loop3A_713 = arith.constant 0 : i32
            %parallel_loop3A_714 = arith.index_cast %parallel_loop3A_713 : i32 to index
            %parallel_loop3A_715 = arith.index_cast %parallel_loop3A_705 : i32 to index
            %parallel_loop3A_716 = arith.constant 0 : index
            %parallel_loop3A_717 = tpu.vector_load %arg11[%parallel_loop3A_714, %parallel_loop3A_715, %parallel_loop3A_716] {strides = array<i32>} : memref<2x768x16xf32, #tpu.memory_space<vmem>>, vector<1x1x16xf32>,
            %parallel_loop3A_718 = vector.shape_cast %parallel_loop3A_717 : vector<1x1x16xf32> to vector<16xf32>
            %parallel_loop3A_719 = vector.shape_cast %parallel_loop3A_712 : vector<16xf32> to vector<1x1x16xf32>
            tpu.vector_store %arg11[%parallel_loop3A_714, %parallel_loop3A_715, %parallel_loop3A_716], %parallel_loop3A_719 {strides = array<i32>} : memref<2x768x16xf32, #tpu.memory_space<vmem>>, vector<1x1x16xf32>,
            %parallel_loop3A_720 = vector.extract_strided_slice %parallel_loop3A_551 {offsets = [8], sizes = [1], strides = [1]} : vector<16xf32> to vector<1xf32>
            %parallel_loop3A_721 = vector.extract %parallel_loop3A_720[0] : f32 from vector<1xf32>
            %parallel_loop3A_722 = vector.broadcast %parallel_loop3A_721 : f32 to vector<16xf32>
            %parallel_loop3A_723 = arith.constant 16 : i32
            %parallel_loop3A_724 = arith.muli %parallel_loop3A_543, %parallel_loop3A_723 : i32
            %parallel_loop3A_725 = arith.constant 8 : i32
            %parallel_loop3A_726 = arith.addi %parallel_loop3A_724, %parallel_loop3A_725 : i32
            %parallel_loop3A_727 = arith.constant 0 : i32
            %parallel_loop3A_728 = arith.index_cast %parallel_loop3A_727 : i32 to index
            %parallel_loop3A_729 = arith.index_cast %parallel_loop3A_726 : i32 to index
            %parallel_loop3A_730 = arith.constant 0 : index
            %parallel_loop3A_731 = tpu.vector_load %arg11[%parallel_loop3A_728, %parallel_loop3A_729, %parallel_loop3A_730] {strides = array<i32>} : memref<2x768x16xf32, #tpu.memory_space<vmem>>, vector<1x1x16xf32>,
            %parallel_loop3A_732 = vector.shape_cast %parallel_loop3A_731 : vector<1x1x16xf32> to vector<16xf32>
            %parallel_loop3A_733 = arith.mulf %parallel_loop3A_732, %parallel_loop3A_722 : vector<16xf32>
            %parallel_loop3A_734 = arith.constant 0 : i32
            %parallel_loop3A_735 = arith.index_cast %parallel_loop3A_734 : i32 to index
            %parallel_loop3A_736 = arith.index_cast %parallel_loop3A_726 : i32 to index
            %parallel_loop3A_737 = arith.constant 0 : index
            %parallel_loop3A_738 = tpu.vector_load %arg11[%parallel_loop3A_735, %parallel_loop3A_736, %parallel_loop3A_737] {strides = array<i32>} : memref<2x768x16xf32, #tpu.memory_space<vmem>>, vector<1x1x16xf32>,
            %parallel_loop3A_739 = vector.shape_cast %parallel_loop3A_738 : vector<1x1x16xf32> to vector<16xf32>
            %parallel_loop3A_740 = vector.shape_cast %parallel_loop3A_733 : vector<16xf32> to vector<1x1x16xf32>
            tpu.vector_store %arg11[%parallel_loop3A_735, %parallel_loop3A_736, %parallel_loop3A_737], %parallel_loop3A_740 {strides = array<i32>} : memref<2x768x16xf32, #tpu.memory_space<vmem>>, vector<1x1x16xf32>,
            %parallel_loop3A_741 = vector.extract_strided_slice %parallel_loop3A_551 {offsets = [9], sizes = [1], strides = [1]} : vector<16xf32> to vector<1xf32>
            %parallel_loop3A_742 = vector.extract %parallel_loop3A_741[0] : f32 from vector<1xf32>
            %parallel_loop3A_743 = vector.broadcast %parallel_loop3A_742 : f32 to vector<16xf32>
            %parallel_loop3A_744 = arith.constant 16 : i32
            %parallel_loop3A_745 = arith.muli %parallel_loop3A_543, %parallel_loop3A_744 : i32
            %parallel_loop3A_746 = arith.constant 9 : i32
            %parallel_loop3A_747 = arith.addi %parallel_loop3A_745, %parallel_loop3A_746 : i32
            %parallel_loop3A_748 = arith.constant 0 : i32
            %parallel_loop3A_749 = arith.index_cast %parallel_loop3A_748 : i32 to index
            %parallel_loop3A_750 = arith.index_cast %parallel_loop3A_747 : i32 to index
            %parallel_loop3A_751 = arith.constant 0 : index
            %parallel_loop3A_752 = tpu.vector_load %arg11[%parallel_loop3A_749, %parallel_loop3A_750, %parallel_loop3A_751] {strides = array<i32>} : memref<2x768x16xf32, #tpu.memory_space<vmem>>, vector<1x1x16xf32>,
            %parallel_loop3A_753 = vector.shape_cast %parallel_loop3A_752 : vector<1x1x16xf32> to vector<16xf32>
            %parallel_loop3A_754 = arith.mulf %parallel_loop3A_753, %parallel_loop3A_743 : vector<16xf32>
            %parallel_loop3A_755 = arith.constant 0 : i32
            %parallel_loop3A_756 = arith.index_cast %parallel_loop3A_755 : i32 to index
            %parallel_loop3A_757 = arith.index_cast %parallel_loop3A_747 : i32 to index
            %parallel_loop3A_758 = arith.constant 0 : index
            %parallel_loop3A_759 = tpu.vector_load %arg11[%parallel_loop3A_756, %parallel_loop3A_757, %parallel_loop3A_758] {strides = array<i32>} : memref<2x768x16xf32, #tpu.memory_space<vmem>>, vector<1x1x16xf32>,
            %parallel_loop3A_760 = vector.shape_cast %parallel_loop3A_759 : vector<1x1x16xf32> to vector<16xf32>
            %parallel_loop3A_761 = vector.shape_cast %parallel_loop3A_754 : vector<16xf32> to vector<1x1x16xf32>
            tpu.vector_store %arg11[%parallel_loop3A_756, %parallel_loop3A_757, %parallel_loop3A_758], %parallel_loop3A_761 {strides = array<i32>} : memref<2x768x16xf32, #tpu.memory_space<vmem>>, vector<1x1x16xf32>,
            %parallel_loop3A_762 = vector.extract_strided_slice %parallel_loop3A_551 {offsets = [10], sizes = [1], strides = [1]} : vector<16xf32> to vector<1xf32>
            %parallel_loop3A_763 = vector.extract %parallel_loop3A_762[0] : f32 from vector<1xf32>
            %parallel_loop3A_764 = vector.broadcast %parallel_loop3A_763 : f32 to vector<16xf32>
            %parallel_loop3A_765 = arith.constant 16 : i32
            %parallel_loop3A_766 = arith.muli %parallel_loop3A_543, %parallel_loop3A_765 : i32
            %parallel_loop3A_767 = arith.constant 10 : i32
            %parallel_loop3A_768 = arith.addi %parallel_loop3A_766, %parallel_loop3A_767 : i32
            %parallel_loop3A_769 = arith.constant 0 : i32
            %parallel_loop3A_770 = arith.index_cast %parallel_loop3A_769 : i32 to index
            %parallel_loop3A_771 = arith.index_cast %parallel_loop3A_768 : i32 to index
            %parallel_loop3A_772 = arith.constant 0 : index
            %parallel_loop3A_773 = tpu.vector_load %arg11[%parallel_loop3A_770, %parallel_loop3A_771, %parallel_loop3A_772] {strides = array<i32>} : memref<2x768x16xf32, #tpu.memory_space<vmem>>, vector<1x1x16xf32>,
            %parallel_loop3A_774 = vector.shape_cast %parallel_loop3A_773 : vector<1x1x16xf32> to vector<16xf32>
            %parallel_loop3A_775 = arith.mulf %parallel_loop3A_774, %parallel_loop3A_764 : vector<16xf32>
            %parallel_loop3A_776 = arith.constant 0 : i32
            %parallel_loop3A_777 = arith.index_cast %parallel_loop3A_776 : i32 to index
            %parallel_loop3A_778 = arith.index_cast %parallel_loop3A_768 : i32 to index
            %parallel_loop3A_779 = arith.constant 0 : index
            %parallel_loop3A_780 = tpu.vector_load %arg11[%parallel_loop3A_777, %parallel_loop3A_778, %parallel_loop3A_779] {strides = array<i32>} : memref<2x768x16xf32, #tpu.memory_space<vmem>>, vector<1x1x16xf32>,
            %parallel_loop3A_781 = vector.shape_cast %parallel_loop3A_780 : vector<1x1x16xf32> to vector<16xf32>
            %parallel_loop3A_782 = vector.shape_cast %parallel_loop3A_775 : vector<16xf32> to vector<1x1x16xf32>
            tpu.vector_store %arg11[%parallel_loop3A_777, %parallel_loop3A_778, %parallel_loop3A_779], %parallel_loop3A_782 {strides = array<i32>} : memref<2x768x16xf32, #tpu.memory_space<vmem>>, vector<1x1x16xf32>,
            %parallel_loop3A_783 = vector.extract_strided_slice %parallel_loop3A_551 {offsets = [11], sizes = [1], strides = [1]} : vector<16xf32> to vector<1xf32>
            %parallel_loop3A_784 = vector.extract %parallel_loop3A_783[0] : f32 from vector<1xf32>
            %parallel_loop3A_785 = vector.broadcast %parallel_loop3A_784 : f32 to vector<16xf32>
            %parallel_loop3A_786 = arith.constant 16 : i32
            %parallel_loop3A_787 = arith.muli %parallel_loop3A_543, %parallel_loop3A_786 : i32
            %parallel_loop3A_788 = arith.constant 11 : i32
            %parallel_loop3A_789 = arith.addi %parallel_loop3A_787, %parallel_loop3A_788 : i32
            %parallel_loop3A_790 = arith.constant 0 : i32
            %parallel_loop3A_791 = arith.index_cast %parallel_loop3A_790 : i32 to index
            %parallel_loop3A_792 = arith.index_cast %parallel_loop3A_789 : i32 to index
            %parallel_loop3A_793 = arith.constant 0 : index
            %parallel_loop3A_794 = tpu.vector_load %arg11[%parallel_loop3A_791, %parallel_loop3A_792, %parallel_loop3A_793] {strides = array<i32>} : memref<2x768x16xf32, #tpu.memory_space<vmem>>, vector<1x1x16xf32>,
            %parallel_loop3A_795 = vector.shape_cast %parallel_loop3A_794 : vector<1x1x16xf32> to vector<16xf32>
            %parallel_loop3A_796 = arith.mulf %parallel_loop3A_795, %parallel_loop3A_785 : vector<16xf32>
            %parallel_loop3A_797 = arith.constant 0 : i32
            %parallel_loop3A_798 = arith.index_cast %parallel_loop3A_797 : i32 to index
            %parallel_loop3A_799 = arith.index_cast %parallel_loop3A_789 : i32 to index
            %parallel_loop3A_800 = arith.constant 0 : index
            %parallel_loop3A_801 = tpu.vector_load %arg11[%parallel_loop3A_798, %parallel_loop3A_799, %parallel_loop3A_800] {strides = array<i32>} : memref<2x768x16xf32, #tpu.memory_space<vmem>>, vector<1x1x16xf32>,
            %parallel_loop3A_802 = vector.shape_cast %parallel_loop3A_801 : vector<1x1x16xf32> to vector<16xf32>
            %parallel_loop3A_803 = vector.shape_cast %parallel_loop3A_796 : vector<16xf32> to vector<1x1x16xf32>
            tpu.vector_store %arg11[%parallel_loop3A_798, %parallel_loop3A_799, %parallel_loop3A_800], %parallel_loop3A_803 {strides = array<i32>} : memref<2x768x16xf32, #tpu.memory_space<vmem>>, vector<1x1x16xf32>,
            %parallel_loop3A_804 = vector.extract_strided_slice %parallel_loop3A_551 {offsets = [12], sizes = [1], strides = [1]} : vector<16xf32> to vector<1xf32>
            %parallel_loop3A_805 = vector.extract %parallel_loop3A_804[0] : f32 from vector<1xf32>
            %parallel_loop3A_806 = vector.broadcast %parallel_loop3A_805 : f32 to vector<16xf32>
            %parallel_loop3A_807 = arith.constant 16 : i32
            %parallel_loop3A_808 = arith.muli %parallel_loop3A_543, %parallel_loop3A_807 : i32
            %parallel_loop3A_809 = arith.constant 12 : i32
            %parallel_loop3A_810 = arith.addi %parallel_loop3A_808, %parallel_loop3A_809 : i32
            %parallel_loop3A_811 = arith.constant 0 : i32
            %parallel_loop3A_812 = arith.index_cast %parallel_loop3A_811 : i32 to index
            %parallel_loop3A_813 = arith.index_cast %parallel_loop3A_810 : i32 to index
            %parallel_loop3A_814 = arith.constant 0 : index
            %parallel_loop3A_815 = tpu.vector_load %arg11[%parallel_loop3A_812, %parallel_loop3A_813, %parallel_loop3A_814] {strides = array<i32>} : memref<2x768x16xf32, #tpu.memory_space<vmem>>, vector<1x1x16xf32>,
            %parallel_loop3A_816 = vector.shape_cast %parallel_loop3A_815 : vector<1x1x16xf32> to vector<16xf32>
            %parallel_loop3A_817 = arith.mulf %parallel_loop3A_816, %parallel_loop3A_806 : vector<16xf32>
            %parallel_loop3A_818 = arith.constant 0 : i32
            %parallel_loop3A_819 = arith.index_cast %parallel_loop3A_818 : i32 to index
            %parallel_loop3A_820 = arith.index_cast %parallel_loop3A_810 : i32 to index
            %parallel_loop3A_821 = arith.constant 0 : index
            %parallel_loop3A_822 = tpu.vector_load %arg11[%parallel_loop3A_819, %parallel_loop3A_820, %parallel_loop3A_821] {strides = array<i32>} : memref<2x768x16xf32, #tpu.memory_space<vmem>>, vector<1x1x16xf32>,
            %parallel_loop3A_823 = vector.shape_cast %parallel_loop3A_822 : vector<1x1x16xf32> to vector<16xf32>
            %parallel_loop3A_824 = vector.shape_cast %parallel_loop3A_817 : vector<16xf32> to vector<1x1x16xf32>
            tpu.vector_store %arg11[%parallel_loop3A_819, %parallel_loop3A_820, %parallel_loop3A_821], %parallel_loop3A_824 {strides = array<i32>} : memref<2x768x16xf32, #tpu.memory_space<vmem>>, vector<1x1x16xf32>,
            %parallel_loop3A_825 = vector.extract_strided_slice %parallel_loop3A_551 {offsets = [13], sizes = [1], strides = [1]} : vector<16xf32> to vector<1xf32>
            %parallel_loop3A_826 = vector.extract %parallel_loop3A_825[0] : f32 from vector<1xf32>
            %parallel_loop3A_827 = vector.broadcast %parallel_loop3A_826 : f32 to vector<16xf32>
            %parallel_loop3A_828 = arith.constant 16 : i32
            %parallel_loop3A_829 = arith.muli %parallel_loop3A_543, %parallel_loop3A_828 : i32
            %parallel_loop3A_830 = arith.constant 13 : i32
            %parallel_loop3A_831 = arith.addi %parallel_loop3A_829, %parallel_loop3A_830 : i32
            %parallel_loop3A_832 = arith.constant 0 : i32
            %parallel_loop3A_833 = arith.index_cast %parallel_loop3A_832 : i32 to index
            %parallel_loop3A_834 = arith.index_cast %parallel_loop3A_831 : i32 to index
            %parallel_loop3A_835 = arith.constant 0 : index
            %parallel_loop3A_836 = tpu.vector_load %arg11[%parallel_loop3A_833, %parallel_loop3A_834, %parallel_loop3A_835] {strides = array<i32>} : memref<2x768x16xf32, #tpu.memory_space<vmem>>, vector<1x1x16xf32>,
            %parallel_loop3A_837 = vector.shape_cast %parallel_loop3A_836 : vector<1x1x16xf32> to vector<16xf32>
            %parallel_loop3A_838 = arith.mulf %parallel_loop3A_837, %parallel_loop3A_827 : vector<16xf32>
            %parallel_loop3A_839 = arith.constant 0 : i32
            %parallel_loop3A_840 = arith.index_cast %parallel_loop3A_839 : i32 to index
            %parallel_loop3A_841 = arith.index_cast %parallel_loop3A_831 : i32 to index
            %parallel_loop3A_842 = arith.constant 0 : index
            %parallel_loop3A_843 = tpu.vector_load %arg11[%parallel_loop3A_840, %parallel_loop3A_841, %parallel_loop3A_842] {strides = array<i32>} : memref<2x768x16xf32, #tpu.memory_space<vmem>>, vector<1x1x16xf32>,
            %parallel_loop3A_844 = vector.shape_cast %parallel_loop3A_843 : vector<1x1x16xf32> to vector<16xf32>
            %parallel_loop3A_845 = vector.shape_cast %parallel_loop3A_838 : vector<16xf32> to vector<1x1x16xf32>
            tpu.vector_store %arg11[%parallel_loop3A_840, %parallel_loop3A_841, %parallel_loop3A_842], %parallel_loop3A_845 {strides = array<i32>} : memref<2x768x16xf32, #tpu.memory_space<vmem>>, vector<1x1x16xf32>,
            %parallel_loop3A_846 = vector.extract_strided_slice %parallel_loop3A_551 {offsets = [14], sizes = [1], strides = [1]} : vector<16xf32> to vector<1xf32>
            %parallel_loop3A_847 = vector.extract %parallel_loop3A_846[0] : f32 from vector<1xf32>
            %parallel_loop3A_848 = vector.broadcast %parallel_loop3A_847 : f32 to vector<16xf32>
            %parallel_loop3A_849 = arith.constant 16 : i32
            %parallel_loop3A_850 = arith.muli %parallel_loop3A_543, %parallel_loop3A_849 : i32
            %parallel_loop3A_851 = arith.constant 14 : i32
            %parallel_loop3A_852 = arith.addi %parallel_loop3A_850, %parallel_loop3A_851 : i32
            %parallel_loop3A_853 = arith.constant 0 : i32
            %parallel_loop3A_854 = arith.index_cast %parallel_loop3A_853 : i32 to index
            %parallel_loop3A_855 = arith.index_cast %parallel_loop3A_852 : i32 to index
            %parallel_loop3A_856 = arith.constant 0 : index
            %parallel_loop3A_857 = tpu.vector_load %arg11[%parallel_loop3A_854, %parallel_loop3A_855, %parallel_loop3A_856] {strides = array<i32>} : memref<2x768x16xf32, #tpu.memory_space<vmem>>, vector<1x1x16xf32>,
            %parallel_loop3A_858 = vector.shape_cast %parallel_loop3A_857 : vector<1x1x16xf32> to vector<16xf32>
            %parallel_loop3A_859 = arith.mulf %parallel_loop3A_858, %parallel_loop3A_848 : vector<16xf32>
            %parallel_loop3A_860 = arith.constant 0 : i32
            %parallel_loop3A_861 = arith.index_cast %parallel_loop3A_860 : i32 to index
            %parallel_loop3A_862 = arith.index_cast %parallel_loop3A_852 : i32 to index
            %parallel_loop3A_863 = arith.constant 0 : index
            %parallel_loop3A_864 = tpu.vector_load %arg11[%parallel_loop3A_861, %parallel_loop3A_862, %parallel_loop3A_863] {strides = array<i32>} : memref<2x768x16xf32, #tpu.memory_space<vmem>>, vector<1x1x16xf32>,
            %parallel_loop3A_865 = vector.shape_cast %parallel_loop3A_864 : vector<1x1x16xf32> to vector<16xf32>
            %parallel_loop3A_866 = vector.shape_cast %parallel_loop3A_859 : vector<16xf32> to vector<1x1x16xf32>
            tpu.vector_store %arg11[%parallel_loop3A_861, %parallel_loop3A_862, %parallel_loop3A_863], %parallel_loop3A_866 {strides = array<i32>} : memref<2x768x16xf32, #tpu.memory_space<vmem>>, vector<1x1x16xf32>,
            %parallel_loop3A_867 = vector.extract_strided_slice %parallel_loop3A_551 {offsets = [15], sizes = [1], strides = [1]} : vector<16xf32> to vector<1xf32>
            %parallel_loop3A_868 = vector.extract %parallel_loop3A_867[0] : f32 from vector<1xf32>
            %parallel_loop3A_869 = vector.broadcast %parallel_loop3A_868 : f32 to vector<16xf32>
            %parallel_loop3A_870 = arith.constant 16 : i32
            %parallel_loop3A_871 = arith.muli %parallel_loop3A_543, %parallel_loop3A_870 : i32
            %parallel_loop3A_872 = arith.constant 15 : i32
            %parallel_loop3A_873 = arith.addi %parallel_loop3A_871, %parallel_loop3A_872 : i32
            %parallel_loop3A_874 = arith.constant 0 : i32
            %parallel_loop3A_875 = arith.index_cast %parallel_loop3A_874 : i32 to index
            %parallel_loop3A_876 = arith.index_cast %parallel_loop3A_873 : i32 to index
            %parallel_loop3A_877 = arith.constant 0 : index
            %parallel_loop3A_878 = tpu.vector_load %arg11[%parallel_loop3A_875, %parallel_loop3A_876, %parallel_loop3A_877] {strides = array<i32>} : memref<2x768x16xf32, #tpu.memory_space<vmem>>, vector<1x1x16xf32>,
            %parallel_loop3A_879 = vector.shape_cast %parallel_loop3A_878 : vector<1x1x16xf32> to vector<16xf32>
            %parallel_loop3A_880 = arith.mulf %parallel_loop3A_879, %parallel_loop3A_869 : vector<16xf32>
            %parallel_loop3A_881 = arith.constant 0 : i32
            %parallel_loop3A_882 = arith.index_cast %parallel_loop3A_881 : i32 to index
            %parallel_loop3A_883 = arith.index_cast %parallel_loop3A_873 : i32 to index
            %parallel_loop3A_884 = arith.constant 0 : index
            %parallel_loop3A_885 = tpu.vector_load %arg11[%parallel_loop3A_882, %parallel_loop3A_883, %parallel_loop3A_884] {strides = array<i32>} : memref<2x768x16xf32, #tpu.memory_space<vmem>>, vector<1x1x16xf32>,
            %parallel_loop3A_886 = vector.shape_cast %parallel_loop3A_885 : vector<1x1x16xf32> to vector<16xf32>
            %parallel_loop3A_887 = vector.shape_cast %parallel_loop3A_880 : vector<16xf32> to vector<1x1x16xf32>
            tpu.vector_store %arg11[%parallel_loop3A_882, %parallel_loop3A_883, %parallel_loop3A_884], %parallel_loop3A_887 {strides = array<i32>} : memref<2x768x16xf32, #tpu.memory_space<vmem>>, vector<1x1x16xf32>,
          } {sc.loop_unroll_factor = 2 : i64, sc.parallel_access}
          %mul3A_231 = arith.constant 6 : i32
          %mul3A_232 = arith.muli %add3A_102, %mul3A_231 : i32
          %add3A_233 = arith.constant 0 : i32
          %add3A_234 = arith.addi %mul3A_232, %add3A_233 : i32
          %dma_start3A = arith.constant 0 : i32
          %dma_start3A_235 = arith.constant 0 : i32
          %dma_start3A_236 = arith.constant 0 : i32
          %dma_start3A_237 = tpu.memref_slice %arg11[%dma_start3A, %dma_start3A_235, %dma_start3A_236] : memref<2x768x16xf32, #tpu.memory_space<vmem>> -> memref<1x128x16xf32, #tpu.memory_space<vmem>>
          %dma_start3A_238 = tpu.memref_squeeze %dma_start3A_237 : memref<1x128x16xf32, #tpu.memory_space<vmem>> -> memref<128x16xf32, #tpu.memory_space<vmem>>
          %dma_start3A_239 = arith.constant 0 : i32
          %dma_start3A_240 = tpu.memref_slice %arg9[%add3A_234, %dma_start3A_239] : memref<132x128xi32, #tpu.memory_space<vmem>> -> memref<1x128xi32, #tpu.memory_space<vmem>>
          %dma_start3A_241 = tpu.memref_squeeze %dma_start3A_240 : memref<1x128xi32, #tpu.memory_space<vmem>> -> memref<128xi32, #tpu.memory_space<vmem>>
          %dma_start3A_242 = arith.constant 0 : i32
          %dma_start3A_243 = arith.constant 0 : i32
          %dma_start3A_244 = tpu.memref_slice %arg7[%dma_start3A_242, %dma_start3A_243] : memref<16384x16xf32, #tpu.memory_space<vmem_shared>> -> memref<16384x16xf32, #tpu.memory_space<vmem_shared>>
          tpu.enqueue_indirect_dma source(%dma_start3A_238 : memref<128x16xf32, #tpu.memory_space<vmem>>) target(%dma_start3A_244 : memref<16384x16xf32, #tpu.memory_space<vmem_shared>>) offsets(%dma_start3A_241 : memref<128xi32, #tpu.memory_space<vmem>>) semaphore(%arg15 : memref<!tpu.dma_semaphore, #tpu.memory_space<semaphore_mem>>) {add = true}
          %mul3A_245 = arith.constant 6 : i32
          %mul3A_246 = arith.muli %add3A_102, %mul3A_245 : i32
          %add3A_247 = arith.constant 1 : i32
          %add3A_248 = arith.addi %mul3A_246, %add3A_247 : i32
          %dma_start3A_249 = arith.constant 0 : i32
          %dma_start3A_250 = arith.constant 128 : i32
          %dma_start3A_251 = arith.constant 0 : i32
          %dma_start3A_252 = tpu.memref_slice %arg11[%dma_start3A_249, %dma_start3A_250, %dma_start3A_251] : memref<2x768x16xf32, #tpu.memory_space<vmem>> -> memref<1x128x16xf32, #tpu.memory_space<vmem>>
          %dma_start3A_253 = tpu.memref_squeeze %dma_start3A_252 : memref<1x128x16xf32, #tpu.memory_space<vmem>> -> memref<128x16xf32, #tpu.memory_space<vmem>>
          %dma_start3A_254 = arith.constant 0 : i32
          %dma_start3A_255 = tpu.memref_slice %arg9[%add3A_248, %dma_start3A_254] : memref<132x128xi32, #tpu.memory_space<vmem>> -> memref<1x128xi32, #tpu.memory_space<vmem>>
          %dma_start3A_256 = tpu.memref_squeeze %dma_start3A_255 : memref<1x128xi32, #tpu.memory_space<vmem>> -> memref<128xi32, #tpu.memory_space<vmem>>
          %dma_start3A_257 = arith.constant 0 : i32
          %dma_start3A_258 = arith.constant 0 : i32
          %dma_start3A_259 = tpu.memref_slice %arg7[%dma_start3A_257, %dma_start3A_258] : memref<16384x16xf32, #tpu.memory_space<vmem_shared>> -> memref<16384x16xf32, #tpu.memory_space<vmem_shared>>
          tpu.enqueue_indirect_dma source(%dma_start3A_253 : memref<128x16xf32, #tpu.memory_space<vmem>>) target(%dma_start3A_259 : memref<16384x16xf32, #tpu.memory_space<vmem_shared>>) offsets(%dma_start3A_256 : memref<128xi32, #tpu.memory_space<vmem>>) semaphore(%arg15 : memref<!tpu.dma_semaphore, #tpu.memory_space<semaphore_mem>>) {add = true}
          %mul3A_260 = arith.constant 6 : i32
          %mul3A_261 = arith.muli %add3A_102, %mul3A_260 : i32
          %add3A_262 = arith.constant 2 : i32
          %add3A_263 = arith.addi %mul3A_261, %add3A_262 : i32
          %dma_start3A_264 = arith.constant 0 : i32
          %dma_start3A_265 = arith.constant 256 : i32
          %dma_start3A_266 = arith.constant 0 : i32
          %dma_start3A_267 = tpu.memref_slice %arg11[%dma_start3A_264, %dma_start3A_265, %dma_start3A_266] : memref<2x768x16xf32, #tpu.memory_space<vmem>> -> memref<1x128x16xf32, #tpu.memory_space<vmem>>
          %dma_start3A_268 = tpu.memref_squeeze %dma_start3A_267 : memref<1x128x16xf32, #tpu.memory_space<vmem>> -> memref<128x16xf32, #tpu.memory_space<vmem>>
          %dma_start3A_269 = arith.constant 0 : i32
          %dma_start3A_270 = tpu.memref_slice %arg9[%add3A_263, %dma_start3A_269] : memref<132x128xi32, #tpu.memory_space<vmem>> -> memref<1x128xi32, #tpu.memory_space<vmem>>
          %dma_start3A_271 = tpu.memref_squeeze %dma_start3A_270 : memref<1x128xi32, #tpu.memory_space<vmem>> -> memref<128xi32, #tpu.memory_space<vmem>>
          %dma_start3A_272 = arith.constant 0 : i32
          %dma_start3A_273 = arith.constant 0 : i32
          %dma_start3A_274 = tpu.memref_slice %arg7[%dma_start3A_272, %dma_start3A_273] : memref<16384x16xf32, #tpu.memory_space<vmem_shared>> -> memref<16384x16xf32, #tpu.memory_space<vmem_shared>>
          tpu.enqueue_indirect_dma source(%dma_start3A_268 : memref<128x16xf32, #tpu.memory_space<vmem>>) target(%dma_start3A_274 : memref<16384x16xf32, #tpu.memory_space<vmem_shared>>) offsets(%dma_start3A_271 : memref<128xi32, #tpu.memory_space<vmem>>) semaphore(%arg15 : memref<!tpu.dma_semaphore, #tpu.memory_space<semaphore_mem>>) {add = true}
          %mul3A_275 = arith.constant 6 : i32
          %mul3A_276 = arith.muli %add3A_102, %mul3A_275 : i32
          %add3A_277 = arith.constant 3 : i32
          %add3A_278 = arith.addi %mul3A_276, %add3A_277 : i32
          %dma_start3A_279 = arith.constant 0 : i32
          %dma_start3A_280 = arith.constant 384 : i32
          %dma_start3A_281 = arith.constant 0 : i32
          %dma_start3A_282 = tpu.memref_slice %arg11[%dma_start3A_279, %dma_start3A_280, %dma_start3A_281] : memref<2x768x16xf32, #tpu.memory_space<vmem>> -> memref<1x128x16xf32, #tpu.memory_space<vmem>>
          %dma_start3A_283 = tpu.memref_squeeze %dma_start3A_282 : memref<1x128x16xf32, #tpu.memory_space<vmem>> -> memref<128x16xf32, #tpu.memory_space<vmem>>
          %dma_start3A_284 = arith.constant 0 : i32
          %dma_start3A_285 = tpu.memref_slice %arg9[%add3A_278, %dma_start3A_284] : memref<132x128xi32, #tpu.memory_space<vmem>> -> memref<1x128xi32, #tpu.memory_space<vmem>>
          %dma_start3A_286 = tpu.memref_squeeze %dma_start3A_285 : memref<1x128xi32, #tpu.memory_space<vmem>> -> memref<128xi32, #tpu.memory_space<vmem>>
          %dma_start3A_287 = arith.constant 0 : i32
          %dma_start3A_288 = arith.constant 0 : i32
          %dma_start3A_289 = tpu.memref_slice %arg7[%dma_start3A_287, %dma_start3A_288] : memref<16384x16xf32, #tpu.memory_space<vmem_shared>> -> memref<16384x16xf32, #tpu.memory_space<vmem_shared>>
          tpu.enqueue_indirect_dma source(%dma_start3A_283 : memref<128x16xf32, #tpu.memory_space<vmem>>) target(%dma_start3A_289 : memref<16384x16xf32, #tpu.memory_space<vmem_shared>>) offsets(%dma_start3A_286 : memref<128xi32, #tpu.memory_space<vmem>>) semaphore(%arg15 : memref<!tpu.dma_semaphore, #tpu.memory_space<semaphore_mem>>) {add = true}
          %mul3A_290 = arith.constant 6 : i32
          %mul3A_291 = arith.muli %add3A_102, %mul3A_290 : i32
          %add3A_292 = arith.constant 4 : i32
          %add3A_293 = arith.addi %mul3A_291, %add3A_292 : i32
          %dma_start3A_294 = arith.constant 0 : i32
          %dma_start3A_295 = arith.constant 512 : i32
          %dma_start3A_296 = arith.constant 0 : i32
          %dma_start3A_297 = tpu.memref_slice %arg11[%dma_start3A_294, %dma_start3A_295, %dma_start3A_296] : memref<2x768x16xf32, #tpu.memory_space<vmem>> -> memref<1x128x16xf32, #tpu.memory_space<vmem>>
          %dma_start3A_298 = tpu.memref_squeeze %dma_start3A_297 : memref<1x128x16xf32, #tpu.memory_space<vmem>> -> memref<128x16xf32, #tpu.memory_space<vmem>>
          %dma_start3A_299 = arith.constant 0 : i32
          %dma_start3A_300 = tpu.memref_slice %arg9[%add3A_293, %dma_start3A_299] : memref<132x128xi32, #tpu.memory_space<vmem>> -> memref<1x128xi32, #tpu.memory_space<vmem>>
          %dma_start3A_301 = tpu.memref_squeeze %dma_start3A_300 : memref<1x128xi32, #tpu.memory_space<vmem>> -> memref<128xi32, #tpu.memory_space<vmem>>
          %dma_start3A_302 = arith.constant 0 : i32
          %dma_start3A_303 = arith.constant 0 : i32
          %dma_start3A_304 = tpu.memref_slice %arg7[%dma_start3A_302, %dma_start3A_303] : memref<16384x16xf32, #tpu.memory_space<vmem_shared>> -> memref<16384x16xf32, #tpu.memory_space<vmem_shared>>
          tpu.enqueue_indirect_dma source(%dma_start3A_298 : memref<128x16xf32, #tpu.memory_space<vmem>>) target(%dma_start3A_304 : memref<16384x16xf32, #tpu.memory_space<vmem_shared>>) offsets(%dma_start3A_301 : memref<128xi32, #tpu.memory_space<vmem>>) semaphore(%arg15 : memref<!tpu.dma_semaphore, #tpu.memory_space<semaphore_mem>>) {add = true}
          %mul3A_305 = arith.constant 6 : i32
          %mul3A_306 = arith.muli %add3A_102, %mul3A_305 : i32
          %add3A_307 = arith.constant 5 : i32
          %add3A_308 = arith.addi %mul3A_306, %add3A_307 : i32
          %dma_start3A_309 = arith.constant 0 : i32
          %dma_start3A_310 = arith.constant 640 : i32
          %dma_start3A_311 = arith.constant 0 : i32
          %dma_start3A_312 = tpu.memref_slice %arg11[%dma_start3A_309, %dma_start3A_310, %dma_start3A_311] : memref<2x768x16xf32, #tpu.memory_space<vmem>> -> memref<1x128x16xf32, #tpu.memory_space<vmem>>
          %dma_start3A_313 = tpu.memref_squeeze %dma_start3A_312 : memref<1x128x16xf32, #tpu.memory_space<vmem>> -> memref<128x16xf32, #tpu.memory_space<vmem>>
          %dma_start3A_314 = arith.constant 0 : i32
          %dma_start3A_315 = tpu.memref_slice %arg9[%add3A_308, %dma_start3A_314] : memref<132x128xi32, #tpu.memory_space<vmem>> -> memref<1x128xi32, #tpu.memory_space<vmem>>
          %dma_start3A_316 = tpu.memref_squeeze %dma_start3A_315 : memref<1x128xi32, #tpu.memory_space<vmem>> -> memref<128xi32, #tpu.memory_space<vmem>>
          %dma_start3A_317 = arith.constant 0 : i32
          %dma_start3A_318 = arith.constant 0 : i32
          %dma_start3A_319 = tpu.memref_slice %arg7[%dma_start3A_317, %dma_start3A_318] : memref<16384x16xf32, #tpu.memory_space<vmem_shared>> -> memref<16384x16xf32, #tpu.memory_space<vmem_shared>>
          tpu.enqueue_indirect_dma source(%dma_start3A_313 : memref<128x16xf32, #tpu.memory_space<vmem>>) target(%dma_start3A_319 : memref<16384x16xf32, #tpu.memory_space<vmem_shared>>) offsets(%dma_start3A_316 : memref<128xi32, #tpu.memory_space<vmem>>) semaphore(%arg15 : memref<!tpu.dma_semaphore, #tpu.memory_space<semaphore_mem>>) {add = true}
          %add3A_320 = arith.constant 1 : i32
          %add3A_321 = arith.addi %add3A_100, %add3A_320 : i32
          %ge3A_322 = arith.constant 1 : i32
          %ge3A_323 = arith.cmpi sge, %add3A_321, %ge3A_322 : i32
          %convert_element_type3A_324 = arith.extui %ge3A_323 : i1 to i32
          %cond3A_325 = arith.constant 0 : i32
          %cond3A_326 = arith.cmpi ne, %convert_element_type3A_324, %cond3A_325 : i32
          scf.if %cond3A_326 {
            %mul3A_543 = arith.constant 6 : i32
            %mul3A_544 = arith.muli %add3A_321, %mul3A_543 : i32
            %add3A_545 = arith.constant 0 : i32
            %add3A_546 = arith.addi %mul3A_544, %add3A_545 : i32
            %dma_wait3A_547 = arith.constant 0 : i32
            %dma_wait3A_548 = arith.constant 0 : i32
            %dma_wait3A_549 = arith.constant 0 : i32
            %dma_wait3A_550 = tpu.memref_slice %arg11[%dma_wait3A_547, %dma_wait3A_548, %dma_wait3A_549] : memref<2x768x16xf32, #tpu.memory_space<vmem>> -> memref<1x128x16xf32, #tpu.memory_space<vmem>>
            %dma_wait3A_551 = tpu.memref_squeeze %dma_wait3A_550 : memref<1x128x16xf32, #tpu.memory_space<vmem>> -> memref<128x16xf32, #tpu.memory_space<vmem>>
            %dma_wait3A_552 = arith.constant 0 : i32
            %dma_wait3A_553 = tpu.memref_slice %arg9[%add3A_546, %dma_wait3A_552] : memref<132x128xi32, #tpu.memory_space<vmem>> -> memref<1x128xi32, #tpu.memory_space<vmem>>
            %dma_wait3A_554 = tpu.memref_squeeze %dma_wait3A_553 : memref<1x128xi32, #tpu.memory_space<vmem>> -> memref<128xi32, #tpu.memory_space<vmem>>
            %dma_wait3A_555 = arith.constant 0 : i32
            %dma_wait3A_556 = arith.constant 0 : i32
            %dma_wait3A_557 = tpu.memref_slice %arg7[%dma_wait3A_555, %dma_wait3A_556] : memref<16384x16xf32, #tpu.memory_space<vmem_shared>> -> memref<16384x16xf32, #tpu.memory_space<vmem_shared>>
            tpu.wait_indirect_dma semaphore(%arg15 : memref<!tpu.dma_semaphore, #tpu.memory_space<semaphore_mem>>) src(%dma_wait3A_551 : memref<128x16xf32, #tpu.memory_space<vmem>>) dst(%dma_wait3A_557 : memref<16384x16xf32, #tpu.memory_space<vmem_shared>>)
            %mul3A_558 = arith.constant 6 : i32
            %mul3A_559 = arith.muli %add3A_321, %mul3A_558 : i32
            %add3A_560 = arith.constant 1 : i32
            %add3A_561 = arith.addi %mul3A_559, %add3A_560 : i32
            %dma_wait3A_562 = arith.constant 0 : i32
            %dma_wait3A_563 = arith.constant 128 : i32
            %dma_wait3A_564 = arith.constant 0 : i32
            %dma_wait3A_565 = tpu.memref_slice %arg11[%dma_wait3A_562, %dma_wait3A_563, %dma_wait3A_564] : memref<2x768x16xf32, #tpu.memory_space<vmem>> -> memref<1x128x16xf32, #tpu.memory_space<vmem>>
            %dma_wait3A_566 = tpu.memref_squeeze %dma_wait3A_565 : memref<1x128x16xf32, #tpu.memory_space<vmem>> -> memref<128x16xf32, #tpu.memory_space<vmem>>
            %dma_wait3A_567 = arith.constant 0 : i32
            %dma_wait3A_568 = tpu.memref_slice %arg9[%add3A_561, %dma_wait3A_567] : memref<132x128xi32, #tpu.memory_space<vmem>> -> memref<1x128xi32, #tpu.memory_space<vmem>>
            %dma_wait3A_569 = tpu.memref_squeeze %dma_wait3A_568 : memref<1x128xi32, #tpu.memory_space<vmem>> -> memref<128xi32, #tpu.memory_space<vmem>>
            %dma_wait3A_570 = arith.constant 0 : i32
            %dma_wait3A_571 = arith.constant 0 : i32
            %dma_wait3A_572 = tpu.memref_slice %arg7[%dma_wait3A_570, %dma_wait3A_571] : memref<16384x16xf32, #tpu.memory_space<vmem_shared>> -> memref<16384x16xf32, #tpu.memory_space<vmem_shared>>
            tpu.wait_indirect_dma semaphore(%arg15 : memref<!tpu.dma_semaphore, #tpu.memory_space<semaphore_mem>>) src(%dma_wait3A_566 : memref<128x16xf32, #tpu.memory_space<vmem>>) dst(%dma_wait3A_572 : memref<16384x16xf32, #tpu.memory_space<vmem_shared>>)
            %mul3A_573 = arith.constant 6 : i32
            %mul3A_574 = arith.muli %add3A_321, %mul3A_573 : i32
            %add3A_575 = arith.constant 2 : i32
            %add3A_576 = arith.addi %mul3A_574, %add3A_575 : i32
            %dma_wait3A_577 = arith.constant 0 : i32
            %dma_wait3A_578 = arith.constant 256 : i32
            %dma_wait3A_579 = arith.constant 0 : i32
            %dma_wait3A_580 = tpu.memref_slice %arg11[%dma_wait3A_577, %dma_wait3A_578, %dma_wait3A_579] : memref<2x768x16xf32, #tpu.memory_space<vmem>> -> memref<1x128x16xf32, #tpu.memory_space<vmem>>
            %dma_wait3A_581 = tpu.memref_squeeze %dma_wait3A_580 : memref<1x128x16xf32, #tpu.memory_space<vmem>> -> memref<128x16xf32, #tpu.memory_space<vmem>>
            %dma_wait3A_582 = arith.constant 0 : i32
            %dma_wait3A_583 = tpu.memref_slice %arg9[%add3A_576, %dma_wait3A_582] : memref<132x128xi32, #tpu.memory_space<vmem>> -> memref<1x128xi32, #tpu.memory_space<vmem>>
            %dma_wait3A_584 = tpu.memref_squeeze %dma_wait3A_583 : memref<1x128xi32, #tpu.memory_space<vmem>> -> memref<128xi32, #tpu.memory_space<vmem>>
            %dma_wait3A_585 = arith.constant 0 : i32
            %dma_wait3A_586 = arith.constant 0 : i32
            %dma_wait3A_587 = tpu.memref_slice %arg7[%dma_wait3A_585, %dma_wait3A_586] : memref<16384x16xf32, #tpu.memory_space<vmem_shared>> -> memref<16384x16xf32, #tpu.memory_space<vmem_shared>>
            tpu.wait_indirect_dma semaphore(%arg15 : memref<!tpu.dma_semaphore, #tpu.memory_space<semaphore_mem>>) src(%dma_wait3A_581 : memref<128x16xf32, #tpu.memory_space<vmem>>) dst(%dma_wait3A_587 : memref<16384x16xf32, #tpu.memory_space<vmem_shared>>)
            %mul3A_588 = arith.constant 6 : i32
            %mul3A_589 = arith.muli %add3A_321, %mul3A_588 : i32
            %add3A_590 = arith.constant 3 : i32
            %add3A_591 = arith.addi %mul3A_589, %add3A_590 : i32
            %dma_wait3A_592 = arith.constant 0 : i32
            %dma_wait3A_593 = arith.constant 384 : i32
            %dma_wait3A_594 = arith.constant 0 : i32
            %dma_wait3A_595 = tpu.memref_slice %arg11[%dma_wait3A_592, %dma_wait3A_593, %dma_wait3A_594] : memref<2x768x16xf32, #tpu.memory_space<vmem>> -> memref<1x128x16xf32, #tpu.memory_space<vmem>>
            %dma_wait3A_596 = tpu.memref_squeeze %dma_wait3A_595 : memref<1x128x16xf32, #tpu.memory_space<vmem>> -> memref<128x16xf32, #tpu.memory_space<vmem>>
            %dma_wait3A_597 = arith.constant 0 : i32
            %dma_wait3A_598 = tpu.memref_slice %arg9[%add3A_591, %dma_wait3A_597] : memref<132x128xi32, #tpu.memory_space<vmem>> -> memref<1x128xi32, #tpu.memory_space<vmem>>
            %dma_wait3A_599 = tpu.memref_squeeze %dma_wait3A_598 : memref<1x128xi32, #tpu.memory_space<vmem>> -> memref<128xi32, #tpu.memory_space<vmem>>
            %dma_wait3A_600 = arith.constant 0 : i32
            %dma_wait3A_601 = arith.constant 0 : i32
            %dma_wait3A_602 = tpu.memref_slice %arg7[%dma_wait3A_600, %dma_wait3A_601] : memref<16384x16xf32, #tpu.memory_space<vmem_shared>> -> memref<16384x16xf32, #tpu.memory_space<vmem_shared>>
            tpu.wait_indirect_dma semaphore(%arg15 : memref<!tpu.dma_semaphore, #tpu.memory_space<semaphore_mem>>) src(%dma_wait3A_596 : memref<128x16xf32, #tpu.memory_space<vmem>>) dst(%dma_wait3A_602 : memref<16384x16xf32, #tpu.memory_space<vmem_shared>>)
            %mul3A_603 = arith.constant 6 : i32
            %mul3A_604 = arith.muli %add3A_321, %mul3A_603 : i32
            %add3A_605 = arith.constant 4 : i32
            %add3A_606 = arith.addi %mul3A_604, %add3A_605 : i32
            %dma_wait3A_607 = arith.constant 0 : i32
            %dma_wait3A_608 = arith.constant 512 : i32
            %dma_wait3A_609 = arith.constant 0 : i32
            %dma_wait3A_610 = tpu.memref_slice %arg11[%dma_wait3A_607, %dma_wait3A_608, %dma_wait3A_609] : memref<2x768x16xf32, #tpu.memory_space<vmem>> -> memref<1x128x16xf32, #tpu.memory_space<vmem>>
            %dma_wait3A_611 = tpu.memref_squeeze %dma_wait3A_610 : memref<1x128x16xf32, #tpu.memory_space<vmem>> -> memref<128x16xf32, #tpu.memory_space<vmem>>
            %dma_wait3A_612 = arith.constant 0 : i32
            %dma_wait3A_613 = tpu.memref_slice %arg9[%add3A_606, %dma_wait3A_612] : memref<132x128xi32, #tpu.memory_space<vmem>> -> memref<1x128xi32, #tpu.memory_space<vmem>>
            %dma_wait3A_614 = tpu.memref_squeeze %dma_wait3A_613 : memref<1x128xi32, #tpu.memory_space<vmem>> -> memref<128xi32, #tpu.memory_space<vmem>>
            %dma_wait3A_615 = arith.constant 0 : i32
            %dma_wait3A_616 = arith.constant 0 : i32
            %dma_wait3A_617 = tpu.memref_slice %arg7[%dma_wait3A_615, %dma_wait3A_616] : memref<16384x16xf32, #tpu.memory_space<vmem_shared>> -> memref<16384x16xf32, #tpu.memory_space<vmem_shared>>
            tpu.wait_indirect_dma semaphore(%arg15 : memref<!tpu.dma_semaphore, #tpu.memory_space<semaphore_mem>>) src(%dma_wait3A_611 : memref<128x16xf32, #tpu.memory_space<vmem>>) dst(%dma_wait3A_617 : memref<16384x16xf32, #tpu.memory_space<vmem_shared>>)
            %mul3A_618 = arith.constant 6 : i32
            %mul3A_619 = arith.muli %add3A_321, %mul3A_618 : i32
            %add3A_620 = arith.constant 5 : i32
            %add3A_621 = arith.addi %mul3A_619, %add3A_620 : i32
            %dma_wait3A_622 = arith.constant 0 : i32
            %dma_wait3A_623 = arith.constant 640 : i32
            %dma_wait3A_624 = arith.constant 0 : i32
            %dma_wait3A_625 = tpu.memref_slice %arg11[%dma_wait3A_622, %dma_wait3A_623, %dma_wait3A_624] : memref<2x768x16xf32, #tpu.memory_space<vmem>> -> memref<1x128x16xf32, #tpu.memory_space<vmem>>
            %dma_wait3A_626 = tpu.memref_squeeze %dma_wait3A_625 : memref<1x128x16xf32, #tpu.memory_space<vmem>> -> memref<128x16xf32, #tpu.memory_space<vmem>>
            %dma_wait3A_627 = arith.constant 0 : i32
            %dma_wait3A_628 = tpu.memref_slice %arg9[%add3A_621, %dma_wait3A_627] : memref<132x128xi32, #tpu.memory_space<vmem>> -> memref<1x128xi32, #tpu.memory_space<vmem>>
            %dma_wait3A_629 = tpu.memref_squeeze %dma_wait3A_628 : memref<1x128xi32, #tpu.memory_space<vmem>> -> memref<128xi32, #tpu.memory_space<vmem>>
            %dma_wait3A_630 = arith.constant 0 : i32
            %dma_wait3A_631 = arith.constant 0 : i32
            %dma_wait3A_632 = tpu.memref_slice %arg7[%dma_wait3A_630, %dma_wait3A_631] : memref<16384x16xf32, #tpu.memory_space<vmem_shared>> -> memref<16384x16xf32, #tpu.memory_space<vmem_shared>>
            tpu.wait_indirect_dma semaphore(%arg15 : memref<!tpu.dma_semaphore, #tpu.memory_space<semaphore_mem>>) src(%dma_wait3A_626 : memref<128x16xf32, #tpu.memory_space<vmem>>) dst(%dma_wait3A_632 : memref<16384x16xf32, #tpu.memory_space<vmem_shared>>)
          } else {
          }
          %add3A_327 = arith.constant 1 : i32
          %add3A_328 = arith.addi %add3A_321, %add3A_327 : i32
          %lt3A_329 = arith.constant 22 : i32
          %lt3A_330 = arith.cmpi slt, %add3A_328, %lt3A_329 : i32
          %convert_element_type3A_331 = arith.extui %lt3A_330 : i1 to i32
          %cond3A_332 = arith.constant 0 : i32
          %cond3A_333 = arith.cmpi ne, %convert_element_type3A_331, %cond3A_332 : i32
          scf.if %cond3A_333 {
            %add3A_543 = arith.constant 1 : i32
            %add3A_544 = arith.addi %add3A_321, %add3A_543 : i32
            %sub3A_545 = arith.constant 1 : i32
            %sub3A_546 = arith.subi %add3A_8, %sub3A_545 : i32
            %mul3A_547 = arith.constant 6 : i32
            %mul3A_548 = arith.muli %add3A_544, %mul3A_547 : i32
            %add3A_549 = arith.constant 0 : i32
            %add3A_550 = arith.addi %mul3A_548, %add3A_549 : i32
            %dma_start3A_551 = arith.constant 0 : i32
            %dma_start3A_552 = arith.constant 0 : i32
            %dma_start3A_553 = arith.constant 0 : i32
            %dma_start3A_554 = tpu.memref_slice %arg11[%dma_start3A_551, %dma_start3A_552, %dma_start3A_553] : memref<2x768x16xf32, #tpu.memory_space<vmem>> -> memref<1x128x16xf32, #tpu.memory_space<vmem>>
            %dma_start3A_555 = tpu.memref_squeeze %dma_start3A_554 : memref<1x128x16xf32, #tpu.memory_space<vmem>> -> memref<128x16xf32, #tpu.memory_space<vmem>>
            %dma_start3A_556 = arith.constant 0 : i32
            %dma_start3A_557 = tpu.memref_slice %arg8[%add3A_550, %dma_start3A_556] : memref<132x128xi32, #tpu.memory_space<vmem>> -> memref<1x128xi32, #tpu.memory_space<vmem>>
            %dma_start3A_558 = tpu.memref_squeeze %dma_start3A_557 : memref<1x128xi32, #tpu.memory_space<vmem>> -> memref<128xi32, #tpu.memory_space<vmem>>
            %dma_start3A_559 = arith.constant 0 : i32
            %dma_start3A_560 = arith.constant 0 : i32
            %dma_start3A_561 = tpu.memref_slice %arg6[%sub3A_546, %dma_start3A_559, %dma_start3A_560] : memref<16x16384x16xf32, #tpu.memory_space<hbm>> -> memref<1x16384x16xf32, #tpu.memory_space<hbm>>
            %dma_start3A_562 = tpu.memref_squeeze %dma_start3A_561 : memref<1x16384x16xf32, #tpu.memory_space<hbm>> -> memref<16384x16xf32, #tpu.memory_space<hbm>>
            %dma_start3A_563 = arith.constant 0 : i32
            %dma_start3A_564 = arith.constant 0 : i32
            %dma_start3A_565 = tpu.memref_slice %dma_start3A_562[%dma_start3A_563, %dma_start3A_564] : memref<16384x16xf32, #tpu.memory_space<hbm>> -> memref<16384x16xf32, #tpu.memory_space<hbm>>
            tpu.enqueue_indirect_dma source(%dma_start3A_565 : memref<16384x16xf32, #tpu.memory_space<hbm>>) target(%dma_start3A_555 : memref<128x16xf32, #tpu.memory_space<vmem>>) offsets(%dma_start3A_558 : memref<128xi32, #tpu.memory_space<vmem>>) semaphore(%arg13 : memref<!tpu.dma_semaphore, #tpu.memory_space<semaphore_mem>>)
            %mul3A_566 = arith.constant 6 : i32
            %mul3A_567 = arith.muli %add3A_544, %mul3A_566 : i32
            %add3A_568 = arith.constant 1 : i32
            %add3A_569 = arith.addi %mul3A_567, %add3A_568 : i32
            %dma_start3A_570 = arith.constant 0 : i32
            %dma_start3A_571 = arith.constant 128 : i32
            %dma_start3A_572 = arith.constant 0 : i32
            %dma_start3A_573 = tpu.memref_slice %arg11[%dma_start3A_570, %dma_start3A_571, %dma_start3A_572] : memref<2x768x16xf32, #tpu.memory_space<vmem>> -> memref<1x128x16xf32, #tpu.memory_space<vmem>>
            %dma_start3A_574 = tpu.memref_squeeze %dma_start3A_573 : memref<1x128x16xf32, #tpu.memory_space<vmem>> -> memref<128x16xf32, #tpu.memory_space<vmem>>
            %dma_start3A_575 = arith.constant 0 : i32
            %dma_start3A_576 = tpu.memref_slice %arg8[%add3A_569, %dma_start3A_575] : memref<132x128xi32, #tpu.memory_space<vmem>> -> memref<1x128xi32, #tpu.memory_space<vmem>>
            %dma_start3A_577 = tpu.memref_squeeze %dma_start3A_576 : memref<1x128xi32, #tpu.memory_space<vmem>> -> memref<128xi32, #tpu.memory_space<vmem>>
            %dma_start3A_578 = arith.constant 0 : i32
            %dma_start3A_579 = arith.constant 0 : i32
            %dma_start3A_580 = tpu.memref_slice %arg6[%sub3A_546, %dma_start3A_578, %dma_start3A_579] : memref<16x16384x16xf32, #tpu.memory_space<hbm>> -> memref<1x16384x16xf32, #tpu.memory_space<hbm>>
            %dma_start3A_581 = tpu.memref_squeeze %dma_start3A_580 : memref<1x16384x16xf32, #tpu.memory_space<hbm>> -> memref<16384x16xf32, #tpu.memory_space<hbm>>
            %dma_start3A_582 = arith.constant 0 : i32
            %dma_start3A_583 = arith.constant 0 : i32
            %dma_start3A_584 = tpu.memref_slice %dma_start3A_581[%dma_start3A_582, %dma_start3A_583] : memref<16384x16xf32, #tpu.memory_space<hbm>> -> memref<16384x16xf32, #tpu.memory_space<hbm>>
            tpu.enqueue_indirect_dma source(%dma_start3A_584 : memref<16384x16xf32, #tpu.memory_space<hbm>>) target(%dma_start3A_574 : memref<128x16xf32, #tpu.memory_space<vmem>>) offsets(%dma_start3A_577 : memref<128xi32, #tpu.memory_space<vmem>>) semaphore(%arg13 : memref<!tpu.dma_semaphore, #tpu.memory_space<semaphore_mem>>)
            %mul3A_585 = arith.constant 6 : i32
            %mul3A_586 = arith.muli %add3A_544, %mul3A_585 : i32
            %add3A_587 = arith.constant 2 : i32
            %add3A_588 = arith.addi %mul3A_586, %add3A_587 : i32
            %dma_start3A_589 = arith.constant 0 : i32
            %dma_start3A_590 = arith.constant 256 : i32
            %dma_start3A_591 = arith.constant 0 : i32
            %dma_start3A_592 = tpu.memref_slice %arg11[%dma_start3A_589, %dma_start3A_590, %dma_start3A_591] : memref<2x768x16xf32, #tpu.memory_space<vmem>> -> memref<1x128x16xf32, #tpu.memory_space<vmem>>
            %dma_start3A_593 = tpu.memref_squeeze %dma_start3A_592 : memref<1x128x16xf32, #tpu.memory_space<vmem>> -> memref<128x16xf32, #tpu.memory_space<vmem>>
            %dma_start3A_594 = arith.constant 0 : i32
            %dma_start3A_595 = tpu.memref_slice %arg8[%add3A_588, %dma_start3A_594] : memref<132x128xi32, #tpu.memory_space<vmem>> -> memref<1x128xi32, #tpu.memory_space<vmem>>
            %dma_start3A_596 = tpu.memref_squeeze %dma_start3A_595 : memref<1x128xi32, #tpu.memory_space<vmem>> -> memref<128xi32, #tpu.memory_space<vmem>>
            %dma_start3A_597 = arith.constant 0 : i32
            %dma_start3A_598 = arith.constant 0 : i32
            %dma_start3A_599 = tpu.memref_slice %arg6[%sub3A_546, %dma_start3A_597, %dma_start3A_598] : memref<16x16384x16xf32, #tpu.memory_space<hbm>> -> memref<1x16384x16xf32, #tpu.memory_space<hbm>>
            %dma_start3A_600 = tpu.memref_squeeze %dma_start3A_599 : memref<1x16384x16xf32, #tpu.memory_space<hbm>> -> memref<16384x16xf32, #tpu.memory_space<hbm>>
            %dma_start3A_601 = arith.constant 0 : i32
            %dma_start3A_602 = arith.constant 0 : i32
            %dma_start3A_603 = tpu.memref_slice %dma_start3A_600[%dma_start3A_601, %dma_start3A_602] : memref<16384x16xf32, #tpu.memory_space<hbm>> -> memref<16384x16xf32, #tpu.memory_space<hbm>>
            tpu.enqueue_indirect_dma source(%dma_start3A_603 : memref<16384x16xf32, #tpu.memory_space<hbm>>) target(%dma_start3A_593 : memref<128x16xf32, #tpu.memory_space<vmem>>) offsets(%dma_start3A_596 : memref<128xi32, #tpu.memory_space<vmem>>) semaphore(%arg13 : memref<!tpu.dma_semaphore, #tpu.memory_space<semaphore_mem>>)
            %mul3A_604 = arith.constant 6 : i32
            %mul3A_605 = arith.muli %add3A_544, %mul3A_604 : i32
            %add3A_606 = arith.constant 3 : i32
            %add3A_607 = arith.addi %mul3A_605, %add3A_606 : i32
            %dma_start3A_608 = arith.constant 0 : i32
            %dma_start3A_609 = arith.constant 384 : i32
            %dma_start3A_610 = arith.constant 0 : i32
            %dma_start3A_611 = tpu.memref_slice %arg11[%dma_start3A_608, %dma_start3A_609, %dma_start3A_610] : memref<2x768x16xf32, #tpu.memory_space<vmem>> -> memref<1x128x16xf32, #tpu.memory_space<vmem>>
            %dma_start3A_612 = tpu.memref_squeeze %dma_start3A_611 : memref<1x128x16xf32, #tpu.memory_space<vmem>> -> memref<128x16xf32, #tpu.memory_space<vmem>>
            %dma_start3A_613 = arith.constant 0 : i32
            %dma_start3A_614 = tpu.memref_slice %arg8[%add3A_607, %dma_start3A_613] : memref<132x128xi32, #tpu.memory_space<vmem>> -> memref<1x128xi32, #tpu.memory_space<vmem>>
            %dma_start3A_615 = tpu.memref_squeeze %dma_start3A_614 : memref<1x128xi32, #tpu.memory_space<vmem>> -> memref<128xi32, #tpu.memory_space<vmem>>
            %dma_start3A_616 = arith.constant 0 : i32
            %dma_start3A_617 = arith.constant 0 : i32
            %dma_start3A_618 = tpu.memref_slice %arg6[%sub3A_546, %dma_start3A_616, %dma_start3A_617] : memref<16x16384x16xf32, #tpu.memory_space<hbm>> -> memref<1x16384x16xf32, #tpu.memory_space<hbm>>
            %dma_start3A_619 = tpu.memref_squeeze %dma_start3A_618 : memref<1x16384x16xf32, #tpu.memory_space<hbm>> -> memref<16384x16xf32, #tpu.memory_space<hbm>>
            %dma_start3A_620 = arith.constant 0 : i32
            %dma_start3A_621 = arith.constant 0 : i32
            %dma_start3A_622 = tpu.memref_slice %dma_start3A_619[%dma_start3A_620, %dma_start3A_621] : memref<16384x16xf32, #tpu.memory_space<hbm>> -> memref<16384x16xf32, #tpu.memory_space<hbm>>
            tpu.enqueue_indirect_dma source(%dma_start3A_622 : memref<16384x16xf32, #tpu.memory_space<hbm>>) target(%dma_start3A_612 : memref<128x16xf32, #tpu.memory_space<vmem>>) offsets(%dma_start3A_615 : memref<128xi32, #tpu.memory_space<vmem>>) semaphore(%arg13 : memref<!tpu.dma_semaphore, #tpu.memory_space<semaphore_mem>>)
            %mul3A_623 = arith.constant 6 : i32
            %mul3A_624 = arith.muli %add3A_544, %mul3A_623 : i32
            %add3A_625 = arith.constant 4 : i32
            %add3A_626 = arith.addi %mul3A_624, %add3A_625 : i32
            %dma_start3A_627 = arith.constant 0 : i32
            %dma_start3A_628 = arith.constant 512 : i32
            %dma_start3A_629 = arith.constant 0 : i32
            %dma_start3A_630 = tpu.memref_slice %arg11[%dma_start3A_627, %dma_start3A_628, %dma_start3A_629] : memref<2x768x16xf32, #tpu.memory_space<vmem>> -> memref<1x128x16xf32, #tpu.memory_space<vmem>>
            %dma_start3A_631 = tpu.memref_squeeze %dma_start3A_630 : memref<1x128x16xf32, #tpu.memory_space<vmem>> -> memref<128x16xf32, #tpu.memory_space<vmem>>
            %dma_start3A_632 = arith.constant 0 : i32
            %dma_start3A_633 = tpu.memref_slice %arg8[%add3A_626, %dma_start3A_632] : memref<132x128xi32, #tpu.memory_space<vmem>> -> memref<1x128xi32, #tpu.memory_space<vmem>>
            %dma_start3A_634 = tpu.memref_squeeze %dma_start3A_633 : memref<1x128xi32, #tpu.memory_space<vmem>> -> memref<128xi32, #tpu.memory_space<vmem>>
            %dma_start3A_635 = arith.constant 0 : i32
            %dma_start3A_636 = arith.constant 0 : i32
            %dma_start3A_637 = tpu.memref_slice %arg6[%sub3A_546, %dma_start3A_635, %dma_start3A_636] : memref<16x16384x16xf32, #tpu.memory_space<hbm>> -> memref<1x16384x16xf32, #tpu.memory_space<hbm>>
            %dma_start3A_638 = tpu.memref_squeeze %dma_start3A_637 : memref<1x16384x16xf32, #tpu.memory_space<hbm>> -> memref<16384x16xf32, #tpu.memory_space<hbm>>
            %dma_start3A_639 = arith.constant 0 : i32
            %dma_start3A_640 = arith.constant 0 : i32
            %dma_start3A_641 = tpu.memref_slice %dma_start3A_638[%dma_start3A_639, %dma_start3A_640] : memref<16384x16xf32, #tpu.memory_space<hbm>> -> memref<16384x16xf32, #tpu.memory_space<hbm>>
            tpu.enqueue_indirect_dma source(%dma_start3A_641 : memref<16384x16xf32, #tpu.memory_space<hbm>>) target(%dma_start3A_631 : memref<128x16xf32, #tpu.memory_space<vmem>>) offsets(%dma_start3A_634 : memref<128xi32, #tpu.memory_space<vmem>>) semaphore(%arg13 : memref<!tpu.dma_semaphore, #tpu.memory_space<semaphore_mem>>)
            %mul3A_642 = arith.constant 6 : i32
            %mul3A_643 = arith.muli %add3A_544, %mul3A_642 : i32
            %add3A_644 = arith.constant 5 : i32
            %add3A_645 = arith.addi %mul3A_643, %add3A_644 : i32
            %dma_start3A_646 = arith.constant 0 : i32
            %dma_start3A_647 = arith.constant 640 : i32
            %dma_start3A_648 = arith.constant 0 : i32
            %dma_start3A_649 = tpu.memref_slice %arg11[%dma_start3A_646, %dma_start3A_647, %dma_start3A_648] : memref<2x768x16xf32, #tpu.memory_space<vmem>> -> memref<1x128x16xf32, #tpu.memory_space<vmem>>
            %dma_start3A_650 = tpu.memref_squeeze %dma_start3A_649 : memref<1x128x16xf32, #tpu.memory_space<vmem>> -> memref<128x16xf32, #tpu.memory_space<vmem>>
            %dma_start3A_651 = arith.constant 0 : i32
            %dma_start3A_652 = tpu.memref_slice %arg8[%add3A_645, %dma_start3A_651] : memref<132x128xi32, #tpu.memory_space<vmem>> -> memref<1x128xi32, #tpu.memory_space<vmem>>
            %dma_start3A_653 = tpu.memref_squeeze %dma_start3A_652 : memref<1x128xi32, #tpu.memory_space<vmem>> -> memref<128xi32, #tpu.memory_space<vmem>>
            %dma_start3A_654 = arith.constant 0 : i32
            %dma_start3A_655 = arith.constant 0 : i32
            %dma_start3A_656 = tpu.memref_slice %arg6[%sub3A_546, %dma_start3A_654, %dma_start3A_655] : memref<16x16384x16xf32, #tpu.memory_space<hbm>> -> memref<1x16384x16xf32, #tpu.memory_space<hbm>>
            %dma_start3A_657 = tpu.memref_squeeze %dma_start3A_656 : memref<1x16384x16xf32, #tpu.memory_space<hbm>> -> memref<16384x16xf32, #tpu.memory_space<hbm>>
            %dma_start3A_658 = arith.constant 0 : i32
            %dma_start3A_659 = arith.constant 0 : i32
            %dma_start3A_660 = tpu.memref_slice %dma_start3A_657[%dma_start3A_658, %dma_start3A_659] : memref<16384x16xf32, #tpu.memory_space<hbm>> -> memref<16384x16xf32, #tpu.memory_space<hbm>>
            tpu.enqueue_indirect_dma source(%dma_start3A_660 : memref<16384x16xf32, #tpu.memory_space<hbm>>) target(%dma_start3A_650 : memref<128x16xf32, #tpu.memory_space<vmem>>) offsets(%dma_start3A_653 : memref<128xi32, #tpu.memory_space<vmem>>) semaphore(%arg13 : memref<!tpu.dma_semaphore, #tpu.memory_space<semaphore_mem>>)
          } else {
          }
          %sub3A_334 = arith.constant 1 : i32
          %sub3A_335 = arith.subi %add3A_8, %sub3A_334 : i32
          %mul3A_336 = arith.constant 6 : i32
          %mul3A_337 = arith.muli %add3A_321, %mul3A_336 : i32
          %add3A_338 = arith.constant 0 : i32
          %add3A_339 = arith.addi %mul3A_337, %add3A_338 : i32
          %dma_wait3A_340 = arith.constant 1 : i32
          %dma_wait3A_341 = arith.constant 0 : i32
          %dma_wait3A_342 = arith.constant 0 : i32
          %dma_wait3A_343 = tpu.memref_slice %arg11[%dma_wait3A_340, %dma_wait3A_341, %dma_wait3A_342] : memref<2x768x16xf32, #tpu.memory_space<vmem>> -> memref<1x128x16xf32, #tpu.memory_space<vmem>>
          %dma_wait3A_344 = tpu.memref_squeeze %dma_wait3A_343 : memref<1x128x16xf32, #tpu.memory_space<vmem>> -> memref<128x16xf32, #tpu.memory_space<vmem>>
          %dma_wait3A_345 = arith.constant 0 : i32
          %dma_wait3A_346 = tpu.memref_slice %arg8[%add3A_339, %dma_wait3A_345] : memref<132x128xi32, #tpu.memory_space<vmem>> -> memref<1x128xi32, #tpu.memory_space<vmem>>
          %dma_wait3A_347 = tpu.memref_squeeze %dma_wait3A_346 : memref<1x128xi32, #tpu.memory_space<vmem>> -> memref<128xi32, #tpu.memory_space<vmem>>
          %dma_wait3A_348 = arith.constant 0 : i32
          %dma_wait3A_349 = arith.constant 0 : i32
          %dma_wait3A_350 = tpu.memref_slice %arg6[%sub3A_335, %dma_wait3A_348, %dma_wait3A_349] : memref<16x16384x16xf32, #tpu.memory_space<hbm>> -> memref<1x16384x16xf32, #tpu.memory_space<hbm>>
          %dma_wait3A_351 = tpu.memref_squeeze %dma_wait3A_350 : memref<1x16384x16xf32, #tpu.memory_space<hbm>> -> memref<16384x16xf32, #tpu.memory_space<hbm>>
          %dma_wait3A_352 = arith.constant 0 : i32
          %dma_wait3A_353 = arith.constant 0 : i32
          %dma_wait3A_354 = tpu.memref_slice %dma_wait3A_351[%dma_wait3A_352, %dma_wait3A_353] : memref<16384x16xf32, #tpu.memory_space<hbm>> -> memref<16384x16xf32, #tpu.memory_space<hbm>>
          tpu.wait_indirect_dma semaphore(%arg14 : memref<!tpu.dma_semaphore, #tpu.memory_space<semaphore_mem>>) src(%dma_wait3A_354 : memref<16384x16xf32, #tpu.memory_space<hbm>>) dst(%dma_wait3A_344 : memref<128x16xf32, #tpu.memory_space<vmem>>)
          %mul3A_355 = arith.constant 6 : i32
          %mul3A_356 = arith.muli %add3A_321, %mul3A_355 : i32
          %add3A_357 = arith.constant 1 : i32
          %add3A_358 = arith.addi %mul3A_356, %add3A_357 : i32
          %dma_wait3A_359 = arith.constant 1 : i32
          %dma_wait3A_360 = arith.constant 128 : i32
          %dma_wait3A_361 = arith.constant 0 : i32
          %dma_wait3A_362 = tpu.memref_slice %arg11[%dma_wait3A_359, %dma_wait3A_360, %dma_wait3A_361] : memref<2x768x16xf32, #tpu.memory_space<vmem>> -> memref<1x128x16xf32, #tpu.memory_space<vmem>>
          %dma_wait3A_363 = tpu.memref_squeeze %dma_wait3A_362 : memref<1x128x16xf32, #tpu.memory_space<vmem>> -> memref<128x16xf32, #tpu.memory_space<vmem>>
          %dma_wait3A_364 = arith.constant 0 : i32
          %dma_wait3A_365 = tpu.memref_slice %arg8[%add3A_358, %dma_wait3A_364] : memref<132x128xi32, #tpu.memory_space<vmem>> -> memref<1x128xi32, #tpu.memory_space<vmem>>
          %dma_wait3A_366 = tpu.memref_squeeze %dma_wait3A_365 : memref<1x128xi32, #tpu.memory_space<vmem>> -> memref<128xi32, #tpu.memory_space<vmem>>
          %dma_wait3A_367 = arith.constant 0 : i32
          %dma_wait3A_368 = arith.constant 0 : i32
          %dma_wait3A_369 = tpu.memref_slice %arg6[%sub3A_335, %dma_wait3A_367, %dma_wait3A_368] : memref<16x16384x16xf32, #tpu.memory_space<hbm>> -> memref<1x16384x16xf32, #tpu.memory_space<hbm>>
          %dma_wait3A_370 = tpu.memref_squeeze %dma_wait3A_369 : memref<1x16384x16xf32, #tpu.memory_space<hbm>> -> memref<16384x16xf32, #tpu.memory_space<hbm>>
          %dma_wait3A_371 = arith.constant 0 : i32
          %dma_wait3A_372 = arith.constant 0 : i32
          %dma_wait3A_373 = tpu.memref_slice %dma_wait3A_370[%dma_wait3A_371, %dma_wait3A_372] : memref<16384x16xf32, #tpu.memory_space<hbm>> -> memref<16384x16xf32, #tpu.memory_space<hbm>>
          tpu.wait_indirect_dma semaphore(%arg14 : memref<!tpu.dma_semaphore, #tpu.memory_space<semaphore_mem>>) src(%dma_wait3A_373 : memref<16384x16xf32, #tpu.memory_space<hbm>>) dst(%dma_wait3A_363 : memref<128x16xf32, #tpu.memory_space<vmem>>)
          %mul3A_374 = arith.constant 6 : i32
          %mul3A_375 = arith.muli %add3A_321, %mul3A_374 : i32
          %add3A_376 = arith.constant 2 : i32
          %add3A_377 = arith.addi %mul3A_375, %add3A_376 : i32
          %dma_wait3A_378 = arith.constant 1 : i32
          %dma_wait3A_379 = arith.constant 256 : i32
          %dma_wait3A_380 = arith.constant 0 : i32
          %dma_wait3A_381 = tpu.memref_slice %arg11[%dma_wait3A_378, %dma_wait3A_379, %dma_wait3A_380] : memref<2x768x16xf32, #tpu.memory_space<vmem>> -> memref<1x128x16xf32, #tpu.memory_space<vmem>>
          %dma_wait3A_382 = tpu.memref_squeeze %dma_wait3A_381 : memref<1x128x16xf32, #tpu.memory_space<vmem>> -> memref<128x16xf32, #tpu.memory_space<vmem>>
          %dma_wait3A_383 = arith.constant 0 : i32
          %dma_wait3A_384 = tpu.memref_slice %arg8[%add3A_377, %dma_wait3A_383] : memref<132x128xi32, #tpu.memory_space<vmem>> -> memref<1x128xi32, #tpu.memory_space<vmem>>
          %dma_wait3A_385 = tpu.memref_squeeze %dma_wait3A_384 : memref<1x128xi32, #tpu.memory_space<vmem>> -> memref<128xi32, #tpu.memory_space<vmem>>
          %dma_wait3A_386 = arith.constant 0 : i32
          %dma_wait3A_387 = arith.constant 0 : i32
          %dma_wait3A_388 = tpu.memref_slice %arg6[%sub3A_335, %dma_wait3A_386, %dma_wait3A_387] : memref<16x16384x16xf32, #tpu.memory_space<hbm>> -> memref<1x16384x16xf32, #tpu.memory_space<hbm>>
          %dma_wait3A_389 = tpu.memref_squeeze %dma_wait3A_388 : memref<1x16384x16xf32, #tpu.memory_space<hbm>> -> memref<16384x16xf32, #tpu.memory_space<hbm>>
          %dma_wait3A_390 = arith.constant 0 : i32
          %dma_wait3A_391 = arith.constant 0 : i32
          %dma_wait3A_392 = tpu.memref_slice %dma_wait3A_389[%dma_wait3A_390, %dma_wait3A_391] : memref<16384x16xf32, #tpu.memory_space<hbm>> -> memref<16384x16xf32, #tpu.memory_space<hbm>>
          tpu.wait_indirect_dma semaphore(%arg14 : memref<!tpu.dma_semaphore, #tpu.memory_space<semaphore_mem>>) src(%dma_wait3A_392 : memref<16384x16xf32, #tpu.memory_space<hbm>>) dst(%dma_wait3A_382 : memref<128x16xf32, #tpu.memory_space<vmem>>)
          %mul3A_393 = arith.constant 6 : i32
          %mul3A_394 = arith.muli %add3A_321, %mul3A_393 : i32
          %add3A_395 = arith.constant 3 : i32
          %add3A_396 = arith.addi %mul3A_394, %add3A_395 : i32
          %dma_wait3A_397 = arith.constant 1 : i32
          %dma_wait3A_398 = arith.constant 384 : i32
          %dma_wait3A_399 = arith.constant 0 : i32
          %dma_wait3A_400 = tpu.memref_slice %arg11[%dma_wait3A_397, %dma_wait3A_398, %dma_wait3A_399] : memref<2x768x16xf32, #tpu.memory_space<vmem>> -> memref<1x128x16xf32, #tpu.memory_space<vmem>>
          %dma_wait3A_401 = tpu.memref_squeeze %dma_wait3A_400 : memref<1x128x16xf32, #tpu.memory_space<vmem>> -> memref<128x16xf32, #tpu.memory_space<vmem>>
          %dma_wait3A_402 = arith.constant 0 : i32
          %dma_wait3A_403 = tpu.memref_slice %arg8[%add3A_396, %dma_wait3A_402] : memref<132x128xi32, #tpu.memory_space<vmem>> -> memref<1x128xi32, #tpu.memory_space<vmem>>
          %dma_wait3A_404 = tpu.memref_squeeze %dma_wait3A_403 : memref<1x128xi32, #tpu.memory_space<vmem>> -> memref<128xi32, #tpu.memory_space<vmem>>
          %dma_wait3A_405 = arith.constant 0 : i32
          %dma_wait3A_406 = arith.constant 0 : i32
          %dma_wait3A_407 = tpu.memref_slice %arg6[%sub3A_335, %dma_wait3A_405, %dma_wait3A_406] : memref<16x16384x16xf32, #tpu.memory_space<hbm>> -> memref<1x16384x16xf32, #tpu.memory_space<hbm>>
          %dma_wait3A_408 = tpu.memref_squeeze %dma_wait3A_407 : memref<1x16384x16xf32, #tpu.memory_space<hbm>> -> memref<16384x16xf32, #tpu.memory_space<hbm>>
          %dma_wait3A_409 = arith.constant 0 : i32
          %dma_wait3A_410 = arith.constant 0 : i32
          %dma_wait3A_411 = tpu.memref_slice %dma_wait3A_408[%dma_wait3A_409, %dma_wait3A_410] : memref<16384x16xf32, #tpu.memory_space<hbm>> -> memref<16384x16xf32, #tpu.memory_space<hbm>>
          tpu.wait_indirect_dma semaphore(%arg14 : memref<!tpu.dma_semaphore, #tpu.memory_space<semaphore_mem>>) src(%dma_wait3A_411 : memref<16384x16xf32, #tpu.memory_space<hbm>>) dst(%dma_wait3A_401 : memref<128x16xf32, #tpu.memory_space<vmem>>)
          %mul3A_412 = arith.constant 6 : i32
          %mul3A_413 = arith.muli %add3A_321, %mul3A_412 : i32
          %add3A_414 = arith.constant 4 : i32
          %add3A_415 = arith.addi %mul3A_413, %add3A_414 : i32
          %dma_wait3A_416 = arith.constant 1 : i32
          %dma_wait3A_417 = arith.constant 512 : i32
          %dma_wait3A_418 = arith.constant 0 : i32
          %dma_wait3A_419 = tpu.memref_slice %arg11[%dma_wait3A_416, %dma_wait3A_417, %dma_wait3A_418] : memref<2x768x16xf32, #tpu.memory_space<vmem>> -> memref<1x128x16xf32, #tpu.memory_space<vmem>>
          %dma_wait3A_420 = tpu.memref_squeeze %dma_wait3A_419 : memref<1x128x16xf32, #tpu.memory_space<vmem>> -> memref<128x16xf32, #tpu.memory_space<vmem>>
          %dma_wait3A_421 = arith.constant 0 : i32
          %dma_wait3A_422 = tpu.memref_slice %arg8[%add3A_415, %dma_wait3A_421] : memref<132x128xi32, #tpu.memory_space<vmem>> -> memref<1x128xi32, #tpu.memory_space<vmem>>
          %dma_wait3A_423 = tpu.memref_squeeze %dma_wait3A_422 : memref<1x128xi32, #tpu.memory_space<vmem>> -> memref<128xi32, #tpu.memory_space<vmem>>
          %dma_wait3A_424 = arith.constant 0 : i32
          %dma_wait3A_425 = arith.constant 0 : i32
          %dma_wait3A_426 = tpu.memref_slice %arg6[%sub3A_335, %dma_wait3A_424, %dma_wait3A_425] : memref<16x16384x16xf32, #tpu.memory_space<hbm>> -> memref<1x16384x16xf32, #tpu.memory_space<hbm>>
          %dma_wait3A_427 = tpu.memref_squeeze %dma_wait3A_426 : memref<1x16384x16xf32, #tpu.memory_space<hbm>> -> memref<16384x16xf32, #tpu.memory_space<hbm>>
          %dma_wait3A_428 = arith.constant 0 : i32
          %dma_wait3A_429 = arith.constant 0 : i32
          %dma_wait3A_430 = tpu.memref_slice %dma_wait3A_427[%dma_wait3A_428, %dma_wait3A_429] : memref<16384x16xf32, #tpu.memory_space<hbm>> -> memref<16384x16xf32, #tpu.memory_space<hbm>>
          tpu.wait_indirect_dma semaphore(%arg14 : memref<!tpu.dma_semaphore, #tpu.memory_space<semaphore_mem>>) src(%dma_wait3A_430 : memref<16384x16xf32, #tpu.memory_space<hbm>>) dst(%dma_wait3A_420 : memref<128x16xf32, #tpu.memory_space<vmem>>)
          %mul3A_431 = arith.constant 6 : i32
          %mul3A_432 = arith.muli %add3A_321, %mul3A_431 : i32
          %add3A_433 = arith.constant 5 : i32
          %add3A_434 = arith.addi %mul3A_432, %add3A_433 : i32
          %dma_wait3A_435 = arith.constant 1 : i32
          %dma_wait3A_436 = arith.constant 640 : i32
          %dma_wait3A_437 = arith.constant 0 : i32
          %dma_wait3A_438 = tpu.memref_slice %arg11[%dma_wait3A_435, %dma_wait3A_436, %dma_wait3A_437] : memref<2x768x16xf32, #tpu.memory_space<vmem>> -> memref<1x128x16xf32, #tpu.memory_space<vmem>>
          %dma_wait3A_439 = tpu.memref_squeeze %dma_wait3A_438 : memref<1x128x16xf32, #tpu.memory_space<vmem>> -> memref<128x16xf32, #tpu.memory_space<vmem>>
          %dma_wait3A_440 = arith.constant 0 : i32
          %dma_wait3A_441 = tpu.memref_slice %arg8[%add3A_434, %dma_wait3A_440] : memref<132x128xi32, #tpu.memory_space<vmem>> -> memref<1x128xi32, #tpu.memory_space<vmem>>
          %dma_wait3A_442 = tpu.memref_squeeze %dma_wait3A_441 : memref<1x128xi32, #tpu.memory_space<vmem>> -> memref<128xi32, #tpu.memory_space<vmem>>
          %dma_wait3A_443 = arith.constant 0 : i32
          %dma_wait3A_444 = arith.constant 0 : i32
          %dma_wait3A_445 = tpu.memref_slice %arg6[%sub3A_335, %dma_wait3A_443, %dma_wait3A_444] : memref<16x16384x16xf32, #tpu.memory_space<hbm>> -> memref<1x16384x16xf32, #tpu.memory_space<hbm>>
          %dma_wait3A_446 = tpu.memref_squeeze %dma_wait3A_445 : memref<1x16384x16xf32, #tpu.memory_space<hbm>> -> memref<16384x16xf32, #tpu.memory_space<hbm>>
          %dma_wait3A_447 = arith.constant 0 : i32
          %dma_wait3A_448 = arith.constant 0 : i32
          %dma_wait3A_449 = tpu.memref_slice %dma_wait3A_446[%dma_wait3A_447, %dma_wait3A_448] : memref<16384x16xf32, #tpu.memory_space<hbm>> -> memref<16384x16xf32, #tpu.memory_space<hbm>>
          tpu.wait_indirect_dma semaphore(%arg14 : memref<!tpu.dma_semaphore, #tpu.memory_space<semaphore_mem>>) src(%dma_wait3A_449 : memref<16384x16xf32, #tpu.memory_space<hbm>>) dst(%dma_wait3A_439 : memref<128x16xf32, #tpu.memory_space<vmem>>)
          %parallel_loop3A_450 = arith.constant 0 : i32
          %parallel_loop3A_451 = arith.constant 48 : i32
          %parallel_loop3A_452 = arith.constant 1 : i32
          scf.for %parallel_loop3A_543 = %parallel_loop3A_450 to %parallel_loop3A_451 step %parallel_loop3A_452  : i32 {
            %parallel_loop3A_544 = arith.constant 768 : i32
            %parallel_loop3A_545 = arith.muli %add3A_321, %parallel_loop3A_544 : i32
            %parallel_loop3A_546 = arith.constant 16 : i32
            %parallel_loop3A_547 = arith.muli %parallel_loop3A_543, %parallel_loop3A_546 : i32
            %parallel_loop3A_548 = arith.addi %parallel_loop3A_545, %parallel_loop3A_547 : i32
            %parallel_loop3A_549 = arith.index_cast %parallel_loop3A_548 : i32 to index
            %parallel_loop3A_550 = tpu.vector_load %arg10[%parallel_loop3A_549] {strides = array<i32>} : memref<16896xf32, #tpu.memory_space<vmem>>, vector<16xf32>,
            %parallel_loop3A_551 = vector.shape_cast %parallel_loop3A_550 : vector<16xf32> to vector<16xf32>
            %parallel_loop3A_552 = vector.extract_strided_slice %parallel_loop3A_551 {offsets = [0], sizes = [1], strides = [1]} : vector<16xf32> to vector<1xf32>
            %parallel_loop3A_553 = vector.extract %parallel_loop3A_552[0] : f32 from vector<1xf32>
            %parallel_loop3A_554 = vector.broadcast %parallel_loop3A_553 : f32 to vector<16xf32>
            %parallel_loop3A_555 = arith.constant 16 : i32
            %parallel_loop3A_556 = arith.muli %parallel_loop3A_543, %parallel_loop3A_555 : i32
            %parallel_loop3A_557 = arith.constant 0 : i32
            %parallel_loop3A_558 = arith.addi %parallel_loop3A_556, %parallel_loop3A_557 : i32
            %parallel_loop3A_559 = arith.constant 1 : i32
            %parallel_loop3A_560 = arith.index_cast %parallel_loop3A_559 : i32 to index
            %parallel_loop3A_561 = arith.index_cast %parallel_loop3A_558 : i32 to index
            %parallel_loop3A_562 = arith.constant 0 : index
            %parallel_loop3A_563 = tpu.vector_load %arg11[%parallel_loop3A_560, %parallel_loop3A_561, %parallel_loop3A_562] {strides = array<i32>} : memref<2x768x16xf32, #tpu.memory_space<vmem>>, vector<1x1x16xf32>,
            %parallel_loop3A_564 = vector.shape_cast %parallel_loop3A_563 : vector<1x1x16xf32> to vector<16xf32>
            %parallel_loop3A_565 = arith.mulf %parallel_loop3A_564, %parallel_loop3A_554 : vector<16xf32>
            %parallel_loop3A_566 = arith.constant 1 : i32
            %parallel_loop3A_567 = arith.index_cast %parallel_loop3A_566 : i32 to index
            %parallel_loop3A_568 = arith.index_cast %parallel_loop3A_558 : i32 to index
            %parallel_loop3A_569 = arith.constant 0 : index
            %parallel_loop3A_570 = tpu.vector_load %arg11[%parallel_loop3A_567, %parallel_loop3A_568, %parallel_loop3A_569] {strides = array<i32>} : memref<2x768x16xf32, #tpu.memory_space<vmem>>, vector<1x1x16xf32>,
            %parallel_loop3A_571 = vector.shape_cast %parallel_loop3A_570 : vector<1x1x16xf32> to vector<16xf32>
            %parallel_loop3A_572 = vector.shape_cast %parallel_loop3A_565 : vector<16xf32> to vector<1x1x16xf32>
            tpu.vector_store %arg11[%parallel_loop3A_567, %parallel_loop3A_568, %parallel_loop3A_569], %parallel_loop3A_572 {strides = array<i32>} : memref<2x768x16xf32, #tpu.memory_space<vmem>>, vector<1x1x16xf32>,
            %parallel_loop3A_573 = vector.extract_strided_slice %parallel_loop3A_551 {offsets = [1], sizes = [1], strides = [1]} : vector<16xf32> to vector<1xf32>
            %parallel_loop3A_574 = vector.extract %parallel_loop3A_573[0] : f32 from vector<1xf32>
            %parallel_loop3A_575 = vector.broadcast %parallel_loop3A_574 : f32 to vector<16xf32>
            %parallel_loop3A_576 = arith.constant 16 : i32
            %parallel_loop3A_577 = arith.muli %parallel_loop3A_543, %parallel_loop3A_576 : i32
            %parallel_loop3A_578 = arith.constant 1 : i32
            %parallel_loop3A_579 = arith.addi %parallel_loop3A_577, %parallel_loop3A_578 : i32
            %parallel_loop3A_580 = arith.constant 1 : i32
            %parallel_loop3A_581 = arith.index_cast %parallel_loop3A_580 : i32 to index
            %parallel_loop3A_582 = arith.index_cast %parallel_loop3A_579 : i32 to index
            %parallel_loop3A_583 = arith.constant 0 : index
            %parallel_loop3A_584 = tpu.vector_load %arg11[%parallel_loop3A_581, %parallel_loop3A_582, %parallel_loop3A_583] {strides = array<i32>} : memref<2x768x16xf32, #tpu.memory_space<vmem>>, vector<1x1x16xf32>,
            %parallel_loop3A_585 = vector.shape_cast %parallel_loop3A_584 : vector<1x1x16xf32> to vector<16xf32>
            %parallel_loop3A_586 = arith.mulf %parallel_loop3A_585, %parallel_loop3A_575 : vector<16xf32>
            %parallel_loop3A_587 = arith.constant 1 : i32
            %parallel_loop3A_588 = arith.index_cast %parallel_loop3A_587 : i32 to index
            %parallel_loop3A_589 = arith.index_cast %parallel_loop3A_579 : i32 to index
            %parallel_loop3A_590 = arith.constant 0 : index
            %parallel_loop3A_591 = tpu.vector_load %arg11[%parallel_loop3A_588, %parallel_loop3A_589, %parallel_loop3A_590] {strides = array<i32>} : memref<2x768x16xf32, #tpu.memory_space<vmem>>, vector<1x1x16xf32>,
            %parallel_loop3A_592 = vector.shape_cast %parallel_loop3A_591 : vector<1x1x16xf32> to vector<16xf32>
            %parallel_loop3A_593 = vector.shape_cast %parallel_loop3A_586 : vector<16xf32> to vector<1x1x16xf32>
            tpu.vector_store %arg11[%parallel_loop3A_588, %parallel_loop3A_589, %parallel_loop3A_590], %parallel_loop3A_593 {strides = array<i32>} : memref<2x768x16xf32, #tpu.memory_space<vmem>>, vector<1x1x16xf32>,
            %parallel_loop3A_594 = vector.extract_strided_slice %parallel_loop3A_551 {offsets = [2], sizes = [1], strides = [1]} : vector<16xf32> to vector<1xf32>
            %parallel_loop3A_595 = vector.extract %parallel_loop3A_594[0] : f32 from vector<1xf32>
            %parallel_loop3A_596 = vector.broadcast %parallel_loop3A_595 : f32 to vector<16xf32>
            %parallel_loop3A_597 = arith.constant 16 : i32
            %parallel_loop3A_598 = arith.muli %parallel_loop3A_543, %parallel_loop3A_597 : i32
            %parallel_loop3A_599 = arith.constant 2 : i32
            %parallel_loop3A_600 = arith.addi %parallel_loop3A_598, %parallel_loop3A_599 : i32
            %parallel_loop3A_601 = arith.constant 1 : i32
            %parallel_loop3A_602 = arith.index_cast %parallel_loop3A_601 : i32 to index
            %parallel_loop3A_603 = arith.index_cast %parallel_loop3A_600 : i32 to index
            %parallel_loop3A_604 = arith.constant 0 : index
            %parallel_loop3A_605 = tpu.vector_load %arg11[%parallel_loop3A_602, %parallel_loop3A_603, %parallel_loop3A_604] {strides = array<i32>} : memref<2x768x16xf32, #tpu.memory_space<vmem>>, vector<1x1x16xf32>,
            %parallel_loop3A_606 = vector.shape_cast %parallel_loop3A_605 : vector<1x1x16xf32> to vector<16xf32>
            %parallel_loop3A_607 = arith.mulf %parallel_loop3A_606, %parallel_loop3A_596 : vector<16xf32>
            %parallel_loop3A_608 = arith.constant 1 : i32
            %parallel_loop3A_609 = arith.index_cast %parallel_loop3A_608 : i32 to index
            %parallel_loop3A_610 = arith.index_cast %parallel_loop3A_600 : i32 to index
            %parallel_loop3A_611 = arith.constant 0 : index
            %parallel_loop3A_612 = tpu.vector_load %arg11[%parallel_loop3A_609, %parallel_loop3A_610, %parallel_loop3A_611] {strides = array<i32>} : memref<2x768x16xf32, #tpu.memory_space<vmem>>, vector<1x1x16xf32>,
            %parallel_loop3A_613 = vector.shape_cast %parallel_loop3A_612 : vector<1x1x16xf32> to vector<16xf32>
            %parallel_loop3A_614 = vector.shape_cast %parallel_loop3A_607 : vector<16xf32> to vector<1x1x16xf32>
            tpu.vector_store %arg11[%parallel_loop3A_609, %parallel_loop3A_610, %parallel_loop3A_611], %parallel_loop3A_614 {strides = array<i32>} : memref<2x768x16xf32, #tpu.memory_space<vmem>>, vector<1x1x16xf32>,
            %parallel_loop3A_615 = vector.extract_strided_slice %parallel_loop3A_551 {offsets = [3], sizes = [1], strides = [1]} : vector<16xf32> to vector<1xf32>
            %parallel_loop3A_616 = vector.extract %parallel_loop3A_615[0] : f32 from vector<1xf32>
            %parallel_loop3A_617 = vector.broadcast %parallel_loop3A_616 : f32 to vector<16xf32>
            %parallel_loop3A_618 = arith.constant 16 : i32
            %parallel_loop3A_619 = arith.muli %parallel_loop3A_543, %parallel_loop3A_618 : i32
            %parallel_loop3A_620 = arith.constant 3 : i32
            %parallel_loop3A_621 = arith.addi %parallel_loop3A_619, %parallel_loop3A_620 : i32
            %parallel_loop3A_622 = arith.constant 1 : i32
            %parallel_loop3A_623 = arith.index_cast %parallel_loop3A_622 : i32 to index
            %parallel_loop3A_624 = arith.index_cast %parallel_loop3A_621 : i32 to index
            %parallel_loop3A_625 = arith.constant 0 : index
            %parallel_loop3A_626 = tpu.vector_load %arg11[%parallel_loop3A_623, %parallel_loop3A_624, %parallel_loop3A_625] {strides = array<i32>} : memref<2x768x16xf32, #tpu.memory_space<vmem>>, vector<1x1x16xf32>,
            %parallel_loop3A_627 = vector.shape_cast %parallel_loop3A_626 : vector<1x1x16xf32> to vector<16xf32>
            %parallel_loop3A_628 = arith.mulf %parallel_loop3A_627, %parallel_loop3A_617 : vector<16xf32>
            %parallel_loop3A_629 = arith.constant 1 : i32
            %parallel_loop3A_630 = arith.index_cast %parallel_loop3A_629 : i32 to index
            %parallel_loop3A_631 = arith.index_cast %parallel_loop3A_621 : i32 to index
            %parallel_loop3A_632 = arith.constant 0 : index
            %parallel_loop3A_633 = tpu.vector_load %arg11[%parallel_loop3A_630, %parallel_loop3A_631, %parallel_loop3A_632] {strides = array<i32>} : memref<2x768x16xf32, #tpu.memory_space<vmem>>, vector<1x1x16xf32>,
            %parallel_loop3A_634 = vector.shape_cast %parallel_loop3A_633 : vector<1x1x16xf32> to vector<16xf32>
            %parallel_loop3A_635 = vector.shape_cast %parallel_loop3A_628 : vector<16xf32> to vector<1x1x16xf32>
            tpu.vector_store %arg11[%parallel_loop3A_630, %parallel_loop3A_631, %parallel_loop3A_632], %parallel_loop3A_635 {strides = array<i32>} : memref<2x768x16xf32, #tpu.memory_space<vmem>>, vector<1x1x16xf32>,
            %parallel_loop3A_636 = vector.extract_strided_slice %parallel_loop3A_551 {offsets = [4], sizes = [1], strides = [1]} : vector<16xf32> to vector<1xf32>
            %parallel_loop3A_637 = vector.extract %parallel_loop3A_636[0] : f32 from vector<1xf32>
            %parallel_loop3A_638 = vector.broadcast %parallel_loop3A_637 : f32 to vector<16xf32>
            %parallel_loop3A_639 = arith.constant 16 : i32
            %parallel_loop3A_640 = arith.muli %parallel_loop3A_543, %parallel_loop3A_639 : i32
            %parallel_loop3A_641 = arith.constant 4 : i32
            %parallel_loop3A_642 = arith.addi %parallel_loop3A_640, %parallel_loop3A_641 : i32
            %parallel_loop3A_643 = arith.constant 1 : i32
            %parallel_loop3A_644 = arith.index_cast %parallel_loop3A_643 : i32 to index
            %parallel_loop3A_645 = arith.index_cast %parallel_loop3A_642 : i32 to index
            %parallel_loop3A_646 = arith.constant 0 : index
            %parallel_loop3A_647 = tpu.vector_load %arg11[%parallel_loop3A_644, %parallel_loop3A_645, %parallel_loop3A_646] {strides = array<i32>} : memref<2x768x16xf32, #tpu.memory_space<vmem>>, vector<1x1x16xf32>,
            %parallel_loop3A_648 = vector.shape_cast %parallel_loop3A_647 : vector<1x1x16xf32> to vector<16xf32>
            %parallel_loop3A_649 = arith.mulf %parallel_loop3A_648, %parallel_loop3A_638 : vector<16xf32>
            %parallel_loop3A_650 = arith.constant 1 : i32
            %parallel_loop3A_651 = arith.index_cast %parallel_loop3A_650 : i32 to index
            %parallel_loop3A_652 = arith.index_cast %parallel_loop3A_642 : i32 to index
            %parallel_loop3A_653 = arith.constant 0 : index
            %parallel_loop3A_654 = tpu.vector_load %arg11[%parallel_loop3A_651, %parallel_loop3A_652, %parallel_loop3A_653] {strides = array<i32>} : memref<2x768x16xf32, #tpu.memory_space<vmem>>, vector<1x1x16xf32>,
            %parallel_loop3A_655 = vector.shape_cast %parallel_loop3A_654 : vector<1x1x16xf32> to vector<16xf32>
            %parallel_loop3A_656 = vector.shape_cast %parallel_loop3A_649 : vector<16xf32> to vector<1x1x16xf32>
            tpu.vector_store %arg11[%parallel_loop3A_651, %parallel_loop3A_652, %parallel_loop3A_653], %parallel_loop3A_656 {strides = array<i32>} : memref<2x768x16xf32, #tpu.memory_space<vmem>>, vector<1x1x16xf32>,
            %parallel_loop3A_657 = vector.extract_strided_slice %parallel_loop3A_551 {offsets = [5], sizes = [1], strides = [1]} : vector<16xf32> to vector<1xf32>
            %parallel_loop3A_658 = vector.extract %parallel_loop3A_657[0] : f32 from vector<1xf32>
            %parallel_loop3A_659 = vector.broadcast %parallel_loop3A_658 : f32 to vector<16xf32>
            %parallel_loop3A_660 = arith.constant 16 : i32
            %parallel_loop3A_661 = arith.muli %parallel_loop3A_543, %parallel_loop3A_660 : i32
            %parallel_loop3A_662 = arith.constant 5 : i32
            %parallel_loop3A_663 = arith.addi %parallel_loop3A_661, %parallel_loop3A_662 : i32
            %parallel_loop3A_664 = arith.constant 1 : i32
            %parallel_loop3A_665 = arith.index_cast %parallel_loop3A_664 : i32 to index
            %parallel_loop3A_666 = arith.index_cast %parallel_loop3A_663 : i32 to index
            %parallel_loop3A_667 = arith.constant 0 : index
            %parallel_loop3A_668 = tpu.vector_load %arg11[%parallel_loop3A_665, %parallel_loop3A_666, %parallel_loop3A_667] {strides = array<i32>} : memref<2x768x16xf32, #tpu.memory_space<vmem>>, vector<1x1x16xf32>,
            %parallel_loop3A_669 = vector.shape_cast %parallel_loop3A_668 : vector<1x1x16xf32> to vector<16xf32>
            %parallel_loop3A_670 = arith.mulf %parallel_loop3A_669, %parallel_loop3A_659 : vector<16xf32>
            %parallel_loop3A_671 = arith.constant 1 : i32
            %parallel_loop3A_672 = arith.index_cast %parallel_loop3A_671 : i32 to index
            %parallel_loop3A_673 = arith.index_cast %parallel_loop3A_663 : i32 to index
            %parallel_loop3A_674 = arith.constant 0 : index
            %parallel_loop3A_675 = tpu.vector_load %arg11[%parallel_loop3A_672, %parallel_loop3A_673, %parallel_loop3A_674] {strides = array<i32>} : memref<2x768x16xf32, #tpu.memory_space<vmem>>, vector<1x1x16xf32>,
            %parallel_loop3A_676 = vector.shape_cast %parallel_loop3A_675 : vector<1x1x16xf32> to vector<16xf32>
            %parallel_loop3A_677 = vector.shape_cast %parallel_loop3A_670 : vector<16xf32> to vector<1x1x16xf32>
            tpu.vector_store %arg11[%parallel_loop3A_672, %parallel_loop3A_673, %parallel_loop3A_674], %parallel_loop3A_677 {strides = array<i32>} : memref<2x768x16xf32, #tpu.memory_space<vmem>>, vector<1x1x16xf32>,
            %parallel_loop3A_678 = vector.extract_strided_slice %parallel_loop3A_551 {offsets = [6], sizes = [1], strides = [1]} : vector<16xf32> to vector<1xf32>
            %parallel_loop3A_679 = vector.extract %parallel_loop3A_678[0] : f32 from vector<1xf32>
            %parallel_loop3A_680 = vector.broadcast %parallel_loop3A_679 : f32 to vector<16xf32>
            %parallel_loop3A_681 = arith.constant 16 : i32
            %parallel_loop3A_682 = arith.muli %parallel_loop3A_543, %parallel_loop3A_681 : i32
            %parallel_loop3A_683 = arith.constant 6 : i32
            %parallel_loop3A_684 = arith.addi %parallel_loop3A_682, %parallel_loop3A_683 : i32
            %parallel_loop3A_685 = arith.constant 1 : i32
            %parallel_loop3A_686 = arith.index_cast %parallel_loop3A_685 : i32 to index
            %parallel_loop3A_687 = arith.index_cast %parallel_loop3A_684 : i32 to index
            %parallel_loop3A_688 = arith.constant 0 : index
            %parallel_loop3A_689 = tpu.vector_load %arg11[%parallel_loop3A_686, %parallel_loop3A_687, %parallel_loop3A_688] {strides = array<i32>} : memref<2x768x16xf32, #tpu.memory_space<vmem>>, vector<1x1x16xf32>,
            %parallel_loop3A_690 = vector.shape_cast %parallel_loop3A_689 : vector<1x1x16xf32> to vector<16xf32>
            %parallel_loop3A_691 = arith.mulf %parallel_loop3A_690, %parallel_loop3A_680 : vector<16xf32>
            %parallel_loop3A_692 = arith.constant 1 : i32
            %parallel_loop3A_693 = arith.index_cast %parallel_loop3A_692 : i32 to index
            %parallel_loop3A_694 = arith.index_cast %parallel_loop3A_684 : i32 to index
            %parallel_loop3A_695 = arith.constant 0 : index
            %parallel_loop3A_696 = tpu.vector_load %arg11[%parallel_loop3A_693, %parallel_loop3A_694, %parallel_loop3A_695] {strides = array<i32>} : memref<2x768x16xf32, #tpu.memory_space<vmem>>, vector<1x1x16xf32>,
            %parallel_loop3A_697 = vector.shape_cast %parallel_loop3A_696 : vector<1x1x16xf32> to vector<16xf32>
            %parallel_loop3A_698 = vector.shape_cast %parallel_loop3A_691 : vector<16xf32> to vector<1x1x16xf32>
            tpu.vector_store %arg11[%parallel_loop3A_693, %parallel_loop3A_694, %parallel_loop3A_695], %parallel_loop3A_698 {strides = array<i32>} : memref<2x768x16xf32, #tpu.memory_space<vmem>>, vector<1x1x16xf32>,
            %parallel_loop3A_699 = vector.extract_strided_slice %parallel_loop3A_551 {offsets = [7], sizes = [1], strides = [1]} : vector<16xf32> to vector<1xf32>
            %parallel_loop3A_700 = vector.extract %parallel_loop3A_699[0] : f32 from vector<1xf32>
            %parallel_loop3A_701 = vector.broadcast %parallel_loop3A_700 : f32 to vector<16xf32>
            %parallel_loop3A_702 = arith.constant 16 : i32
            %parallel_loop3A_703 = arith.muli %parallel_loop3A_543, %parallel_loop3A_702 : i32
            %parallel_loop3A_704 = arith.constant 7 : i32
            %parallel_loop3A_705 = arith.addi %parallel_loop3A_703, %parallel_loop3A_704 : i32
            %parallel_loop3A_706 = arith.constant 1 : i32
            %parallel_loop3A_707 = arith.index_cast %parallel_loop3A_706 : i32 to index
            %parallel_loop3A_708 = arith.index_cast %parallel_loop3A_705 : i32 to index
            %parallel_loop3A_709 = arith.constant 0 : index
            %parallel_loop3A_710 = tpu.vector_load %arg11[%parallel_loop3A_707, %parallel_loop3A_708, %parallel_loop3A_709] {strides = array<i32>} : memref<2x768x16xf32, #tpu.memory_space<vmem>>, vector<1x1x16xf32>,
            %parallel_loop3A_711 = vector.shape_cast %parallel_loop3A_710 : vector<1x1x16xf32> to vector<16xf32>
            %parallel_loop3A_712 = arith.mulf %parallel_loop3A_711, %parallel_loop3A_701 : vector<16xf32>
            %parallel_loop3A_713 = arith.constant 1 : i32
            %parallel_loop3A_714 = arith.index_cast %parallel_loop3A_713 : i32 to index
            %parallel_loop3A_715 = arith.index_cast %parallel_loop3A_705 : i32 to index
            %parallel_loop3A_716 = arith.constant 0 : index
            %parallel_loop3A_717 = tpu.vector_load %arg11[%parallel_loop3A_714, %parallel_loop3A_715, %parallel_loop3A_716] {strides = array<i32>} : memref<2x768x16xf32, #tpu.memory_space<vmem>>, vector<1x1x16xf32>,
            %parallel_loop3A_718 = vector.shape_cast %parallel_loop3A_717 : vector<1x1x16xf32> to vector<16xf32>
            %parallel_loop3A_719 = vector.shape_cast %parallel_loop3A_712 : vector<16xf32> to vector<1x1x16xf32>
            tpu.vector_store %arg11[%parallel_loop3A_714, %parallel_loop3A_715, %parallel_loop3A_716], %parallel_loop3A_719 {strides = array<i32>} : memref<2x768x16xf32, #tpu.memory_space<vmem>>, vector<1x1x16xf32>,
            %parallel_loop3A_720 = vector.extract_strided_slice %parallel_loop3A_551 {offsets = [8], sizes = [1], strides = [1]} : vector<16xf32> to vector<1xf32>
            %parallel_loop3A_721 = vector.extract %parallel_loop3A_720[0] : f32 from vector<1xf32>
            %parallel_loop3A_722 = vector.broadcast %parallel_loop3A_721 : f32 to vector<16xf32>
            %parallel_loop3A_723 = arith.constant 16 : i32
            %parallel_loop3A_724 = arith.muli %parallel_loop3A_543, %parallel_loop3A_723 : i32
            %parallel_loop3A_725 = arith.constant 8 : i32
            %parallel_loop3A_726 = arith.addi %parallel_loop3A_724, %parallel_loop3A_725 : i32
            %parallel_loop3A_727 = arith.constant 1 : i32
            %parallel_loop3A_728 = arith.index_cast %parallel_loop3A_727 : i32 to index
            %parallel_loop3A_729 = arith.index_cast %parallel_loop3A_726 : i32 to index
            %parallel_loop3A_730 = arith.constant 0 : index
            %parallel_loop3A_731 = tpu.vector_load %arg11[%parallel_loop3A_728, %parallel_loop3A_729, %parallel_loop3A_730] {strides = array<i32>} : memref<2x768x16xf32, #tpu.memory_space<vmem>>, vector<1x1x16xf32>,
            %parallel_loop3A_732 = vector.shape_cast %parallel_loop3A_731 : vector<1x1x16xf32> to vector<16xf32>
            %parallel_loop3A_733 = arith.mulf %parallel_loop3A_732, %parallel_loop3A_722 : vector<16xf32>
            %parallel_loop3A_734 = arith.constant 1 : i32
            %parallel_loop3A_735 = arith.index_cast %parallel_loop3A_734 : i32 to index
            %parallel_loop3A_736 = arith.index_cast %parallel_loop3A_726 : i32 to index
            %parallel_loop3A_737 = arith.constant 0 : index
            %parallel_loop3A_738 = tpu.vector_load %arg11[%parallel_loop3A_735, %parallel_loop3A_736, %parallel_loop3A_737] {strides = array<i32>} : memref<2x768x16xf32, #tpu.memory_space<vmem>>, vector<1x1x16xf32>,
            %parallel_loop3A_739 = vector.shape_cast %parallel_loop3A_738 : vector<1x1x16xf32> to vector<16xf32>
            %parallel_loop3A_740 = vector.shape_cast %parallel_loop3A_733 : vector<16xf32> to vector<1x1x16xf32>
            tpu.vector_store %arg11[%parallel_loop3A_735, %parallel_loop3A_736, %parallel_loop3A_737], %parallel_loop3A_740 {strides = array<i32>} : memref<2x768x16xf32, #tpu.memory_space<vmem>>, vector<1x1x16xf32>,
            %parallel_loop3A_741 = vector.extract_strided_slice %parallel_loop3A_551 {offsets = [9], sizes = [1], strides = [1]} : vector<16xf32> to vector<1xf32>
            %parallel_loop3A_742 = vector.extract %parallel_loop3A_741[0] : f32 from vector<1xf32>
            %parallel_loop3A_743 = vector.broadcast %parallel_loop3A_742 : f32 to vector<16xf32>
            %parallel_loop3A_744 = arith.constant 16 : i32
            %parallel_loop3A_745 = arith.muli %parallel_loop3A_543, %parallel_loop3A_744 : i32
            %parallel_loop3A_746 = arith.constant 9 : i32
            %parallel_loop3A_747 = arith.addi %parallel_loop3A_745, %parallel_loop3A_746 : i32
            %parallel_loop3A_748 = arith.constant 1 : i32
            %parallel_loop3A_749 = arith.index_cast %parallel_loop3A_748 : i32 to index
            %parallel_loop3A_750 = arith.index_cast %parallel_loop3A_747 : i32 to index
            %parallel_loop3A_751 = arith.constant 0 : index
            %parallel_loop3A_752 = tpu.vector_load %arg11[%parallel_loop3A_749, %parallel_loop3A_750, %parallel_loop3A_751] {strides = array<i32>} : memref<2x768x16xf32, #tpu.memory_space<vmem>>, vector<1x1x16xf32>,
            %parallel_loop3A_753 = vector.shape_cast %parallel_loop3A_752 : vector<1x1x16xf32> to vector<16xf32>
            %parallel_loop3A_754 = arith.mulf %parallel_loop3A_753, %parallel_loop3A_743 : vector<16xf32>
            %parallel_loop3A_755 = arith.constant 1 : i32
            %parallel_loop3A_756 = arith.index_cast %parallel_loop3A_755 : i32 to index
            %parallel_loop3A_757 = arith.index_cast %parallel_loop3A_747 : i32 to index
            %parallel_loop3A_758 = arith.constant 0 : index
            %parallel_loop3A_759 = tpu.vector_load %arg11[%parallel_loop3A_756, %parallel_loop3A_757, %parallel_loop3A_758] {strides = array<i32>} : memref<2x768x16xf32, #tpu.memory_space<vmem>>, vector<1x1x16xf32>,
            %parallel_loop3A_760 = vector.shape_cast %parallel_loop3A_759 : vector<1x1x16xf32> to vector<16xf32>
            %parallel_loop3A_761 = vector.shape_cast %parallel_loop3A_754 : vector<16xf32> to vector<1x1x16xf32>
            tpu.vector_store %arg11[%parallel_loop3A_756, %parallel_loop3A_757, %parallel_loop3A_758], %parallel_loop3A_761 {strides = array<i32>} : memref<2x768x16xf32, #tpu.memory_space<vmem>>, vector<1x1x16xf32>,
            %parallel_loop3A_762 = vector.extract_strided_slice %parallel_loop3A_551 {offsets = [10], sizes = [1], strides = [1]} : vector<16xf32> to vector<1xf32>
            %parallel_loop3A_763 = vector.extract %parallel_loop3A_762[0] : f32 from vector<1xf32>
            %parallel_loop3A_764 = vector.broadcast %parallel_loop3A_763 : f32 to vector<16xf32>
            %parallel_loop3A_765 = arith.constant 16 : i32
            %parallel_loop3A_766 = arith.muli %parallel_loop3A_543, %parallel_loop3A_765 : i32
            %parallel_loop3A_767 = arith.constant 10 : i32
            %parallel_loop3A_768 = arith.addi %parallel_loop3A_766, %parallel_loop3A_767 : i32
            %parallel_loop3A_769 = arith.constant 1 : i32
            %parallel_loop3A_770 = arith.index_cast %parallel_loop3A_769 : i32 to index
            %parallel_loop3A_771 = arith.index_cast %parallel_loop3A_768 : i32 to index
            %parallel_loop3A_772 = arith.constant 0 : index
            %parallel_loop3A_773 = tpu.vector_load %arg11[%parallel_loop3A_770, %parallel_loop3A_771, %parallel_loop3A_772] {strides = array<i32>} : memref<2x768x16xf32, #tpu.memory_space<vmem>>, vector<1x1x16xf32>,
            %parallel_loop3A_774 = vector.shape_cast %parallel_loop3A_773 : vector<1x1x16xf32> to vector<16xf32>
            %parallel_loop3A_775 = arith.mulf %parallel_loop3A_774, %parallel_loop3A_764 : vector<16xf32>
            %parallel_loop3A_776 = arith.constant 1 : i32
            %parallel_loop3A_777 = arith.index_cast %parallel_loop3A_776 : i32 to index
            %parallel_loop3A_778 = arith.index_cast %parallel_loop3A_768 : i32 to index
            %parallel_loop3A_779 = arith.constant 0 : index
            %parallel_loop3A_780 = tpu.vector_load %arg11[%parallel_loop3A_777, %parallel_loop3A_778, %parallel_loop3A_779] {strides = array<i32>} : memref<2x768x16xf32, #tpu.memory_space<vmem>>, vector<1x1x16xf32>,
            %parallel_loop3A_781 = vector.shape_cast %parallel_loop3A_780 : vector<1x1x16xf32> to vector<16xf32>
            %parallel_loop3A_782 = vector.shape_cast %parallel_loop3A_775 : vector<16xf32> to vector<1x1x16xf32>
            tpu.vector_store %arg11[%parallel_loop3A_777, %parallel_loop3A_778, %parallel_loop3A_779], %parallel_loop3A_782 {strides = array<i32>} : memref<2x768x16xf32, #tpu.memory_space<vmem>>, vector<1x1x16xf32>,
            %parallel_loop3A_783 = vector.extract_strided_slice %parallel_loop3A_551 {offsets = [11], sizes = [1], strides = [1]} : vector<16xf32> to vector<1xf32>
            %parallel_loop3A_784 = vector.extract %parallel_loop3A_783[0] : f32 from vector<1xf32>
            %parallel_loop3A_785 = vector.broadcast %parallel_loop3A_784 : f32 to vector<16xf32>
            %parallel_loop3A_786 = arith.constant 16 : i32
            %parallel_loop3A_787 = arith.muli %parallel_loop3A_543, %parallel_loop3A_786 : i32
            %parallel_loop3A_788 = arith.constant 11 : i32
            %parallel_loop3A_789 = arith.addi %parallel_loop3A_787, %parallel_loop3A_788 : i32
            %parallel_loop3A_790 = arith.constant 1 : i32
            %parallel_loop3A_791 = arith.index_cast %parallel_loop3A_790 : i32 to index
            %parallel_loop3A_792 = arith.index_cast %parallel_loop3A_789 : i32 to index
            %parallel_loop3A_793 = arith.constant 0 : index
            %parallel_loop3A_794 = tpu.vector_load %arg11[%parallel_loop3A_791, %parallel_loop3A_792, %parallel_loop3A_793] {strides = array<i32>} : memref<2x768x16xf32, #tpu.memory_space<vmem>>, vector<1x1x16xf32>,
            %parallel_loop3A_795 = vector.shape_cast %parallel_loop3A_794 : vector<1x1x16xf32> to vector<16xf32>
            %parallel_loop3A_796 = arith.mulf %parallel_loop3A_795, %parallel_loop3A_785 : vector<16xf32>
            %parallel_loop3A_797 = arith.constant 1 : i32
            %parallel_loop3A_798 = arith.index_cast %parallel_loop3A_797 : i32 to index
            %parallel_loop3A_799 = arith.index_cast %parallel_loop3A_789 : i32 to index
            %parallel_loop3A_800 = arith.constant 0 : index
            %parallel_loop3A_801 = tpu.vector_load %arg11[%parallel_loop3A_798, %parallel_loop3A_799, %parallel_loop3A_800] {strides = array<i32>} : memref<2x768x16xf32, #tpu.memory_space<vmem>>, vector<1x1x16xf32>,
            %parallel_loop3A_802 = vector.shape_cast %parallel_loop3A_801 : vector<1x1x16xf32> to vector<16xf32>
            %parallel_loop3A_803 = vector.shape_cast %parallel_loop3A_796 : vector<16xf32> to vector<1x1x16xf32>
            tpu.vector_store %arg11[%parallel_loop3A_798, %parallel_loop3A_799, %parallel_loop3A_800], %parallel_loop3A_803 {strides = array<i32>} : memref<2x768x16xf32, #tpu.memory_space<vmem>>, vector<1x1x16xf32>,
            %parallel_loop3A_804 = vector.extract_strided_slice %parallel_loop3A_551 {offsets = [12], sizes = [1], strides = [1]} : vector<16xf32> to vector<1xf32>
            %parallel_loop3A_805 = vector.extract %parallel_loop3A_804[0] : f32 from vector<1xf32>
            %parallel_loop3A_806 = vector.broadcast %parallel_loop3A_805 : f32 to vector<16xf32>
            %parallel_loop3A_807 = arith.constant 16 : i32
            %parallel_loop3A_808 = arith.muli %parallel_loop3A_543, %parallel_loop3A_807 : i32
            %parallel_loop3A_809 = arith.constant 12 : i32
            %parallel_loop3A_810 = arith.addi %parallel_loop3A_808, %parallel_loop3A_809 : i32
            %parallel_loop3A_811 = arith.constant 1 : i32
            %parallel_loop3A_812 = arith.index_cast %parallel_loop3A_811 : i32 to index
            %parallel_loop3A_813 = arith.index_cast %parallel_loop3A_810 : i32 to index
            %parallel_loop3A_814 = arith.constant 0 : index
            %parallel_loop3A_815 = tpu.vector_load %arg11[%parallel_loop3A_812, %parallel_loop3A_813, %parallel_loop3A_814] {strides = array<i32>} : memref<2x768x16xf32, #tpu.memory_space<vmem>>, vector<1x1x16xf32>,
            %parallel_loop3A_816 = vector.shape_cast %parallel_loop3A_815 : vector<1x1x16xf32> to vector<16xf32>
            %parallel_loop3A_817 = arith.mulf %parallel_loop3A_816, %parallel_loop3A_806 : vector<16xf32>
            %parallel_loop3A_818 = arith.constant 1 : i32
            %parallel_loop3A_819 = arith.index_cast %parallel_loop3A_818 : i32 to index
            %parallel_loop3A_820 = arith.index_cast %parallel_loop3A_810 : i32 to index
            %parallel_loop3A_821 = arith.constant 0 : index
            %parallel_loop3A_822 = tpu.vector_load %arg11[%parallel_loop3A_819, %parallel_loop3A_820, %parallel_loop3A_821] {strides = array<i32>} : memref<2x768x16xf32, #tpu.memory_space<vmem>>, vector<1x1x16xf32>,
            %parallel_loop3A_823 = vector.shape_cast %parallel_loop3A_822 : vector<1x1x16xf32> to vector<16xf32>
            %parallel_loop3A_824 = vector.shape_cast %parallel_loop3A_817 : vector<16xf32> to vector<1x1x16xf32>
            tpu.vector_store %arg11[%parallel_loop3A_819, %parallel_loop3A_820, %parallel_loop3A_821], %parallel_loop3A_824 {strides = array<i32>} : memref<2x768x16xf32, #tpu.memory_space<vmem>>, vector<1x1x16xf32>,
            %parallel_loop3A_825 = vector.extract_strided_slice %parallel_loop3A_551 {offsets = [13], sizes = [1], strides = [1]} : vector<16xf32> to vector<1xf32>
            %parallel_loop3A_826 = vector.extract %parallel_loop3A_825[0] : f32 from vector<1xf32>
            %parallel_loop3A_827 = vector.broadcast %parallel_loop3A_826 : f32 to vector<16xf32>
            %parallel_loop3A_828 = arith.constant 16 : i32
            %parallel_loop3A_829 = arith.muli %parallel_loop3A_543, %parallel_loop3A_828 : i32
            %parallel_loop3A_830 = arith.constant 13 : i32
            %parallel_loop3A_831 = arith.addi %parallel_loop3A_829, %parallel_loop3A_830 : i32
            %parallel_loop3A_832 = arith.constant 1 : i32
            %parallel_loop3A_833 = arith.index_cast %parallel_loop3A_832 : i32 to index
            %parallel_loop3A_834 = arith.index_cast %parallel_loop3A_831 : i32 to index
            %parallel_loop3A_835 = arith.constant 0 : index
            %parallel_loop3A_836 = tpu.vector_load %arg11[%parallel_loop3A_833, %parallel_loop3A_834, %parallel_loop3A_835] {strides = array<i32>} : memref<2x768x16xf32, #tpu.memory_space<vmem>>, vector<1x1x16xf32>,
            %parallel_loop3A_837 = vector.shape_cast %parallel_loop3A_836 : vector<1x1x16xf32> to vector<16xf32>
            %parallel_loop3A_838 = arith.mulf %parallel_loop3A_837, %parallel_loop3A_827 : vector<16xf32>
            %parallel_loop3A_839 = arith.constant 1 : i32
            %parallel_loop3A_840 = arith.index_cast %parallel_loop3A_839 : i32 to index
            %parallel_loop3A_841 = arith.index_cast %parallel_loop3A_831 : i32 to index
            %parallel_loop3A_842 = arith.constant 0 : index
            %parallel_loop3A_843 = tpu.vector_load %arg11[%parallel_loop3A_840, %parallel_loop3A_841, %parallel_loop3A_842] {strides = array<i32>} : memref<2x768x16xf32, #tpu.memory_space<vmem>>, vector<1x1x16xf32>,
            %parallel_loop3A_844 = vector.shape_cast %parallel_loop3A_843 : vector<1x1x16xf32> to vector<16xf32>
            %parallel_loop3A_845 = vector.shape_cast %parallel_loop3A_838 : vector<16xf32> to vector<1x1x16xf32>
            tpu.vector_store %arg11[%parallel_loop3A_840, %parallel_loop3A_841, %parallel_loop3A_842], %parallel_loop3A_845 {strides = array<i32>} : memref<2x768x16xf32, #tpu.memory_space<vmem>>, vector<1x1x16xf32>,
            %parallel_loop3A_846 = vector.extract_strided_slice %parallel_loop3A_551 {offsets = [14], sizes = [1], strides = [1]} : vector<16xf32> to vector<1xf32>
            %parallel_loop3A_847 = vector.extract %parallel_loop3A_846[0] : f32 from vector<1xf32>
            %parallel_loop3A_848 = vector.broadcast %parallel_loop3A_847 : f32 to vector<16xf32>
            %parallel_loop3A_849 = arith.constant 16 : i32
            %parallel_loop3A_850 = arith.muli %parallel_loop3A_543, %parallel_loop3A_849 : i32
            %parallel_loop3A_851 = arith.constant 14 : i32
            %parallel_loop3A_852 = arith.addi %parallel_loop3A_850, %parallel_loop3A_851 : i32
            %parallel_loop3A_853 = arith.constant 1 : i32
            %parallel_loop3A_854 = arith.index_cast %parallel_loop3A_853 : i32 to index
            %parallel_loop3A_855 = arith.index_cast %parallel_loop3A_852 : i32 to index
            %parallel_loop3A_856 = arith.constant 0 : index
            %parallel_loop3A_857 = tpu.vector_load %arg11[%parallel_loop3A_854, %parallel_loop3A_855, %parallel_loop3A_856] {strides = array<i32>} : memref<2x768x16xf32, #tpu.memory_space<vmem>>, vector<1x1x16xf32>,
            %parallel_loop3A_858 = vector.shape_cast %parallel_loop3A_857 : vector<1x1x16xf32> to vector<16xf32>
            %parallel_loop3A_859 = arith.mulf %parallel_loop3A_858, %parallel_loop3A_848 : vector<16xf32>
            %parallel_loop3A_860 = arith.constant 1 : i32
            %parallel_loop3A_861 = arith.index_cast %parallel_loop3A_860 : i32 to index
            %parallel_loop3A_862 = arith.index_cast %parallel_loop3A_852 : i32 to index
            %parallel_loop3A_863 = arith.constant 0 : index
            %parallel_loop3A_864 = tpu.vector_load %arg11[%parallel_loop3A_861, %parallel_loop3A_862, %parallel_loop3A_863] {strides = array<i32>} : memref<2x768x16xf32, #tpu.memory_space<vmem>>, vector<1x1x16xf32>,
            %parallel_loop3A_865 = vector.shape_cast %parallel_loop3A_864 : vector<1x1x16xf32> to vector<16xf32>
            %parallel_loop3A_866 = vector.shape_cast %parallel_loop3A_859 : vector<16xf32> to vector<1x1x16xf32>
            tpu.vector_store %arg11[%parallel_loop3A_861, %parallel_loop3A_862, %parallel_loop3A_863], %parallel_loop3A_866 {strides = array<i32>} : memref<2x768x16xf32, #tpu.memory_space<vmem>>, vector<1x1x16xf32>,
            %parallel_loop3A_867 = vector.extract_strided_slice %parallel_loop3A_551 {offsets = [15], sizes = [1], strides = [1]} : vector<16xf32> to vector<1xf32>
            %parallel_loop3A_868 = vector.extract %parallel_loop3A_867[0] : f32 from vector<1xf32>
            %parallel_loop3A_869 = vector.broadcast %parallel_loop3A_868 : f32 to vector<16xf32>
            %parallel_loop3A_870 = arith.constant 16 : i32
            %parallel_loop3A_871 = arith.muli %parallel_loop3A_543, %parallel_loop3A_870 : i32
            %parallel_loop3A_872 = arith.constant 15 : i32
            %parallel_loop3A_873 = arith.addi %parallel_loop3A_871, %parallel_loop3A_872 : i32
            %parallel_loop3A_874 = arith.constant 1 : i32
            %parallel_loop3A_875 = arith.index_cast %parallel_loop3A_874 : i32 to index
            %parallel_loop3A_876 = arith.index_cast %parallel_loop3A_873 : i32 to index
            %parallel_loop3A_877 = arith.constant 0 : index
            %parallel_loop3A_878 = tpu.vector_load %arg11[%parallel_loop3A_875, %parallel_loop3A_876, %parallel_loop3A_877] {strides = array<i32>} : memref<2x768x16xf32, #tpu.memory_space<vmem>>, vector<1x1x16xf32>,
            %parallel_loop3A_879 = vector.shape_cast %parallel_loop3A_878 : vector<1x1x16xf32> to vector<16xf32>
            %parallel_loop3A_880 = arith.mulf %parallel_loop3A_879, %parallel_loop3A_869 : vector<16xf32>
            %parallel_loop3A_881 = arith.constant 1 : i32
            %parallel_loop3A_882 = arith.index_cast %parallel_loop3A_881 : i32 to index
            %parallel_loop3A_883 = arith.index_cast %parallel_loop3A_873 : i32 to index
            %parallel_loop3A_884 = arith.constant 0 : index
            %parallel_loop3A_885 = tpu.vector_load %arg11[%parallel_loop3A_882, %parallel_loop3A_883, %parallel_loop3A_884] {strides = array<i32>} : memref<2x768x16xf32, #tpu.memory_space<vmem>>, vector<1x1x16xf32>,
            %parallel_loop3A_886 = vector.shape_cast %parallel_loop3A_885 : vector<1x1x16xf32> to vector<16xf32>
            %parallel_loop3A_887 = vector.shape_cast %parallel_loop3A_880 : vector<16xf32> to vector<1x1x16xf32>
            tpu.vector_store %arg11[%parallel_loop3A_882, %parallel_loop3A_883, %parallel_loop3A_884], %parallel_loop3A_887 {strides = array<i32>} : memref<2x768x16xf32, #tpu.memory_space<vmem>>, vector<1x1x16xf32>,
          } {sc.loop_unroll_factor = 2 : i64, sc.parallel_access}
          %mul3A_453 = arith.constant 6 : i32
          %mul3A_454 = arith.muli %add3A_321, %mul3A_453 : i32
          %add3A_455 = arith.constant 0 : i32
          %add3A_456 = arith.addi %mul3A_454, %add3A_455 : i32
          %dma_start3A_457 = arith.constant 1 : i32
          %dma_start3A_458 = arith.constant 0 : i32
          %dma_start3A_459 = arith.constant 0 : i32
          %dma_start3A_460 = tpu.memref_slice %arg11[%dma_start3A_457, %dma_start3A_458, %dma_start3A_459] : memref<2x768x16xf32, #tpu.memory_space<vmem>> -> memref<1x128x16xf32, #tpu.memory_space<vmem>>
          %dma_start3A_461 = tpu.memref_squeeze %dma_start3A_460 : memref<1x128x16xf32, #tpu.memory_space<vmem>> -> memref<128x16xf32, #tpu.memory_space<vmem>>
          %dma_start3A_462 = arith.constant 0 : i32
          %dma_start3A_463 = tpu.memref_slice %arg9[%add3A_456, %dma_start3A_462] : memref<132x128xi32, #tpu.memory_space<vmem>> -> memref<1x128xi32, #tpu.memory_space<vmem>>
          %dma_start3A_464 = tpu.memref_squeeze %dma_start3A_463 : memref<1x128xi32, #tpu.memory_space<vmem>> -> memref<128xi32, #tpu.memory_space<vmem>>
          %dma_start3A_465 = arith.constant 0 : i32
          %dma_start3A_466 = arith.constant 0 : i32
          %dma_start3A_467 = tpu.memref_slice %arg7[%dma_start3A_465, %dma_start3A_466] : memref<16384x16xf32, #tpu.memory_space<vmem_shared>> -> memref<16384x16xf32, #tpu.memory_space<vmem_shared>>
          tpu.enqueue_indirect_dma source(%dma_start3A_461 : memref<128x16xf32, #tpu.memory_space<vmem>>) target(%dma_start3A_467 : memref<16384x16xf32, #tpu.memory_space<vmem_shared>>) offsets(%dma_start3A_464 : memref<128xi32, #tpu.memory_space<vmem>>) semaphore(%arg16 : memref<!tpu.dma_semaphore, #tpu.memory_space<semaphore_mem>>) {add = true}
          %mul3A_468 = arith.constant 6 : i32
          %mul3A_469 = arith.muli %add3A_321, %mul3A_468 : i32
          %add3A_470 = arith.constant 1 : i32
          %add3A_471 = arith.addi %mul3A_469, %add3A_470 : i32
          %dma_start3A_472 = arith.constant 1 : i32
          %dma_start3A_473 = arith.constant 128 : i32
          %dma_start3A_474 = arith.constant 0 : i32
          %dma_start3A_475 = tpu.memref_slice %arg11[%dma_start3A_472, %dma_start3A_473, %dma_start3A_474] : memref<2x768x16xf32, #tpu.memory_space<vmem>> -> memref<1x128x16xf32, #tpu.memory_space<vmem>>
          %dma_start3A_476 = tpu.memref_squeeze %dma_start3A_475 : memref<1x128x16xf32, #tpu.memory_space<vmem>> -> memref<128x16xf32, #tpu.memory_space<vmem>>
          %dma_start3A_477 = arith.constant 0 : i32
          %dma_start3A_478 = tpu.memref_slice %arg9[%add3A_471, %dma_start3A_477] : memref<132x128xi32, #tpu.memory_space<vmem>> -> memref<1x128xi32, #tpu.memory_space<vmem>>
          %dma_start3A_479 = tpu.memref_squeeze %dma_start3A_478 : memref<1x128xi32, #tpu.memory_space<vmem>> -> memref<128xi32, #tpu.memory_space<vmem>>
          %dma_start3A_480 = arith.constant 0 : i32
          %dma_start3A_481 = arith.constant 0 : i32
          %dma_start3A_482 = tpu.memref_slice %arg7[%dma_start3A_480, %dma_start3A_481] : memref<16384x16xf32, #tpu.memory_space<vmem_shared>> -> memref<16384x16xf32, #tpu.memory_space<vmem_shared>>
          tpu.enqueue_indirect_dma source(%dma_start3A_476 : memref<128x16xf32, #tpu.memory_space<vmem>>) target(%dma_start3A_482 : memref<16384x16xf32, #tpu.memory_space<vmem_shared>>) offsets(%dma_start3A_479 : memref<128xi32, #tpu.memory_space<vmem>>) semaphore(%arg16 : memref<!tpu.dma_semaphore, #tpu.memory_space<semaphore_mem>>) {add = true}
          %mul3A_483 = arith.constant 6 : i32
          %mul3A_484 = arith.muli %add3A_321, %mul3A_483 : i32
          %add3A_485 = arith.constant 2 : i32
          %add3A_486 = arith.addi %mul3A_484, %add3A_485 : i32
          %dma_start3A_487 = arith.constant 1 : i32
          %dma_start3A_488 = arith.constant 256 : i32
          %dma_start3A_489 = arith.constant 0 : i32
          %dma_start3A_490 = tpu.memref_slice %arg11[%dma_start3A_487, %dma_start3A_488, %dma_start3A_489] : memref<2x768x16xf32, #tpu.memory_space<vmem>> -> memref<1x128x16xf32, #tpu.memory_space<vmem>>
          %dma_start3A_491 = tpu.memref_squeeze %dma_start3A_490 : memref<1x128x16xf32, #tpu.memory_space<vmem>> -> memref<128x16xf32, #tpu.memory_space<vmem>>
          %dma_start3A_492 = arith.constant 0 : i32
          %dma_start3A_493 = tpu.memref_slice %arg9[%add3A_486, %dma_start3A_492] : memref<132x128xi32, #tpu.memory_space<vmem>> -> memref<1x128xi32, #tpu.memory_space<vmem>>
          %dma_start3A_494 = tpu.memref_squeeze %dma_start3A_493 : memref<1x128xi32, #tpu.memory_space<vmem>> -> memref<128xi32, #tpu.memory_space<vmem>>
          %dma_start3A_495 = arith.constant 0 : i32
          %dma_start3A_496 = arith.constant 0 : i32
          %dma_start3A_497 = tpu.memref_slice %arg7[%dma_start3A_495, %dma_start3A_496] : memref<16384x16xf32, #tpu.memory_space<vmem_shared>> -> memref<16384x16xf32, #tpu.memory_space<vmem_shared>>
          tpu.enqueue_indirect_dma source(%dma_start3A_491 : memref<128x16xf32, #tpu.memory_space<vmem>>) target(%dma_start3A_497 : memref<16384x16xf32, #tpu.memory_space<vmem_shared>>) offsets(%dma_start3A_494 : memref<128xi32, #tpu.memory_space<vmem>>) semaphore(%arg16 : memref<!tpu.dma_semaphore, #tpu.memory_space<semaphore_mem>>) {add = true}
          %mul3A_498 = arith.constant 6 : i32
          %mul3A_499 = arith.muli %add3A_321, %mul3A_498 : i32
          %add3A_500 = arith.constant 3 : i32
          %add3A_501 = arith.addi %mul3A_499, %add3A_500 : i32
          %dma_start3A_502 = arith.constant 1 : i32
          %dma_start3A_503 = arith.constant 384 : i32
          %dma_start3A_504 = arith.constant 0 : i32
          %dma_start3A_505 = tpu.memref_slice %arg11[%dma_start3A_502, %dma_start3A_503, %dma_start3A_504] : memref<2x768x16xf32, #tpu.memory_space<vmem>> -> memref<1x128x16xf32, #tpu.memory_space<vmem>>
          %dma_start3A_506 = tpu.memref_squeeze %dma_start3A_505 : memref<1x128x16xf32, #tpu.memory_space<vmem>> -> memref<128x16xf32, #tpu.memory_space<vmem>>
          %dma_start3A_507 = arith.constant 0 : i32
          %dma_start3A_508 = tpu.memref_slice %arg9[%add3A_501, %dma_start3A_507] : memref<132x128xi32, #tpu.memory_space<vmem>> -> memref<1x128xi32, #tpu.memory_space<vmem>>
          %dma_start3A_509 = tpu.memref_squeeze %dma_start3A_508 : memref<1x128xi32, #tpu.memory_space<vmem>> -> memref<128xi32, #tpu.memory_space<vmem>>
          %dma_start3A_510 = arith.constant 0 : i32
          %dma_start3A_511 = arith.constant 0 : i32
          %dma_start3A_512 = tpu.memref_slice %arg7[%dma_start3A_510, %dma_start3A_511] : memref<16384x16xf32, #tpu.memory_space<vmem_shared>> -> memref<16384x16xf32, #tpu.memory_space<vmem_shared>>
          tpu.enqueue_indirect_dma source(%dma_start3A_506 : memref<128x16xf32, #tpu.memory_space<vmem>>) target(%dma_start3A_512 : memref<16384x16xf32, #tpu.memory_space<vmem_shared>>) offsets(%dma_start3A_509 : memref<128xi32, #tpu.memory_space<vmem>>) semaphore(%arg16 : memref<!tpu.dma_semaphore, #tpu.memory_space<semaphore_mem>>) {add = true}
          %mul3A_513 = arith.constant 6 : i32
          %mul3A_514 = arith.muli %add3A_321, %mul3A_513 : i32
          %add3A_515 = arith.constant 4 : i32
          %add3A_516 = arith.addi %mul3A_514, %add3A_515 : i32
          %dma_start3A_517 = arith.constant 1 : i32
          %dma_start3A_518 = arith.constant 512 : i32
          %dma_start3A_519 = arith.constant 0 : i32
          %dma_start3A_520 = tpu.memref_slice %arg11[%dma_start3A_517, %dma_start3A_518, %dma_start3A_519] : memref<2x768x16xf32, #tpu.memory_space<vmem>> -> memref<1x128x16xf32, #tpu.memory_space<vmem>>
          %dma_start3A_521 = tpu.memref_squeeze %dma_start3A_520 : memref<1x128x16xf32, #tpu.memory_space<vmem>> -> memref<128x16xf32, #tpu.memory_space<vmem>>
          %dma_start3A_522 = arith.constant 0 : i32
          %dma_start3A_523 = tpu.memref_slice %arg9[%add3A_516, %dma_start3A_522] : memref<132x128xi32, #tpu.memory_space<vmem>> -> memref<1x128xi32, #tpu.memory_space<vmem>>
          %dma_start3A_524 = tpu.memref_squeeze %dma_start3A_523 : memref<1x128xi32, #tpu.memory_space<vmem>> -> memref<128xi32, #tpu.memory_space<vmem>>
          %dma_start3A_525 = arith.constant 0 : i32
          %dma_start3A_526 = arith.constant 0 : i32
          %dma_start3A_527 = tpu.memref_slice %arg7[%dma_start3A_525, %dma_start3A_526] : memref<16384x16xf32, #tpu.memory_space<vmem_shared>> -> memref<16384x16xf32, #tpu.memory_space<vmem_shared>>
          tpu.enqueue_indirect_dma source(%dma_start3A_521 : memref<128x16xf32, #tpu.memory_space<vmem>>) target(%dma_start3A_527 : memref<16384x16xf32, #tpu.memory_space<vmem_shared>>) offsets(%dma_start3A_524 : memref<128xi32, #tpu.memory_space<vmem>>) semaphore(%arg16 : memref<!tpu.dma_semaphore, #tpu.memory_space<semaphore_mem>>) {add = true}
          %mul3A_528 = arith.constant 6 : i32
          %mul3A_529 = arith.muli %add3A_321, %mul3A_528 : i32
          %add3A_530 = arith.constant 5 : i32
          %add3A_531 = arith.addi %mul3A_529, %add3A_530 : i32
          %dma_start3A_532 = arith.constant 1 : i32
          %dma_start3A_533 = arith.constant 640 : i32
          %dma_start3A_534 = arith.constant 0 : i32
          %dma_start3A_535 = tpu.memref_slice %arg11[%dma_start3A_532, %dma_start3A_533, %dma_start3A_534] : memref<2x768x16xf32, #tpu.memory_space<vmem>> -> memref<1x128x16xf32, #tpu.memory_space<vmem>>
          %dma_start3A_536 = tpu.memref_squeeze %dma_start3A_535 : memref<1x128x16xf32, #tpu.memory_space<vmem>> -> memref<128x16xf32, #tpu.memory_space<vmem>>
          %dma_start3A_537 = arith.constant 0 : i32
          %dma_start3A_538 = tpu.memref_slice %arg9[%add3A_531, %dma_start3A_537] : memref<132x128xi32, #tpu.memory_space<vmem>> -> memref<1x128xi32, #tpu.memory_space<vmem>>
          %dma_start3A_539 = tpu.memref_squeeze %dma_start3A_538 : memref<1x128xi32, #tpu.memory_space<vmem>> -> memref<128xi32, #tpu.memory_space<vmem>>
          %dma_start3A_540 = arith.constant 0 : i32
          %dma_start3A_541 = arith.constant 0 : i32
          %dma_start3A_542 = tpu.memref_slice %arg7[%dma_start3A_540, %dma_start3A_541] : memref<16384x16xf32, #tpu.memory_space<vmem_shared>> -> memref<16384x16xf32, #tpu.memory_space<vmem_shared>>
          tpu.enqueue_indirect_dma source(%dma_start3A_536 : memref<128x16xf32, #tpu.memory_space<vmem>>) target(%dma_start3A_542 : memref<16384x16xf32, #tpu.memory_space<vmem_shared>>) offsets(%dma_start3A_539 : memref<128xi32, #tpu.memory_space<vmem>>) semaphore(%arg16 : memref<!tpu.dma_semaphore, #tpu.memory_space<semaphore_mem>>) {add = true}
        }
        %scan3A_24 = arith.constant 11 : i32
        %dma_wait3A = arith.constant 1 : i32
        %dma_wait3A_25 = arith.constant 126 : i32
        %dma_wait3A_26 = arith.constant 0 : i32
        %dma_wait3A_27 = arith.constant 0 : i32
        %dma_wait3A_28 = tpu.memref_slice %arg11[%dma_wait3A, %dma_wait3A_26, %dma_wait3A_27] : memref<2x768x16xf32, #tpu.memory_space<vmem>> -> memref<1x128x16xf32, #tpu.memory_space<vmem>>
        %dma_wait3A_29 = tpu.memref_squeeze %dma_wait3A_28 : memref<1x128x16xf32, #tpu.memory_space<vmem>> -> memref<128x16xf32, #tpu.memory_space<vmem>>
        %dma_wait3A_30 = arith.constant 0 : i32
        %dma_wait3A_31 = tpu.memref_slice %arg9[%dma_wait3A_25, %dma_wait3A_30] : memref<132x128xi32, #tpu.memory_space<vmem>> -> memref<1x128xi32, #tpu.memory_space<vmem>>
        %dma_wait3A_32 = tpu.memref_squeeze %dma_wait3A_31 : memref<1x128xi32, #tpu.memory_space<vmem>> -> memref<128xi32, #tpu.memory_space<vmem>>
        %dma_wait3A_33 = arith.constant 0 : i32
        %dma_wait3A_34 = arith.constant 0 : i32
        %dma_wait3A_35 = tpu.memref_slice %arg7[%dma_wait3A_33, %dma_wait3A_34] : memref<16384x16xf32, #tpu.memory_space<vmem_shared>> -> memref<16384x16xf32, #tpu.memory_space<vmem_shared>>
        tpu.wait_indirect_dma semaphore(%arg16 : memref<!tpu.dma_semaphore, #tpu.memory_space<semaphore_mem>>) src(%dma_wait3A_29 : memref<128x16xf32, #tpu.memory_space<vmem>>) dst(%dma_wait3A_35 : memref<16384x16xf32, #tpu.memory_space<vmem_shared>>)
        %dma_wait3A_36 = arith.constant 1 : i32
        %dma_wait3A_37 = arith.constant 127 : i32
        %dma_wait3A_38 = arith.constant 128 : i32
        %dma_wait3A_39 = arith.constant 0 : i32
        %dma_wait3A_40 = tpu.memref_slice %arg11[%dma_wait3A_36, %dma_wait3A_38, %dma_wait3A_39] : memref<2x768x16xf32, #tpu.memory_space<vmem>> -> memref<1x128x16xf32, #tpu.memory_space<vmem>>
        %dma_wait3A_41 = tpu.memref_squeeze %dma_wait3A_40 : memref<1x128x16xf32, #tpu.memory_space<vmem>> -> memref<128x16xf32, #tpu.memory_space<vmem>>
        %dma_wait3A_42 = arith.constant 0 : i32
        %dma_wait3A_43 = tpu.memref_slice %arg9[%dma_wait3A_37, %dma_wait3A_42] : memref<132x128xi32, #tpu.memory_space<vmem>> -> memref<1x128xi32, #tpu.memory_space<vmem>>
        %dma_wait3A_44 = tpu.memref_squeeze %dma_wait3A_43 : memref<1x128xi32, #tpu.memory_space<vmem>> -> memref<128xi32, #tpu.memory_space<vmem>>
        %dma_wait3A_45 = arith.constant 0 : i32
        %dma_wait3A_46 = arith.constant 0 : i32
        %dma_wait3A_47 = tpu.memref_slice %arg7[%dma_wait3A_45, %dma_wait3A_46] : memref<16384x16xf32, #tpu.memory_space<vmem_shared>> -> memref<16384x16xf32, #tpu.memory_space<vmem_shared>>
        tpu.wait_indirect_dma semaphore(%arg16 : memref<!tpu.dma_semaphore, #tpu.memory_space<semaphore_mem>>) src(%dma_wait3A_41 : memref<128x16xf32, #tpu.memory_space<vmem>>) dst(%dma_wait3A_47 : memref<16384x16xf32, #tpu.memory_space<vmem_shared>>)
        %dma_wait3A_48 = arith.constant 1 : i32
        %dma_wait3A_49 = arith.constant 128 : i32
        %dma_wait3A_50 = arith.constant 256 : i32
        %dma_wait3A_51 = arith.constant 0 : i32
        %dma_wait3A_52 = tpu.memref_slice %arg11[%dma_wait3A_48, %dma_wait3A_50, %dma_wait3A_51] : memref<2x768x16xf32, #tpu.memory_space<vmem>> -> memref<1x128x16xf32, #tpu.memory_space<vmem>>
        %dma_wait3A_53 = tpu.memref_squeeze %dma_wait3A_52 : memref<1x128x16xf32, #tpu.memory_space<vmem>> -> memref<128x16xf32, #tpu.memory_space<vmem>>
        %dma_wait3A_54 = arith.constant 0 : i32
        %dma_wait3A_55 = tpu.memref_slice %arg9[%dma_wait3A_49, %dma_wait3A_54] : memref<132x128xi32, #tpu.memory_space<vmem>> -> memref<1x128xi32, #tpu.memory_space<vmem>>
        %dma_wait3A_56 = tpu.memref_squeeze %dma_wait3A_55 : memref<1x128xi32, #tpu.memory_space<vmem>> -> memref<128xi32, #tpu.memory_space<vmem>>
        %dma_wait3A_57 = arith.constant 0 : i32
        %dma_wait3A_58 = arith.constant 0 : i32
        %dma_wait3A_59 = tpu.memref_slice %arg7[%dma_wait3A_57, %dma_wait3A_58] : memref<16384x16xf32, #tpu.memory_space<vmem_shared>> -> memref<16384x16xf32, #tpu.memory_space<vmem_shared>>
        tpu.wait_indirect_dma semaphore(%arg16 : memref<!tpu.dma_semaphore, #tpu.memory_space<semaphore_mem>>) src(%dma_wait3A_53 : memref<128x16xf32, #tpu.memory_space<vmem>>) dst(%dma_wait3A_59 : memref<16384x16xf32, #tpu.memory_space<vmem_shared>>)
        %dma_wait3A_60 = arith.constant 1 : i32
        %dma_wait3A_61 = arith.constant 129 : i32
        %dma_wait3A_62 = arith.constant 384 : i32
        %dma_wait3A_63 = arith.constant 0 : i32
        %dma_wait3A_64 = tpu.memref_slice %arg11[%dma_wait3A_60, %dma_wait3A_62, %dma_wait3A_63] : memref<2x768x16xf32, #tpu.memory_space<vmem>> -> memref<1x128x16xf32, #tpu.memory_space<vmem>>
        %dma_wait3A_65 = tpu.memref_squeeze %dma_wait3A_64 : memref<1x128x16xf32, #tpu.memory_space<vmem>> -> memref<128x16xf32, #tpu.memory_space<vmem>>
        %dma_wait3A_66 = arith.constant 0 : i32
        %dma_wait3A_67 = tpu.memref_slice %arg9[%dma_wait3A_61, %dma_wait3A_66] : memref<132x128xi32, #tpu.memory_space<vmem>> -> memref<1x128xi32, #tpu.memory_space<vmem>>
        %dma_wait3A_68 = tpu.memref_squeeze %dma_wait3A_67 : memref<1x128xi32, #tpu.memory_space<vmem>> -> memref<128xi32, #tpu.memory_space<vmem>>
        %dma_wait3A_69 = arith.constant 0 : i32
        %dma_wait3A_70 = arith.constant 0 : i32
        %dma_wait3A_71 = tpu.memref_slice %arg7[%dma_wait3A_69, %dma_wait3A_70] : memref<16384x16xf32, #tpu.memory_space<vmem_shared>> -> memref<16384x16xf32, #tpu.memory_space<vmem_shared>>
        tpu.wait_indirect_dma semaphore(%arg16 : memref<!tpu.dma_semaphore, #tpu.memory_space<semaphore_mem>>) src(%dma_wait3A_65 : memref<128x16xf32, #tpu.memory_space<vmem>>) dst(%dma_wait3A_71 : memref<16384x16xf32, #tpu.memory_space<vmem_shared>>)
        %dma_wait3A_72 = arith.constant 1 : i32
        %dma_wait3A_73 = arith.constant 130 : i32
        %dma_wait3A_74 = arith.constant 512 : i32
        %dma_wait3A_75 = arith.constant 0 : i32
        %dma_wait3A_76 = tpu.memref_slice %arg11[%dma_wait3A_72, %dma_wait3A_74, %dma_wait3A_75] : memref<2x768x16xf32, #tpu.memory_space<vmem>> -> memref<1x128x16xf32, #tpu.memory_space<vmem>>
        %dma_wait3A_77 = tpu.memref_squeeze %dma_wait3A_76 : memref<1x128x16xf32, #tpu.memory_space<vmem>> -> memref<128x16xf32, #tpu.memory_space<vmem>>
        %dma_wait3A_78 = arith.constant 0 : i32
        %dma_wait3A_79 = tpu.memref_slice %arg9[%dma_wait3A_73, %dma_wait3A_78] : memref<132x128xi32, #tpu.memory_space<vmem>> -> memref<1x128xi32, #tpu.memory_space<vmem>>
        %dma_wait3A_80 = tpu.memref_squeeze %dma_wait3A_79 : memref<1x128xi32, #tpu.memory_space<vmem>> -> memref<128xi32, #tpu.memory_space<vmem>>
        %dma_wait3A_81 = arith.constant 0 : i32
        %dma_wait3A_82 = arith.constant 0 : i32
        %dma_wait3A_83 = tpu.memref_slice %arg7[%dma_wait3A_81, %dma_wait3A_82] : memref<16384x16xf32, #tpu.memory_space<vmem_shared>> -> memref<16384x16xf32, #tpu.memory_space<vmem_shared>>
        tpu.wait_indirect_dma semaphore(%arg16 : memref<!tpu.dma_semaphore, #tpu.memory_space<semaphore_mem>>) src(%dma_wait3A_77 : memref<128x16xf32, #tpu.memory_space<vmem>>) dst(%dma_wait3A_83 : memref<16384x16xf32, #tpu.memory_space<vmem_shared>>)
        %dma_wait3A_84 = arith.constant 1 : i32
        %dma_wait3A_85 = arith.constant 131 : i32
        %dma_wait3A_86 = arith.constant 640 : i32
        %dma_wait3A_87 = arith.constant 0 : i32
        %dma_wait3A_88 = tpu.memref_slice %arg11[%dma_wait3A_84, %dma_wait3A_86, %dma_wait3A_87] : memref<2x768x16xf32, #tpu.memory_space<vmem>> -> memref<1x128x16xf32, #tpu.memory_space<vmem>>
        %dma_wait3A_89 = tpu.memref_squeeze %dma_wait3A_88 : memref<1x128x16xf32, #tpu.memory_space<vmem>> -> memref<128x16xf32, #tpu.memory_space<vmem>>
        %dma_wait3A_90 = arith.constant 0 : i32
        %dma_wait3A_91 = tpu.memref_slice %arg9[%dma_wait3A_85, %dma_wait3A_90] : memref<132x128xi32, #tpu.memory_space<vmem>> -> memref<1x128xi32, #tpu.memory_space<vmem>>
        %dma_wait3A_92 = tpu.memref_squeeze %dma_wait3A_91 : memref<1x128xi32, #tpu.memory_space<vmem>> -> memref<128xi32, #tpu.memory_space<vmem>>
        %dma_wait3A_93 = arith.constant 0 : i32
        %dma_wait3A_94 = arith.constant 0 : i32
        %dma_wait3A_95 = tpu.memref_slice %arg7[%dma_wait3A_93, %dma_wait3A_94] : memref<16384x16xf32, #tpu.memory_space<vmem_shared>> -> memref<16384x16xf32, #tpu.memory_space<vmem_shared>>
        tpu.wait_indirect_dma semaphore(%arg16 : memref<!tpu.dma_semaphore, #tpu.memory_space<semaphore_mem>>) src(%dma_wait3A_89 : memref<128x16xf32, #tpu.memory_space<vmem>>) dst(%dma_wait3A_95 : memref<16384x16xf32, #tpu.memory_space<vmem_shared>>)
      } else {
      }
      %barrier3A_16 = arith.constant 0 : index
      tpu.barrier barrier_id(%barrier3A_16)
      "tpu.region"() ({
        %run_scoped3A = tpu.sem_alloc : memref<!tpu.dma_semaphore, #tpu.memory_space<semaphore_mem>>
        %dma_start3A = arith.constant 0 : i32
        %dma_start3A_20 = tpu.memref_slice %arg7[%mul3A_0, %dma_start3A] : memref<16384x16xf32, #tpu.memory_space<vmem_shared>> -> memref<1024x16xf32, #tpu.memory_space<vmem_shared>>
        %dma_start3A_21 = arith.constant 0 : i32
        %dma_start3A_22 = tpu.memref_slice %arg7[%mul3A_0, %dma_start3A_21] : memref<16384x16xf32, #tpu.memory_space<vmem_shared>> -> memref<1024x16xf32, #tpu.memory_space<vmem_shared>>
        tpu.enqueue_dma source(%dma_start3A_22 : memref<1024x16xf32, #tpu.memory_space<vmem_shared>>) target(%arg12 : memref<1024x16xf32, #tpu.memory_space<vmem>>) target_semaphore(%run_scoped3A : memref<!tpu.dma_semaphore, #tpu.memory_space<semaphore_mem>>)
        %dma_wait3A = arith.constant 0 : i32
        %dma_wait3A_23 = tpu.memref_slice %arg7[%mul3A_0, %dma_wait3A] : memref<16384x16xf32, #tpu.memory_space<vmem_shared>> -> memref<1024x16xf32, #tpu.memory_space<vmem_shared>>
        %dma_wait3A_24 = arith.constant 0 : i32
        %dma_wait3A_25 = tpu.memref_slice %arg7[%mul3A_0, %dma_wait3A_24] : memref<16384x16xf32, #tpu.memory_space<vmem_shared>> -> memref<1024x16xf32, #tpu.memory_space<vmem_shared>>
        tpu.wait_dma2 semaphore(%run_scoped3A : memref<!tpu.dma_semaphore, #tpu.memory_space<semaphore_mem>>) src(%dma_wait3A_25 : memref<1024x16xf32, #tpu.memory_space<vmem_shared>>) dst(%arg12 : memref<1024x16xf32, #tpu.memory_space<vmem>>)
        tpu.yield
      }) : () -> ()
      %parallel_loop3A = arith.constant 0 : i32
      %parallel_loop3A_17 = arith.constant 1024 : i32
      %parallel_loop3A_18 = arith.constant 1 : i32
      scf.for %parallel_loop3A_20 = %parallel_loop3A to %parallel_loop3A_17 step %parallel_loop3A_18  : i32 {
        %parallel_loop3A_21 = arith.index_cast %parallel_loop3A_20 : i32 to index
        %parallel_loop3A_22 = arith.constant 0 : index
        %parallel_loop3A_23 = tpu.vector_load %arg12[%parallel_loop3A_21, %parallel_loop3A_22] {strides = array<i32>} : memref<1024x16xf32, #tpu.memory_space<vmem>>, vector<1x16xf32>,
        %parallel_loop3A_24 = vector.shape_cast %parallel_loop3A_23 : vector<1x16xf32> to vector<16xf32>
        %parallel_loop3A_25 = arith.constant 0.000000e+00 : f32
        %parallel_loop3A_26 = vector.broadcast %parallel_loop3A_25 : f32 to vector<16xf32>
        %parallel_loop3A_27 = arith.subf %parallel_loop3A_26, %parallel_loop3A_24 : vector<16xf32>
        %parallel_loop3A_28 = math.exp %parallel_loop3A_27 : vector<16xf32>
        %parallel_loop3A_29 = arith.constant 1.000000e+00 : f32
        %parallel_loop3A_30 = vector.broadcast %parallel_loop3A_29 : f32 to vector<16xf32>
        %parallel_loop3A_31 = arith.addf %parallel_loop3A_30, %parallel_loop3A_28 : vector<16xf32>
        %parallel_loop3A_32 = arith.constant 1.000000e+00 : f32
        %parallel_loop3A_33 = vector.broadcast %parallel_loop3A_32 : f32 to vector<16xf32>
        %parallel_loop3A_34 = arith.divf %parallel_loop3A_33, %parallel_loop3A_31 : vector<16xf32>
        %parallel_loop3A_35 = arith.index_cast %parallel_loop3A_20 : i32 to index
        %parallel_loop3A_36 = arith.constant 0 : index
        %parallel_loop3A_37 = tpu.vector_load %arg12[%parallel_loop3A_35, %parallel_loop3A_36] {strides = array<i32>} : memref<1024x16xf32, #tpu.memory_space<vmem>>, vector<1x16xf32>,
        %parallel_loop3A_38 = vector.shape_cast %parallel_loop3A_37 : vector<1x16xf32> to vector<16xf32>
        %parallel_loop3A_39 = vector.shape_cast %parallel_loop3A_34 : vector<16xf32> to vector<1x16xf32>
        tpu.vector_store %arg12[%parallel_loop3A_35, %parallel_loop3A_36], %parallel_loop3A_39 {strides = array<i32>} : memref<1024x16xf32, #tpu.memory_space<vmem>>, vector<1x16xf32>,
      } {sc.loop_unroll_factor = 4 : i64, sc.parallel_access}
      "tpu.region"() ({
        %run_scoped3A = tpu.sem_alloc : memref<!tpu.dma_semaphore, #tpu.memory_space<semaphore_mem>>
        %dma_start3A = arith.constant 0 : i32
        %dma_start3A_20 = tpu.memref_slice %arg6[%add3A_8, %mul3A_0, %dma_start3A] : memref<16x16384x16xf32, #tpu.memory_space<hbm>> -> memref<1x1024x16xf32, #tpu.memory_space<hbm>>
        %dma_start3A_21 = tpu.memref_squeeze %dma_start3A_20 : memref<1x1024x16xf32, #tpu.memory_space<hbm>> -> memref<1024x16xf32, #tpu.memory_space<hbm>>
        %dma_start3A_22 = arith.constant 0 : i32
        %dma_start3A_23 = tpu.memref_slice %arg6[%add3A_8, %mul3A_0, %dma_start3A_22] : memref<16x16384x16xf32, #tpu.memory_space<hbm>> -> memref<1x1024x16xf32, #tpu.memory_space<hbm>>
        %dma_start3A_24 = tpu.memref_squeeze %dma_start3A_23 : memref<1x1024x16xf32, #tpu.memory_space<hbm>> -> memref<1024x16xf32, #tpu.memory_space<hbm>>
        tpu.enqueue_dma source(%arg12 : memref<1024x16xf32, #tpu.memory_space<vmem>>) target(%dma_start3A_24 : memref<1024x16xf32, #tpu.memory_space<hbm>>) target_semaphore(%run_scoped3A : memref<!tpu.dma_semaphore, #tpu.memory_space<semaphore_mem>>)
        %dma_wait3A = arith.constant 0 : i32
        %dma_wait3A_25 = tpu.memref_slice %arg6[%add3A_8, %mul3A_0, %dma_wait3A] : memref<16x16384x16xf32, #tpu.memory_space<hbm>> -> memref<1x1024x16xf32, #tpu.memory_space<hbm>>
        %dma_wait3A_26 = tpu.memref_squeeze %dma_wait3A_25 : memref<1x1024x16xf32, #tpu.memory_space<hbm>> -> memref<1024x16xf32, #tpu.memory_space<hbm>>
        %dma_wait3A_27 = arith.constant 0 : i32
        %dma_wait3A_28 = tpu.memref_slice %arg6[%add3A_8, %mul3A_0, %dma_wait3A_27] : memref<16x16384x16xf32, #tpu.memory_space<hbm>> -> memref<1x1024x16xf32, #tpu.memory_space<hbm>>
        %dma_wait3A_29 = tpu.memref_squeeze %dma_wait3A_28 : memref<1x1024x16xf32, #tpu.memory_space<hbm>> -> memref<1024x16xf32, #tpu.memory_space<hbm>>
        tpu.wait_dma2 semaphore(%run_scoped3A : memref<!tpu.dma_semaphore, #tpu.memory_space<semaphore_mem>>) src(%arg12 : memref<1024x16xf32, #tpu.memory_space<vmem>>) dst(%dma_wait3A_29 : memref<1024x16xf32, #tpu.memory_space<hbm>>)
        tpu.yield
      }) : () -> ()
      %barrier3A_19 = arith.constant 0 : index
      tpu.barrier barrier_id(%barrier3A_19)
    }
    %scan3A_4 = arith.constant 16 : i32
    return
  }
}

</mosaic_0001>

<sc_bundles>
// kernel: kernel.3.cloned.1.call-start
scs
__scs_entry_jumppad:
0x0: {  	(pc) =	sbr.rel $0x88, $3  }
0x1: {  	(tag) =	ssettag $0x0;
	lr =	simm.s32 $0x1  }
0x2: {  	[smem:$0x3F9D] =	sst lr;
	_ =	strace $0xD0000000  }
0x3: {  	_ = 	snop  }
0x4: {  	_ = 	snop  }
0x5: {  	_ = 	snop  }
0x6: {  	_ = 	snop  }
0x7: {  	_ = 	snop  }
__scs_overlays_trampoline_lowered:
0x8: {  	[smem:$0x3FAC] =	sst s0  }
0x9: {  	[smem:$0x3FAD] =	sst s1  }
0xa: {  	[smem:$0x3FAE] =	sst s2  }
0xb: {  	[smem:$0x3FAF] =	sst s3  }
0xc: {  	[smem:$0x3FB0] =	sst s4  }
0xd: {  	[smem:$0x3FB1] =	sst s5  }
0xe: {  	[smem:$0x3FB2] =	sst s6  }
0xf: {  	[smem:$0x3FB3] =	sst s7  }
0x10: {  	[smem:$0x3FB4] =	sst s8  }
0x11: {  	[smem:$0x3FB5] =	sst s9;
	s0 =	simm.s32 @!p0 $0x0  }
0x12: {  	s1 =	sld [smem:$0x3F9B];
	s0 =	simm.s32 @p0 $0x1  }
0x13: {  	[smem:$0x3FB6] =	sst s0;
	s0 =	simm.s32 @!p1 $0x0  }
0x14: {  	s2 =	sld [smem:$0x3F9A];
	s0 =	simm.s32 @p1 $0x1  }
0x15: {  	[smem:$0x3FB7] =	sst s0;
	s0 =	simm.s32 @!p2 $0x0  }
0x16: {  	s3 =	sld [smem:$0x3FDB];
	s0 =	simm.s32 @p2 $0x1  }
0x17: {  	s4 =	simm.s32 $0x1BF5;
	[smem:$0x3FB9] =	sst s0  }
0x18: {  	s0 =	sld [smem:$0x3F9C];
	_ =	swait.ge [sflag:s4], $0x0  }
0x19: {  	s7 =	sld [smem:$0x3F9D]  }
0x1a: {  	s8 =	sadd.s32 $0xFFFFE003, lr  }
0x1b: {  	s9 =	sadd.s32 $0xFFFFFEF7, lr;
	s5 =	simm.s32 $0xFFFFFFFF;
	p2 =	slt.u32 s8, $0xFFFFF086  }
0x1c: {  	p1 =	slt.u32 s9, $0xF7A;
	s5 =	simm.s32 @!p2 $0x0  }
0x1d: {  	s5 =	simm.s32 @p1 $0x1;
	p0 =	seq.s32 s7, s2  }
0x1e: {  	s7 =	smul.u32 @!p0 $0xF7A, s2;
	p2 =	seq.s32 @!p0 s5, $0x0  }
0x1f: {  	s9 =	smul.u32 $0xF7A, s1;
	s8 =	simm.s32 @!p0 $0x1BF5;
	p2 =	por !p2, p0  }
0x20: {  	[sflag:s8] =	ssyncset.s32 @!p0 $0xFFFFF086;
	s6 =	sadd.s32 @!p0 s3, s7;
	s7 =	simm.s32 @!p0 $0x108  }
0x21: {  	s3 =	sadd.s32 s3, s9;
	s6 =	sadd.s32 @!p0 $0x88, s6;
	s7 =	simm.s32 @p2 $0x1082  }
0x22: {  	[simem:s7], [sflag:s8] =	dma.local @!p0 [hbm:s6], $0xF7A  }
0x23: {  	s9 =	sor.u32 $0xD0000000, s2;
	s6 =	simm.s32 $0x108;
	_ =	swait.ge @!p0 [sflag:s8], $0x0  }
0x24: {  	s3 =	sadd.s32 $0x88, s3;
	s6 =	simm.s32 @!p1 $0x1082;
	[sflag:s4] =	ssyncset.s32 $0xFFFFF086  }
0x25: {  	[simem:s6], [sflag:s4] =	dma.local [hbm:s3], $0xF7A  }
0x26: {  	[smem:$0x3F9D] =	sst s1;
	(tag) =	ssettag s2;
	_ =	strace s9  }
0x27: {  	s1 =	sld [smem:$0x3FAD]  }
0x28: {  	s2 =	sld [smem:$0x3FAE]  }
0x29: {  	s4 =	sld [smem:$0x3FB0]  }
0x2a: {  	p0 =	seq.s32 s5, $0x0;
	s5 =	sld [smem:$0x3FB1]  }
0x2b: {  	s6 =	sld [smem:$0x3FB2]  }
0x2c: {  	s7 =	sld [smem:$0x3FB3]  }
0x2d: {  	s3 =	simm.s32 $0x108;
	s8 =	sld [smem:$0x3FB4]  }
0x2e: {  	s3 =	simm.s32 @!p0 $0x1082;
	s9 =	sld [smem:$0x3FB5]  }
0x2f: {  	lr =	sadd.s32 s0, s3;
	s0 =	sld [smem:$0x3FAC]  }
0x30: {  	s3 =	sld [smem:$0x3FAF]  }
0x31: {  	[smem:$0x3FB8] =	sst s10  }
0x32: {  	s10 =	sld [smem:$0x3FB6];
	_ =	sdelay $0x3  }
0x33: {  	p0 =	seq.s32 s10, $0x1;
	s10 =	sld [smem:$0x3FB8];
	_ =	sdelay $0x3  }
0x34: {  	[smem:$0x3FB8] =	sst s10  }
0x35: {  	s10 =	sld [smem:$0x3FB7];
	_ =	sdelay $0x3  }
0x36: {  	p1 =	seq.s32 s10, $0x1;
	s10 =	sld [smem:$0x3FB8];
	_ =	sdelay $0x3  }
0x37: {  	[smem:$0x3FB8] =	sst s10  }
0x38: {  	s10 =	sld [smem:$0x3FB9]  }
0x39: {  	_ = 	snop;
	(pc) =	sbr.ind lr, $3  }
0x3a: {  	_ = 	snop  }
0x3b: {  	_ = 	snop  }
0x3c: {  	p2 =	seq.s32 s10, $0x1;
	s10 =	sld [smem:$0x3FB8]  }
0x3d: {  	_ =	shalt  }
0x3e: {  	_ =	shalt  }
0x3f: {  	_ =	shalt  }
0x40: {  	_ =	shalt  }
0x41: {  	_ =	shalt  }
0x42: {  	_ =	shalt  }
0x43: {  	_ =	shalt  }
0x44: {  	_ =	shalt  }
0x45: {  	_ =	shalt  }
0x46: {  	_ =	shalt  }
0x47: {  	_ =	shalt  }
0x48: {  	_ =	shalt  }
0x49: {  	_ =	shalt  }
0x4a: {  	_ =	shalt  }
0x4b: {  	_ =	shalt  }
0x4c: {  	_ =	shalt  }
0x4d: {  	_ =	shalt  }
0x4e: {  	_ =	shalt  }
0x4f: {  	_ =	shalt  }
0x50: {  	_ =	shalt  }
0x51: {  	_ =	shalt  }
0x52: {  	_ =	shalt  }
0x53: {  	_ =	shalt  }
0x54: {  	_ =	shalt  }
0x55: {  	_ =	shalt  }
0x56: {  	_ =	shalt  }
0x57: {  	_ =	shalt  }
0x58: {  	_ =	shalt  }
0x59: {  	_ =	shalt  }
0x5a: {  	_ =	shalt  }
0x5b: {  	_ =	shalt  }
0x5c: {  	_ =	shalt  }
0x5d: {  	_ =	shalt  }
0x5e: {  	_ =	shalt  }
0x5f: {  	_ =	shalt  }
0x60: {  	_ =	shalt  }
0x61: {  	_ =	shalt  }
0x62: {  	_ =	shalt  }
0x63: {  	_ =	shalt  }
0x64: {  	_ =	shalt  }
0x65: {  	_ =	shalt  }
0x66: {  	_ =	shalt  }
0x67: {  	_ =	shalt  }
0x68: {  	_ =	shalt  }
0x69: {  	_ =	shalt  }
0x6a: {  	_ =	shalt  }
0x6b: {  	_ =	shalt  }
0x6c: {  	_ =	shalt  }
0x6d: {  	_ =	shalt  }
0x6e: {  	_ =	shalt  }
0x6f: {  	_ =	shalt  }
0x70: {  	_ =	shalt  }
0x71: {  	_ =	shalt  }
0x72: {  	_ =	shalt  }
0x73: {  	_ =	shalt  }
0x74: {  	_ =	shalt  }
0x75: {  	_ =	shalt  }
0x76: {  	_ =	shalt  }
0x77: {  	_ =	shalt  }
0x78: {  	_ =	shalt  }
0x79: {  	_ =	shalt  }
0x7a: {  	_ =	shalt  }
0x7b: {  	_ =	shalt  }
0x7c: {  	_ =	shalt  }
0x7d: {  	_ =	shalt  }
0x7e: {  	_ =	shalt  }
0x7f: {  	_ =	shalt  }
0x80: {  	_ =	shalt  }
0x81: {  	_ =	shalt  }
0x82: {  	_ =	shalt  }
0x83: {  	_ =	shalt  }
0x84: {  	_ =	shalt  }
0x85: {  	_ =	shalt  }
0x86: {  	_ =	shalt  }
0x87: {  	_ =	shalt  }
.Lfunc_end0:
.L_simem_size_0:
called_computation_lowered:
.L_overlay_start_0:
0x88: {  	s0 =	sld [smem:$0x3FD9]  }
0x89: {  	s1 =	sld [smem:$0x3FFE];
	_ =	sdelay $0x3  }
0x8a: {  	s0 =	sadd.s32 s1, s0  }
0x8b: {  	[smem:$0x3FC4] =	sst s0  }
0x8c: {  	_ = 	snop  }
0x8d: {  	s0 =	sld [smem:$0x3FD0];
	(tm) =	ssettm $0x1  }
0x8e: {  	s16 =	sld [smem:$0x3FFB];
	_ =	sdelay $0x3  }
0x8f: {  	_ =	strace s16  }
0x90: {  	s1 =	sld [smem:$0x3FFC];
	_ =	sdelay $0x3  }
0x91: {  	_ =	strace s1  }
0x92: {  	s1 =	sld [smem:$0x3FFD];
	_ =	sdelay $0x3  }
0x93: {  	_ =	strace s1  }
0x94: {  	_ =	strace $0x8FFFFFFF  }
0x95: {  	s17 =	sld [smem:$0x3FDB];
	_ =	sdelay $0x1  }
0x96: {  	s2 =	simm.s32 $_scs_section_size  }
0x97: {  	s3 =	simm.s32 $_size__tile_overlayer_lowered;
	s4 =	simm.s32 $_tile_overlayer_lowered  }
0x98: {  	s20 =	simm.s32 $0x1BFF;
	s19 =	sshll.u32 s4, $0x1;
	s1 =	sadd.s32 s2, s17  }
0x99: {  	s5 =	simm.s32 $0x0;
	s18 =	sshll.u32 s3, $0x1;
	s3 =	sadd.s32 s19, s1  }
0x9a: {  	[timem:s5], [sflag:s20] =	dma.local [hbm:s3], s18  }
0x9b: {  	_ =	swait.ge [sflag:s20], s18  }
0x9c: {  	s2 =	ssub.s32 $0x0, s18;
	[sflag:s20] =	ssyncset.done $0x0  }
0x9d: {  	[sflag:s20] =	ssyncadd.s32 s2;
	_ =	sdelay $0x1  }
0x9e: {  	s21 =	simm.s32 $0x1B8B  }
0x9f: {  	_ =	swait.ge [sflag:s21], $0x1  }
0xa0: {  	[sflag:s21] =	ssyncset.done $0x0  }
0xa1: {  	s23 =	simm.s32 $0x1B8E;
	s22 =	sld [smem:$0x3FFE];
	[sflag:s21] =	ssyncadd.s32 $0xFFFFFFFF  }
0xa2: {  	s24 =	simm.s32 $execute0_lowered;
	[smem:$0x3FD2] =	sst s23  }
0xa3: {  	s3 =	sshll.u32 s24, $0x1;
	_ =	strace $0x80000046;
	[dreg:$0x1] =	wrdreg $0xFFFFFFFF  }
0xa4: {  	s25 =	simm.s32 $_size_execute0_lowered;
	s1 =	sadd.s32 s1, s3;
	[dreg:$0x0] =	wrdreg $0x0  }
0xa5: {  	s3 =	sshll.u32 s25, $0x1;
	[dreg:$0x2] =	wrdreg s1  }
0xa6: {  	[dreg:$0x3] =	wrdreg s3  }
0xa7: {  	[dreg:$0x4] =	wrdreg $0xC0  }
0xa8: {  	_ =	task [dreg:s5], $0x5FFFF  }
0xa9: {  	[dreg:$0x1] =	wrdreg $0xFFFFFFFF  }
0xaa: {  	[dreg:$0x0] =	wrdreg $0x60  }
0xab: {  	[dreg:$0x2] =	wrdreg s0  }
0xac: {  	[dreg:$0x3] =	wrdreg s22  }
0xad: {  	[dreg:$0x4] =	wrdreg $0x0  }
0xae: {  	[dreg:$0x5] =	wrdreg $0x9  }
0xaf: {  	_ =	task.clear_ibuf [dreg:s5], $0x6FFFF;
	_ =	strace $0x90000046  }
0xb0: {  	s26 =	simm.s32 $0x9;
	_ =	strace $0x80000048  }
0xb1: {  	_ =	swait.ge [sflag:s26], $0x1  }
0xb2: {  	[sflag:s26] =	ssyncadd.s32 $0xFFFFFFFF  }
0xb3: {  	_ =	strace $0x90000048  }
0xb4: {  	_ =	sfence  }
0xb5: {  	s28 =	sld [smem:$0x0];
	_ =	sdelay $0x1  }
0xb6: {  	s29 =	srdreg.scid  }
0xb7: {  	s30 =	sshll.u32 s29, $0xD;
	s31 =	sshrl.u32 s29, $0x2  }
0xb8: {  	s2 =	sand.u32 $0x4000, s30;
	s1 =	sand.u32 $0x1, s29;
	s0 =	sadd.s32 s31, s28  }
0xb9: {  	s1 =	sor.u32 s2, s1;
	s0 =	sshll.u32 s0, $0x11  }
0xba: {  	s0 =	sor.u32 s0, s1  }
0xbb: {  	s0 =	sadd.s32 $0x8F2B, s0  }
0xbc: {  	[sflag:s0] =	ssyncadd.remote.s32 $0x1  }
0xbd: {  	_ =	sfence.sel $0xFFFF  }
0xbe: {  	[dreg:$0x0] =	wrdreg $0xFFFFFFFF;
	(pc) =	sbr.abs _section_cstart, $3  }
0xbf: {  	[dreg:$0x1] =	wrdreg $0xFFFFFFFF  }
0xc0: {  	_ =	task.clear_ibuf [dreg:s5], $0x2FFFF;
	_ =	strace $0x9FFFFFFF  }
0xc1: {  	(tm) =	ssettm $0x7FFFFFFF  }
tec
execute0_lowered:
.L_overlay_start_1:
0x0: {  	(tag) =	ssettag $0x1  }
0x1: {  	s0 =	rddreg [dreg:$0x1]  }
0x2: {  	s3 =	rddreg [dreg:$0x2]  }
0x3: {  	s6 =	stileid.u32;
	s7 =	simm.s32 $0x0;
	s2 =	simm.s32 $0x4000  }
0x4: {  	s5 =	simm.s32 $0x5;
	s4 =	simm.s32 $0x8200;
	s23 =	simm.s32 $0xC400  }
0x5: {  	s9 =	simm.s32 $0x16600;
	s12 =	simm.s32 $0x80;
	s13 =	simm.s32 $0x13600  }
0x6: {  	s14 =	simm.s32 $0x13E00;
	s15 =	simm.s32 $0x14600;
	s1 =	smul.u32 $0x840, s6  }
0x7: {  	s16 =	simm.s32 $0x14E00;
	s17 =	simm.s32 $0x15600;
	[smem:$0x7FF] =	sst s7  }
0x8: {  	s18 =	simm.s32 $0x15E00;
	_ =	strace $0x80000047;
	s1 =	sadd.s32 s0, s1  }
0x9: {  	[tilespmem:s2], [sflag:$0x5] =	stream.linear.gather [hbm4b:s1+s7], $0x4200, $0x38;
	[tilespmem:$0x1A600] =	vst v63  }
0xa: {  	s19 =	simm.s32 $0x1;
	s20 =	simm.s32 $0x10600;
	_ =	swait.ge [sflag:s5], $0x4200  }
0xb: {  	s21 =	simm.s32 $0x10E00;
	s28 =	simm.s32 $0x2;
	[sflag:s5] =	ssyncset.done $0x0  }
0xc: {  	s29 =	simm.s32 $0x4;
	s22 =	sadd.s32 $0x8400, s1;
	[sflag:s5] =	ssyncadd.s32 $0xFFFFBE00  }
0xd: {  	[tilespmem:s4], [sflag:$0x5] =	stream.linear.gather [hbm4b:s22+s7], $0x4200, $0x38;
	[tilespmem:$0x1A600] =	vst v63  }
0xe: {  	s30 =	simm.s32 $0x0;
	s8 =	sadd.s32 $0x18C00, s0;
	_ =	swait.ge [sflag:s5], $0x4200  }
0xf: {  	s24 =	sshll.u32 s6, $0xE;
	s26 =	sshll.u32 s6, $0x6;
	[sflag:s5] =	ssyncset.done $0x0  }
0x10: {  	s25 =	sadd.s32 s24, s3;
	s1 =	sadd.s32 $0x10800, s1;
	[sflag:s5] =	ssyncadd.s32 $0xFFFFBE00  }
0x11: {  	[tilespmem:s23], [sflag:$0x5] =	stream.linear.gather [hbm4b:s1+s7], $0x4200, $0x38;
	[tilespmem:$0x1A600] =	vst v63  }
0x12: {  	s0 =	sor.u32 $0x1C05, s26;
	_ =	swait.ge [sflag:s5], $0x4200;
	[dreg:$0x5] =	wrdreg s24  }
0x13: {  	s31 =	sshrl.u32 s25, $0x3;
	s26 =	simm.s32 $0x3;
	[dreg:$0x7] =	wrdreg s0  }
0x14: {  	s22 =	simm.s32 $0x11600;
	s23 =	simm.s32 $0x11E00;
	[dreg:$0x6] =	wrdreg s25  }
0x15: {  	[dreg:$0x8] =	wrdreg s31;
	s24 =	simm.s32 $0x12600;
	[sflag:s5] =	ssyncset.done $0x0  }
0x16: {  	s25 =	simm.s32 $0x12E00;
	[dreg:$0x4] =	wrdreg s8;
	[sflag:s5] =	ssyncadd.s32 $0xFFFFBE00  }
.LBB2_1:
0x17: {  	p0 =	seq.s32 s30, $0x0  }
0x18: {  	s0 =	sshll.u32 @!p0 s30, $0x12  }
0x19: {  	s1 =	sadd.s32 @!p0 $0xFFFC0000, s0  }
0x1a: {  	s2 =	simm.s32 @!p0 $0x80;
	s1 =	sshrl.u32 @!p0 s1, $0x3  }
0x1b: {  	s4 =	simm.s32 @!p0 $0x4000;
	s6 =	simm.s32 @!p0 $0x10600;
	s1 =	sadd.s32 @!p0 s8, s1  }
0x1c: {  	[tilespmem:s6], [sflag:$0x1] =	stream.indirect.gather @!p0 [hbm4b:s1+s2], $0x10, s4, s2, $0xb8;
	[tilespmem:$0x1A600] =	vst v63  }
0x1d: {  	s4 =	simm.s32 @!p0 $0x4080;
	s6 =	simm.s32 @!p0 $0x10E00  }
0x1e: {  	[tilespmem:s6], [sflag:$0x1] =	stream.indirect.gather @!p0 [hbm4b:s1+s2], $0x10, s4, s2, $0xb8;
	[tilespmem:$0x1A600] =	vst v63  }
0x1f: {  	s4 =	simm.s32 @!p0 $0x4100;
	s6 =	simm.s32 @!p0 $0x11600  }
0x20: {  	[tilespmem:s6], [sflag:$0x1] =	stream.indirect.gather @!p0 [hbm4b:s1+s2], $0x10, s4, s2, $0xb8;
	[tilespmem:$0x1A600] =	vst v63  }
0x21: {  	s4 =	simm.s32 @!p0 $0x4180;
	s6 =	simm.s32 @!p0 $0x11E00  }
0x22: {  	[tilespmem:s6], [sflag:$0x1] =	stream.indirect.gather @!p0 [hbm4b:s1+s2], $0x10, s4, s2, $0xb8;
	[tilespmem:$0x1A600] =	vst v63  }
0x23: {  	s4 =	simm.s32 @!p0 $0x4200;
	s6 =	simm.s32 @!p0 $0x12600  }
0x24: {  	[tilespmem:s6], [sflag:$0x1] =	stream.indirect.gather @!p0 [hbm4b:s1+s2], $0x10, s4, s2, $0xb8;
	[tilespmem:$0x1A600] =	vst v63  }
0x25: {  	s4 =	simm.s32 @!p0 $0x4280;
	s6 =	simm.s32 @!p0 $0x12E00  }
0x26: {  	[tilespmem:s6], [sflag:$0x1] =	stream.indirect.gather @!p0 [hbm4b:s1+s2], $0x10, s4, s2, $0xb8;
	[tilespmem:$0x1A600] =	vst v63  }
0x27: {  	s0 =	simm.s32 @p0 $0x0;
	s6 =	rddreg [dreg:$0x5]  }
0x28: {  	s7 =	rddreg [dreg:$0x0];
	s1 =	sor.u32 s6, s0  }
0x29: {  	s10 =	rddreg [dreg:$0x7];
	s31 =	sshrl.u32 s1, $0x3  }
0x2a: {  	s11 =	rddreg [dreg:$0x8];
	s1 =	sadd.s32 s7, s31  }
0x2b: {  	[spmem:s11], [sflag:s10] =	dma.local [hbm:s1], $0x800  }
.Ltmp0:
0x2c: {  	_ =	swait.ge [sflag:s5], $0x800;
	(pc) =	sbr.rel @p0 .LBB2_9-.Ltmp0, $3  }
0x2d: {  	[sflag:s5] =	ssyncset.done $0x0  }
0x2e: {  	[sflag:s5] =	ssyncadd.s32 $0xFFFFF800  }
0x2f: {  	[bflag:$0x0] =	sbarrier.arrive $0xFFFF;
	_ =	sdelay $0x1  }
0x30: {  	s0 =	sadd.s32 $0xFFFC0000, s0  }
0x31: {  	s1 =	simm.s32 $0x0;
	s0 =	sshrl.u32 s0, $0x3  }
0x32: {  	s2 =	simm.s32 $0xC410;
	s4 =	simm.s32 $0xC710;
	s0 =	sadd.s32 s8, s0  }
.LBB2_3:
0x33: {  	p0 =	seq.s32 s1, $0x0  }
0x34: {  	s6 =	simm.s32 @!p0 $0x4  }
0x35: {  	_ =	swait.ge @!p0 [sflag:s6], $0x800  }
0x36: {  	[sflag:s6] =	ssyncset.done @!p0 $0x0  }
0x37: {  	[sflag:s6] =	ssyncadd.s32 @!p0 $0xFFFFF800  }
0x38: {  	_ =	swait.ge @!p0 [sflag:s6], $0x800  }
0x39: {  	[sflag:s6] =	ssyncset.done @!p0 $0x0  }
0x3a: {  	[sflag:s6] =	ssyncadd.s32 @!p0 $0xFFFFF800  }
0x3b: {  	_ =	swait.ge @!p0 [sflag:s6], $0x800  }
0x3c: {  	[sflag:s6] =	ssyncset.done @!p0 $0x0  }
0x3d: {  	[sflag:s6] =	ssyncadd.s32 @!p0 $0xFFFFF800  }
0x3e: {  	_ =	swait.ge @!p0 [sflag:s6], $0x800  }
0x3f: {  	[sflag:s6] =	ssyncset.done @!p0 $0x0  }
0x40: {  	[sflag:s6] =	ssyncadd.s32 @!p0 $0xFFFFF800  }
0x41: {  	_ =	swait.ge @!p0 [sflag:s6], $0x800  }
0x42: {  	s9 =	smul.u32 $0x1800, s1;
	[sflag:s6] =	ssyncset.done @!p0 $0x0  }
0x43: {  	[sflag:s6] =	ssyncadd.s32 @!p0 $0xFFFFF800  }
0x44: {  	s7 =	sadd.s32 $0xC00, s9;
	_ =	swait.ge @!p0 [sflag:s6], $0x800  }
0x45: {  	s11 =	sshra.s32 s7, $0x2;
	[sflag:s6] =	ssyncset.done @!p0 $0x0  }
0x46: {  	s7 =	sadd.s32 $0x4000, s11;
	[sflag:s6] =	ssyncadd.s32 @!p0 $0xFFFFF800  }
0x47: {  	[tilespmem:s13], [sflag:$0x2] =	stream.indirect.gather [hbm4b:s0+s12], $0x10, s7, s12, $0xb8;
	[tilespmem:$0x1A600] =	vst v63  }
0x48: {  	s8 =	sadd.s32 $0x4080, s11  }
0x49: {  	[tilespmem:s14], [sflag:$0x2] =	stream.indirect.gather [hbm4b:s0+s12], $0x10, s8, s12, $0xb8;
	[tilespmem:$0x1A600] =	vst v63  }
0x4a: {  	s10 =	sadd.s32 $0x4100, s11  }
0x4b: {  	[tilespmem:s15], [sflag:$0x2] =	stream.indirect.gather [hbm4b:s0+s12], $0x10, s10, s12, $0xb8;
	[tilespmem:$0x1A600] =	vst v63  }
0x4c: {  	s7 =	sadd.s32 $0x4180, s11  }
0x4d: {  	[tilespmem:s16], [sflag:$0x2] =	stream.indirect.gather [hbm4b:s0+s12], $0x10, s7, s12, $0xb8;
	[tilespmem:$0x1A600] =	vst v63  }
0x4e: {  	s8 =	sadd.s32 $0x4200, s11  }
0x4f: {  	[tilespmem:s17], [sflag:$0x2] =	stream.indirect.gather [hbm4b:s0+s12], $0x10, s8, s12, $0xb8;
	[tilespmem:$0x1A600] =	vst v63  }
0x50: {  	s10 =	sadd.s32 $0x4280, s11  }
0x51: {  	[tilespmem:s18], [sflag:$0x2] =	stream.indirect.gather [hbm4b:s0+s12], $0x10, s10, s12, $0xb8;
	[tilespmem:$0x1A600] =	vst v63  }
0x52: {  	_ =	swait.ge [sflag:s19], $0x800  }
0x53: {  	[sflag:s19] =	ssyncset.done $0x0  }
0x54: {  	[sflag:s19] =	ssyncadd.s32 $0xFFFFF800  }
0x55: {  	_ =	swait.ge [sflag:s19], $0x800  }
0x56: {  	[sflag:s19] =	ssyncset.done $0x0  }
0x57: {  	[sflag:s19] =	ssyncadd.s32 $0xFFFFF800  }
0x58: {  	_ =	swait.ge [sflag:s19], $0x800  }
0x59: {  	[sflag:s19] =	ssyncset.done $0x0  }
0x5a: {  	[sflag:s19] =	ssyncadd.s32 $0xFFFFF800  }
0x5b: {  	_ =	swait.ge [sflag:s19], $0x800  }
0x5c: {  	[sflag:s19] =	ssyncset.done $0x0  }
0x5d: {  	[sflag:s19] =	ssyncadd.s32 $0xFFFFF800  }
0x5e: {  	_ =	swait.ge [sflag:s19], $0x800  }
0x5f: {  	[sflag:s19] =	ssyncset.done $0x0  }
0x60: {  	[sflag:s19] =	ssyncadd.s32 $0xFFFFF800  }
0x61: {  	_ =	swait.ge [sflag:s19], $0x800  }
0x62: {  	[sflag:s19] =	ssyncset.done $0x0  }
0x63: {  	[sflag:s19] =	ssyncadd.s32 $0xFFFFF800  }
0x64: {  	v1 =	vld [tilespmem:s2+$0x0]  }
0x65: {  	s10 =	simm.s32 $0x10700;
	v0 =	vld [tilespmem:s2+$0xFFFFFFF0]  }
0x66: {  	v2 =	vld [tilespmem:s10+$0xF0]  }
0x67: {  	v6 =	vld [tilespmem:s10+$0xFFFFFF00]  }
0x68: {  	v7 =	vld [tilespmem:s10+$0xFFFFFF10]  }
0x69: {  	v8 =	vld [tilespmem:s10+$0xFFFFFF20];
	v9 =	vbroadcast v1, $0x0;
	v3 =	vbroadcast v1, $0xF  }
0x6a: {  	v12 =	vld [tilespmem:s10+$0xFFFFFF30];
	v10 =	vbroadcast v0, $0x0;
	v11 =	vbroadcast v0, $0x1  }
0x6b: {  	v14 =	vld [tilespmem:s10+$0xFFFFFF40];
	v13 =	vbroadcast v0, $0x2;
	v15 =	vbroadcast v0, $0x3  }
0x6c: {  	v17 =	vld [tilespmem:s10+$0xFFFFFF50];
	v16 =	vbroadcast v0, $0x4;
	v18 =	vbroadcast v0, $0x5  }
0x6d: {  	v20 =	vld [tilespmem:s10+$0xFFFFFF60];
	v19 =	vbroadcast v0, $0x6;
	v21 =	vbroadcast v0, $0x7  }
0x6e: {  	v22 =	vld [tilespmem:s10+$0xFFFFFF70];
	v23 =	vbroadcast v0, $0x8;
	v25 =	vbroadcast v0, $0x9  }
0x6f: {  	v24 =	vld [tilespmem:s10+$0xFFFFFF80];
	v26 =	vbroadcast v0, $0xA;
	v28 =	vbroadcast v0, $0xB  }
0x70: {  	v27 =	vld [tilespmem:s10+$0xFFFFFF90];
	v29 =	vbroadcast v0, $0xC;
	v31 =	vbroadcast v0, $0xD  }
0x71: {  	v30 =	vld [tilespmem:s10+$0xFFFFFFA0];
	v32 =	vbroadcast v0, $0xE;
	v34 =	vbroadcast v0, $0xF  }
0x72: {  	v33 =	vld [tilespmem:s10+$0xFFFFFFB0];
	v35 =	vbroadcast v1, $0x1;
	v37 =	vbroadcast v1, $0x2  }
0x73: {  	v36 =	vld [tilespmem:s10+$0xFFFFFFC0];
	v38 =	vbroadcast v1, $0x3;
	v40 =	vbroadcast v1, $0x4  }
0x74: {  	v39 =	vld [tilespmem:s10+$0xFFFFFFD0];
	v41 =	vbroadcast v1, $0x5;
	v43 =	vbroadcast v1, $0x6  }
0x75: {  	v47 =	vld [tilespmem:s10+$0x0];
	v44 =	vbroadcast v1, $0x7;
	v46 =	vbroadcast v1, $0x8  }
0x76: {  	v48 =	vld [tilespmem:s10+$0x10];
	v4 =	vbroadcast v1, $0x9;
	v5 =	vbroadcast v1, $0xA  }
0x77: {  	v50 =	vld [tilespmem:s10+$0x40];
	v0 =	vbroadcast v1, $0xD;
	v2 =	vmul.f32 v2, v3  }
0x78: {  	v42 =	vld [tilespmem:s10+$0xFFFFFFE0];
	v3 =	vbroadcast v1, $0xB;
	v6 =	vmul.f32 v10, v6  }
0x79: {  	v45 =	vld [tilespmem:s10+$0xFFFFFFF0];
	v7 =	vmul.f32 v7, v11;
	v8 =	vmul.f32 v8, v13  }
0x7a: {  	v49 =	vld [tilespmem:s10+$0x30];
	v11 =	vmul.f32 v14, v16;
	v23 =	vmul.f32 v24, v23;
	[tilespmem:s10+$0xF0] =	vst v2  }
0x7b: {  	v51 =	vld [tilespmem:s10+$0x50];
	v16 =	vmul.f32 v36, v29;
	v13 =	vmul.f32 v9, v47;
	[tilespmem:s10+$0xFFFFFF00] =	vst v6  }
0x7c: {  	v10 =	vld [tilespmem:s10+$0x20];
	v14 =	vmul.f32 v48, v35;
	v9 =	vmul.f32 v50, v40;
	[tilespmem:s10+$0xFFFFFF10] =	vst v7  }
0x7d: {  	v24 =	vld [tilespmem:s10+$0x60];
	v2 =	vbroadcast v1, $0xC;
	v6 =	vmul.f32 v12, v15;
	[tilespmem:s10+$0xFFFFFF20] =	vst v8  }
0x7e: {  	v7 =	vmul.f32 v17, v18;
	v12 =	vmul.f32 v20, v19;
	[tilespmem:s10+$0xFFFFFF40] =	vst v11;
	v20 =	vld [tilespmem:s10+$0x90]  }
0x7f: {  	[tilespmem:s10+$0xFFFFFF30] =	vst v6;
	v6 =	vmul.f32 v27, v25;
	v25 =	vmul.f32 v30, v26;
	v26 =	vld [tilespmem:s10+$0x70]  }
0x80: {  	v1 =	vbroadcast v1, $0xE;
	v8 =	vmul.f32 v22, v21;
	[tilespmem:s10+$0xFFFFFF80] =	vst v23;
	v27 =	vld [tilespmem:s10+$0x80]  }
0x81: {  	v19 =	vmul.f32 v33, v28;
	v18 =	vmul.f32 v39, v31;
	v21 =	vld [tilespmem:s10+$0xA0];
	[tilespmem:s10+$0xFFFFFF50] =	vst v7  }
0x82: {  	v15 =	vmul.f32 v42, v32;
	v17 =	vmul.f32 v45, v34;
	v22 =	vld [tilespmem:s10+$0xB0];
	[tilespmem:s10+$0xFFFFFF60] =	vst v12  }
0x83: {  	v23 =	vld [tilespmem:s10+$0xC0];
	[tilespmem:s10+$0xFFFFFF70] =	vst v8;
	v12 =	vmul.f32 v49, v38;
	v11 =	vmul.f32 v10, v37  }
0x84: {  	v10 =	vmul.f32 v51, v41;
	v7 =	vmul.f32 v24, v43;
	v24 =	vld [tilespmem:s10+$0xD0];
	[tilespmem:s10+$0xFFFFFF90] =	vst v6  }
0x85: {  	s6 =	sadd.s32 $0x20, s2;
	s7 =	simm.s32 $0x10700;
	s8 =	simm.s32 $0x0;
	[tilespmem:s10+$0xFFFFFFA0] =	vst v25;
	v25 =	vld [tilespmem:s10+$0xE0];
	v8 =	vmul.f32 v26, v44;
	v6 =	vmul.f32 v27, v46  }
.LBB2_4:
0x86: {  	v26 =	vld [tilespmem:s6+$0x0];
	s8 =	sadd.s32 $0x2, s8;
	[tilespmem:s10+$0xFFFFFFB0] =	vst v19;
	v4 =	vmul.f32 v20, v4;
	v5 =	vmul.f32 v21, v5  }
0x87: {  	s10 =	sadd.s32 $0x200, s10;
	v19 =	vld [tilespmem:s6+$0xFFFFFFF0];
	p0 =	slt.u32 s8, $0x2E;
	[tilespmem:s7+$0xFFFFFFC0] =	vst v16;
	v3 =	vmul.f32 v22, v3  }
0x88: {  	v16 =	vld [tilespmem:s10+$0xF0];
	[tilespmem:s7+$0xFFFFFFD0] =	vst v18;
	v2 =	vmul.f32 v23, v2  }
0x89: {  	v18 =	vld [tilespmem:s10+$0xFFFFFF00];
	[tilespmem:s7+$0xFFFFFFE0] =	vst v15;
	v0 =	vmul.f32 v24, v0  }
0x8a: {  	v15 =	vld [tilespmem:s10+$0xFFFFFF10];
	[tilespmem:s7+$0xFFFFFFF0] =	vst v17;
	v1 =	vmul.f32 v25, v1  }
0x8b: {  	v17 =	vld [tilespmem:s10+$0xFFFFFF20];
	v21 =	vbroadcast v26, $0x0;
	v20 =	vbroadcast v26, $0xF;
	[tilespmem:s7+$0x0] =	vst v13  }
0x8c: {  	v13 =	vbroadcast v19, $0x0;
	v22 =	vbroadcast v19, $0x1;
	v23 =	vld [tilespmem:s10+$0xFFFFFF30];
	[tilespmem:s7+$0x10] =	vst v14  }
0x8d: {  	v14 =	vbroadcast v19, $0x2;
	v24 =	vld [tilespmem:s10+$0xFFFFFF40];
	v16 =	vmul.f32 v16, v20;
	[tilespmem:s7+$0x20] =	vst v11  }
0x8e: {  	v11 =	vbroadcast v19, $0x3;
	v20 =	vbroadcast v19, $0x4;
	v25 =	vld [tilespmem:s10+$0xFFFFFF50];
	[tilespmem:s7+$0x30] =	vst v12  }
0x8f: {  	v27 =	vbroadcast v19, $0x6;
	v12 =	vbroadcast v19, $0x5;
	v28 =	vld [tilespmem:s10+$0xFFFFFF60];
	[tilespmem:s10+$0xF0] =	vst v16  }
0x90: {  	v30 =	vbroadcast v19, $0x8;
	v16 =	vbroadcast v19, $0x7;
	v29 =	vld [tilespmem:s10+$0xFFFFFF70];
	[tilespmem:s7+$0x40] =	vst v9  }
0x91: {  	v31 =	vbroadcast v19, $0x9;
	v32 =	vbroadcast v19, $0xA;
	v9 =	vld [tilespmem:s10+$0xFFFFFF80];
	[tilespmem:s7+$0x50] =	vst v10  }
0x92: {  	v33 =	vbroadcast v19, $0xB;
	v34 =	vbroadcast v19, $0xC;
	v10 =	vld [tilespmem:s10+$0xFFFFFF90];
	[tilespmem:s7+$0x60] =	vst v7  }
0x93: {  	v35 =	vbroadcast v19, $0xD;
	v36 =	vbroadcast v19, $0xE;
	v7 =	vld [tilespmem:s10+$0xFFFFFFA0];
	[tilespmem:s7+$0x70] =	vst v8  }
0x94: {  	v38 =	vbroadcast v26, $0x1;
	v37 =	vbroadcast v19, $0xF;
	v8 =	vld [tilespmem:s10+$0xFFFFFFB0];
	[tilespmem:s7+$0x80] =	vst v6  }
0x95: {  	v39 =	vbroadcast v26, $0x2;
	v40 =	vbroadcast v26, $0x3;
	v6 =	vld [tilespmem:s10+$0xFFFFFFC0];
	[tilespmem:s7+$0x90] =	vst v4  }
0x96: {  	v42 =	vbroadcast v26, $0x4;
	v43 =	vbroadcast v26, $0x5;
	v41 =	vld [tilespmem:s10+$0xFFFFFFD0];
	[tilespmem:s7+$0xA0] =	vst v5  }
0x97: {  	v45 =	vbroadcast v26, $0x6;
	v46 =	vbroadcast v26, $0x7;
	v44 =	vld [tilespmem:s10+$0xFFFFFFE0];
	[tilespmem:s7+$0xB0] =	vst v3  }
0x98: {  	v48 =	vbroadcast v26, $0x8;
	v4 =	vbroadcast v26, $0x9;
	v47 =	vld [tilespmem:s10+$0xFFFFFFF0];
	[tilespmem:s7+$0xC0] =	vst v2  }
0x99: {  	v5 =	vbroadcast v26, $0xA;
	v3 =	vbroadcast v26, $0xB;
	v49 =	vld [tilespmem:s10+$0x0];
	[tilespmem:s7+$0xD0] =	vst v0  }
0x9a: {  	v2 =	vbroadcast v26, $0xC;
	v0 =	vbroadcast v26, $0xD;
	v50 =	vld [tilespmem:s10+$0x10];
	[tilespmem:s7+$0xE0] =	vst v1;
	s7 =	smov.u32 s10  }
0x9b: {  	v13 =	vmul.f32 v13, v18;
	v1 =	vbroadcast v26, $0xE;
	v51 =	vld [tilespmem:s10+$0x20]  }
0x9c: {  	v15 =	vmul.f32 v15, v22;
	v14 =	vmul.f32 v17, v14;
	v26 =	vld [tilespmem:s10+$0x30]  }
0x9d: {  	v11 =	vmul.f32 v23, v11;
	[tilespmem:s10+$0xFFFFFF00] =	vst v13;
	v13 =	vmul.f32 v24, v20;
	v23 =	vld [tilespmem:s10+$0x40]  }
0x9e: {  	v12 =	vmul.f32 v25, v12;
	v17 =	vmul.f32 v28, v27;
	[tilespmem:s10+$0xFFFFFF10] =	vst v15;
	v24 =	vld [tilespmem:s10+$0x50]  }
0x9f: {  	v9 =	vmul.f32 v9, v30;
	[tilespmem:s10+$0xFFFFFF20] =	vst v14;
	v14 =	vmul.f32 v29, v16;
	v25 =	vld [tilespmem:s10+$0x60]  }
0xa0: {  	v10 =	vmul.f32 v10, v31;
	v27 =	vmul.f32 v7, v32;
	[tilespmem:s10+$0xFFFFFF30] =	vst v11;
	v28 =	vld [tilespmem:s10+$0x70]  }
0xa1: {  	v19 =	vmul.f32 v8, v33;
	v16 =	vmul.f32 v6, v34;
	[tilespmem:s10+$0xFFFFFF40] =	vst v13;
	v6 =	vld [tilespmem:s10+$0x80]  }
0xa2: {  	v18 =	vmul.f32 v41, v35;
	v15 =	vmul.f32 v44, v36;
	[tilespmem:s10+$0xFFFFFF50] =	vst v12;
	v20 =	vld [tilespmem:s10+$0x90]  }
.Ltmp1:
0xa3: {  	v13 =	vmul.f32 v21, v49;
	[tilespmem:s10+$0xFFFFFF60] =	vst v17;
	v17 =	vmul.f32 v47, v37;
	v21 =	vld [tilespmem:s10+$0xA0];
	(pc) =	sbr.rel @p0 .LBB2_4-.Ltmp1, $4  }
0xa4: {  	v11 =	vmul.f32 v51, v39;
	[tilespmem:s10+$0xFFFFFF70] =	vst v14;
	v14 =	vmul.f32 v50, v38;
	v22 =	vld [tilespmem:s10+$0xB0]  }
0xa5: {  	v12 =	vmul.f32 v26, v40;
	[tilespmem:s10+$0xFFFFFF80] =	vst v9;
	v9 =	vmul.f32 v23, v42;
	v23 =	vld [tilespmem:s10+$0xC0]  }
0xa6: {  	v7 =	vmul.f32 v25, v45;
	[tilespmem:s10+$0xFFFFFF90] =	vst v10;
	v10 =	vmul.f32 v24, v43;
	v24 =	vld [tilespmem:s10+$0xD0]  }
0xa7: {  	s6 =	sadd.s32 $0x20, s6;
	v8 =	vmul.f32 v28, v46;
	v6 =	vmul.f32 v6, v48;
	[tilespmem:s10+$0xFFFFFFA0] =	vst v27;
	v25 =	vld [tilespmem:s10+$0xE0]  }
0xa8: {  	[tilespmem:s10+$0xFFFFFFB0] =	vst v19  }
0xa9: {  	[tilespmem:s7+$0x0] =	vst v13  }
0xaa: {  	[tilespmem:s7+$0x10] =	vst v14  }
0xab: {  	[tilespmem:s7+$0x20] =	vst v11  }
0xac: {  	[tilespmem:s7+$0x30] =	vst v12  }
0xad: {  	[tilespmem:s7+$0x40] =	vst v9  }
0xae: {  	[tilespmem:s7+$0x50] =	vst v10  }
0xaf: {  	[tilespmem:s7+$0x60] =	vst v7  }
0xb0: {  	[tilespmem:s7+$0xFFFFFFC0] =	vst v16  }
0xb1: {  	[tilespmem:s7+$0xFFFFFFD0] =	vst v18  }
0xb2: {  	[tilespmem:s7+$0xFFFFFFE0] =	vst v15  }
0xb3: {  	[tilespmem:s7+$0xFFFFFFF0] =	vst v17  }
0xb4: {  	v4 =	vmul.f32 v20, v4;
	[tilespmem:s7+$0x70] =	vst v8  }
0xb5: {  	v5 =	vmul.f32 v21, v5;
	[tilespmem:s7+$0x80] =	vst v6  }
0xb6: {  	v3 =	vmul.f32 v22, v3;
	[tilespmem:s7+$0x90] =	vst v4  }
0xb7: {  	v2 =	vmul.f32 v23, v2;
	[tilespmem:s7+$0xA0] =	vst v5  }
0xb8: {  	v0 =	vmul.f32 v24, v0;
	[tilespmem:s7+$0xB0] =	vst v3  }
0xb9: {  	v1 =	vmul.f32 v25, v1;
	[tilespmem:s7+$0xC0] =	vst v2  }
0xba: {  	s6 =	sshra.s32 s9, $0x2;
	[tilespmem:s7+$0xD0] =	vst v0  }
0xbb: {  	s10 =	sadd.s32 $0x8200, s6;
	[tilespmem:s7+$0xE0] =	vst v1  }
0xbc: {  	[spmem:s3] =	stream.indirect.scatter.add.f32 [tilespmem:s20], [sflag:$0x3], $0x10, s10, s12, $0xb8;
	[tilespmem:$0x1A600] =	vst v63  }
0xbd: {  	s8 =	sadd.s32 $0x8280, s6  }
0xbe: {  	[spmem:s3] =	stream.indirect.scatter.add.f32 [tilespmem:s21], [sflag:$0x3], $0x10, s8, s12, $0xb8;
	[tilespmem:$0x1A600] =	vst v63  }
0xbf: {  	s10 =	sadd.s32 $0x8300, s6  }
0xc0: {  	[spmem:s3] =	stream.indirect.scatter.add.f32 [tilespmem:s22], [sflag:$0x3], $0x10, s10, s12, $0xb8;
	[tilespmem:$0x1A600] =	vst v63  }
0xc1: {  	s8 =	sadd.s32 $0x8380, s6  }
0xc2: {  	[spmem:s3] =	stream.indirect.scatter.add.f32 [tilespmem:s23], [sflag:$0x3], $0x10, s8, s12, $0xb8;
	[tilespmem:$0x1A600] =	vst v63  }
0xc3: {  	s10 =	sadd.s32 $0x8400, s6  }
0xc4: {  	[spmem:s3] =	stream.indirect.scatter.add.f32 [tilespmem:s24], [sflag:$0x3], $0x10, s10, s12, $0xb8;
	[tilespmem:$0x1A600] =	vst v63  }
0xc5: {  	s6 =	sadd.s32 $0x8480, s6  }
0xc6: {  	[spmem:s3] =	stream.indirect.scatter.add.f32 [tilespmem:s25], [sflag:$0x3], $0x10, s6, s12, $0xb8;
	[tilespmem:$0x1A600] =	vst v63  }
0xc7: {  	_ =	swait.ge [sflag:s26], $0x800  }
0xc8: {  	[sflag:s26] =	ssyncset.done $0x0  }
0xc9: {  	[sflag:s26] =	ssyncadd.s32 $0xFFFFF800  }
0xca: {  	_ =	swait.ge [sflag:s26], $0x800  }
0xcb: {  	[sflag:s26] =	ssyncset.done $0x0  }
0xcc: {  	[sflag:s26] =	ssyncadd.s32 $0xFFFFF800  }
0xcd: {  	_ =	swait.ge [sflag:s26], $0x800  }
0xce: {  	[sflag:s26] =	ssyncset.done $0x0  }
0xcf: {  	[sflag:s26] =	ssyncadd.s32 $0xFFFFF800  }
0xd0: {  	_ =	swait.ge [sflag:s26], $0x800  }
0xd1: {  	[sflag:s26] =	ssyncset.done $0x0  }
0xd2: {  	[sflag:s26] =	ssyncadd.s32 $0xFFFFF800  }
0xd3: {  	_ =	swait.ge [sflag:s26], $0x800  }
0xd4: {  	[sflag:s26] =	ssyncset.done $0x0  }
0xd5: {  	[sflag:s26] =	ssyncadd.s32 $0xFFFFF800  }
0xd6: {  	p0 =	seq.s32 s1, $0xA;
	_ =	swait.ge [sflag:s26], $0x800  }
0xd7: {  	s8 =	simm.s32 @!p0 $0x80;
	s6 =	sshra.s32 @!p0 s9, $0x2;
	[sflag:s26] =	ssyncset.done $0x0  }
0xd8: {  	s9 =	simm.s32 @!p0 $0x10600;
	s7 =	sadd.s32 @!p0 $0x4600, s6;
	[sflag:s26] =	ssyncadd.s32 $0xFFFFF800  }
0xd9: {  	[tilespmem:s9], [sflag:$0x1] =	stream.indirect.gather @!p0 [hbm4b:s0+s8], $0x10, s7, s8, $0xb8;
	[tilespmem:$0x1A600] =	vst v63  }
0xda: {  	s7 =	sadd.s32 @!p0 $0x4680, s6;
	s9 =	simm.s32 @!p0 $0x10E00  }
0xdb: {  	[tilespmem:s9], [sflag:$0x1] =	stream.indirect.gather @!p0 [hbm4b:s0+s8], $0x10, s7, s8, $0xb8;
	[tilespmem:$0x1A600] =	vst v63  }
0xdc: {  	s7 =	sadd.s32 @!p0 $0x4700, s6;
	s9 =	simm.s32 @!p0 $0x11600  }
0xdd: {  	[tilespmem:s9], [sflag:$0x1] =	stream.indirect.gather @!p0 [hbm4b:s0+s8], $0x10, s7, s8, $0xb8;
	[tilespmem:$0x1A600] =	vst v63  }
0xde: {  	s7 =	sadd.s32 @!p0 $0x4780, s6;
	s9 =	simm.s32 @!p0 $0x11E00  }
0xdf: {  	[tilespmem:s9], [sflag:$0x1] =	stream.indirect.gather @!p0 [hbm4b:s0+s8], $0x10, s7, s8, $0xb8;
	[tilespmem:$0x1A600] =	vst v63  }
0xe0: {  	s7 =	sadd.s32 @!p0 $0x4800, s6;
	s9 =	simm.s32 @!p0 $0x12600  }
0xe1: {  	[tilespmem:s9], [sflag:$0x1] =	stream.indirect.gather @!p0 [hbm4b:s0+s8], $0x10, s7, s8, $0xb8;
	[tilespmem:$0x1A600] =	vst v63  }
0xe2: {  	s6 =	sadd.s32 @!p0 $0x4880, s6;
	s7 =	simm.s32 @!p0 $0x12E00  }
0xe3: {  	[tilespmem:s7], [sflag:$0x1] =	stream.indirect.gather @!p0 [hbm4b:s0+s8], $0x10, s6, s8, $0xb8;
	[tilespmem:$0x1A600] =	vst v63  }
0xe4: {  	_ =	swait.ge [sflag:s28], $0x800  }
0xe5: {  	[sflag:s28] =	ssyncset.done $0x0  }
0xe6: {  	[sflag:s28] =	ssyncadd.s32 $0xFFFFF800  }
0xe7: {  	_ =	swait.ge [sflag:s28], $0x800  }
0xe8: {  	[sflag:s28] =	ssyncset.done $0x0  }
0xe9: {  	[sflag:s28] =	ssyncadd.s32 $0xFFFFF800  }
0xea: {  	_ =	swait.ge [sflag:s28], $0x800  }
0xeb: {  	[sflag:s28] =	ssyncset.done $0x0  }
0xec: {  	[sflag:s28] =	ssyncadd.s32 $0xFFFFF800  }
0xed: {  	_ =	swait.ge [sflag:s28], $0x800  }
0xee: {  	[sflag:s28] =	ssyncset.done $0x0  }
0xef: {  	[sflag:s28] =	ssyncadd.s32 $0xFFFFF800  }
0xf0: {  	_ =	swait.ge [sflag:s28], $0x800  }
0xf1: {  	[sflag:s28] =	ssyncset.done $0x0  }
0xf2: {  	[sflag:s28] =	ssyncadd.s32 $0xFFFFF800  }
0xf3: {  	_ =	swait.ge [sflag:s28], $0x800  }
0xf4: {  	[sflag:s28] =	ssyncset.done $0x0  }
0xf5: {  	[sflag:s28] =	ssyncadd.s32 $0xFFFFF800  }
0xf6: {  	v1 =	vld [tilespmem:s4+$0x0]  }
0xf7: {  	s9 =	simm.s32 $0x137F0;
	v0 =	vld [tilespmem:s4+$0xFFFFFFF0]  }
0xf8: {  	v2 =	vld [tilespmem:s9+$0x0]  }
0xf9: {  	v6 =	vld [tilespmem:s9+$0xFFFFFE10]  }
0xfa: {  	v7 =	vld [tilespmem:s9+$0xFFFFFE20]  }
0xfb: {  	v8 =	vld [tilespmem:s9+$0xFFFFFE30];
	v9 =	vbroadcast v1, $0x0;
	v3 =	vbroadcast v1, $0xF  }
0xfc: {  	v12 =	vld [tilespmem:s9+$0xFFFFFE40];
	v10 =	vbroadcast v0, $0x0;
	v11 =	vbroadcast v0, $0x1  }
0xfd: {  	v14 =	vld [tilespmem:s9+$0xFFFFFE50];
	v13 =	vbroadcast v0, $0x2;
	v15 =	vbroadcast v0, $0x3  }
0xfe: {  	v17 =	vld [tilespmem:s9+$0xFFFFFE60];
	v16 =	vbroadcast v0, $0x4;
	v18 =	vbroadcast v0, $0x5  }
0xff: {  	v20 =	vld [tilespmem:s9+$0xFFFFFE70];
	v19 =	vbroadcast v0, $0x6;
	v21 =	vbroadcast v0, $0x7  }
0x100: {  	v22 =	vld [tilespmem:s9+$0xFFFFFE80];
	v23 =	vbroadcast v0, $0x8;
	v25 =	vbroadcast v0, $0x9  }
0x101: {  	v24 =	vld [tilespmem:s9+$0xFFFFFE90];
	v26 =	vbroadcast v0, $0xA;
	v28 =	vbroadcast v0, $0xB  }
0x102: {  	v27 =	vld [tilespmem:s9+$0xFFFFFEA0];
	v29 =	vbroadcast v0, $0xC;
	v31 =	vbroadcast v0, $0xD  }
0x103: {  	v30 =	vld [tilespmem:s9+$0xFFFFFEB0];
	v32 =	vbroadcast v0, $0xE;
	v34 =	vbroadcast v0, $0xF  }
0x104: {  	v33 =	vld [tilespmem:s9+$0xFFFFFEC0];
	v35 =	vbroadcast v1, $0x1;
	v37 =	vbroadcast v1, $0x2  }
0x105: {  	v36 =	vld [tilespmem:s9+$0xFFFFFED0];
	v38 =	vbroadcast v1, $0x3;
	v40 =	vbroadcast v1, $0x4  }
0x106: {  	v39 =	vld [tilespmem:s9+$0xFFFFFEE0];
	v41 =	vbroadcast v1, $0x5;
	v43 =	vbroadcast v1, $0x6  }
0x107: {  	v47 =	vld [tilespmem:s9+$0xFFFFFF10];
	v44 =	vbroadcast v1, $0x7;
	v46 =	vbroadcast v1, $0x8  }
0x108: {  	v48 =	vld [tilespmem:s9+$0xFFFFFF20];
	v4 =	vbroadcast v1, $0x9;
	v5 =	vbroadcast v1, $0xA  }
0x109: {  	v50 =	vld [tilespmem:s9+$0xFFFFFF50];
	v0 =	vbroadcast v1, $0xD;
	v2 =	vmul.f32 v2, v3  }
0x10a: {  	v42 =	vld [tilespmem:s9+$0xFFFFFEF0];
	v3 =	vbroadcast v1, $0xB;
	v6 =	vmul.f32 v10, v6  }
0x10b: {  	v45 =	vld [tilespmem:s9+$0xFFFFFF00];
	v7 =	vmul.f32 v7, v11;
	v8 =	vmul.f32 v8, v13  }
0x10c: {  	v49 =	vld [tilespmem:s9+$0xFFFFFF40];
	v11 =	vmul.f32 v14, v16;
	v23 =	vmul.f32 v24, v23;
	[tilespmem:s9+$0x0] =	vst v2  }
0x10d: {  	v51 =	vld [tilespmem:s9+$0xFFFFFF60];
	v16 =	vmul.f32 v36, v29;
	v13 =	vmul.f32 v9, v47;
	[tilespmem:s9+$0xFFFFFE10] =	vst v6  }
0x10e: {  	v10 =	vld [tilespmem:s9+$0xFFFFFF30];
	v14 =	vmul.f32 v48, v35;
	v9 =	vmul.f32 v50, v40;
	[tilespmem:s9+$0xFFFFFE20] =	vst v7  }
0x10f: {  	v24 =	vld [tilespmem:s9+$0xFFFFFF70];
	v2 =	vbroadcast v1, $0xC;
	v6 =	vmul.f32 v12, v15;
	[tilespmem:s9+$0xFFFFFE30] =	vst v8  }
0x110: {  	v7 =	vmul.f32 v17, v18;
	v12 =	vmul.f32 v20, v19;
	[tilespmem:s9+$0xFFFFFE50] =	vst v11;
	v20 =	vld [tilespmem:s9+$0xFFFFFFA0]  }
0x111: {  	[tilespmem:s9+$0xFFFFFE40] =	vst v6;
	v6 =	vmul.f32 v27, v25;
	v25 =	vmul.f32 v30, v26;
	v26 =	vld [tilespmem:s9+$0xFFFFFF80]  }
0x112: {  	v1 =	vbroadcast v1, $0xE;
	v8 =	vmul.f32 v22, v21;
	[tilespmem:s9+$0xFFFFFE90] =	vst v23;
	v27 =	vld [tilespmem:s9+$0xFFFFFF90]  }
0x113: {  	v19 =	vmul.f32 v33, v28;
	v18 =	vmul.f32 v39, v31;
	v21 =	vld [tilespmem:s9+$0xFFFFFFB0];
	[tilespmem:s9+$0xFFFFFE60] =	vst v7  }
0x114: {  	v15 =	vmul.f32 v42, v32;
	v17 =	vmul.f32 v45, v34;
	v22 =	vld [tilespmem:s9+$0xFFFFFFC0];
	[tilespmem:s9+$0xFFFFFE70] =	vst v12  }
0x115: {  	v23 =	vld [tilespmem:s9+$0xFFFFFFD0];
	[tilespmem:s9+$0xFFFFFE80] =	vst v8;
	v12 =	vmul.f32 v49, v38;
	v11 =	vmul.f32 v10, v37  }
0x116: {  	v10 =	vmul.f32 v51, v41;
	v7 =	vmul.f32 v24, v43;
	v24 =	vld [tilespmem:s9+$0xFFFFFFE0];
	[tilespmem:s9+$0xFFFFFEA0] =	vst v6  }
0x117: {  	s8 =	simm.s32 $0x0;
	s6 =	sadd.s32 $0x20, s4;
	s7 =	simm.s32 $0x137F0;
	[tilespmem:s9+$0xFFFFFEB0] =	vst v25;
	v25 =	vld [tilespmem:s9+$0xFFFFFFF0];
	v8 =	vmul.f32 v26, v44;
	v6 =	vmul.f32 v27, v46  }
.LBB2_6:
0x118: {  	v26 =	vld [tilespmem:s6+$0x0];
	s8 =	sadd.s32 $0x2, s8;
	[tilespmem:s9+$0xFFFFFEC0] =	vst v19;
	v4 =	vmul.f32 v20, v4;
	v5 =	vmul.f32 v21, v5  }
0x119: {  	s9 =	sadd.s32 $0x200, s9;
	v19 =	vld [tilespmem:s6+$0xFFFFFFF0];
	p0 =	slt.u32 s8, $0x2E;
	[tilespmem:s7+$0xFFFFFED0] =	vst v16;
	v3 =	vmul.f32 v22, v3  }
0x11a: {  	v16 =	vld [tilespmem:s9+$0x0];
	[tilespmem:s7+$0xFFFFFEE0] =	vst v18;
	v2 =	vmul.f32 v23, v2  }
0x11b: {  	v18 =	vld [tilespmem:s9+$0xFFFFFE10];
	[tilespmem:s7+$0xFFFFFEF0] =	vst v15;
	v0 =	vmul.f32 v24, v0  }
0x11c: {  	v15 =	vld [tilespmem:s9+$0xFFFFFE20];
	[tilespmem:s7+$0xFFFFFF00] =	vst v17;
	v1 =	vmul.f32 v25, v1  }
0x11d: {  	v17 =	vld [tilespmem:s9+$0xFFFFFE30];
	v21 =	vbroadcast v26, $0x0;
	v20 =	vbroadcast v26, $0xF;
	[tilespmem:s7+$0xFFFFFF10] =	vst v13  }
0x11e: {  	v13 =	vbroadcast v19, $0x0;
	v22 =	vbroadcast v19, $0x1;
	v23 =	vld [tilespmem:s9+$0xFFFFFE40];
	[tilespmem:s7+$0xFFFFFF20] =	vst v14  }
0x11f: {  	v14 =	vbroadcast v19, $0x2;
	v24 =	vld [tilespmem:s9+$0xFFFFFE50];
	v16 =	vmul.f32 v16, v20;
	[tilespmem:s7+$0xFFFFFF30] =	vst v11  }
0x120: {  	v11 =	vbroadcast v19, $0x3;
	v20 =	vbroadcast v19, $0x4;
	v25 =	vld [tilespmem:s9+$0xFFFFFE60];
	[tilespmem:s7+$0xFFFFFF40] =	vst v12  }
0x121: {  	v27 =	vbroadcast v19, $0x6;
	v12 =	vbroadcast v19, $0x5;
	v28 =	vld [tilespmem:s9+$0xFFFFFE70];
	[tilespmem:s9+$0x0] =	vst v16  }
0x122: {  	v30 =	vbroadcast v19, $0x8;
	v16 =	vbroadcast v19, $0x7;
	v29 =	vld [tilespmem:s9+$0xFFFFFE80];
	[tilespmem:s7+$0xFFFFFF50] =	vst v9  }
0x123: {  	v31 =	vbroadcast v19, $0x9;
	v32 =	vbroadcast v19, $0xA;
	v9 =	vld [tilespmem:s9+$0xFFFFFE90];
	[tilespmem:s7+$0xFFFFFF60] =	vst v10  }
0x124: {  	v33 =	vbroadcast v19, $0xB;
	v34 =	vbroadcast v19, $0xC;
	v10 =	vld [tilespmem:s9+$0xFFFFFEA0];
	[tilespmem:s7+$0xFFFFFF70] =	vst v7  }
0x125: {  	v35 =	vbroadcast v19, $0xD;
	v36 =	vbroadcast v19, $0xE;
	v7 =	vld [tilespmem:s9+$0xFFFFFEB0];
	[tilespmem:s7+$0xFFFFFF80] =	vst v8  }
0x126: {  	v38 =	vbroadcast v26, $0x1;
	v37 =	vbroadcast v19, $0xF;
	v8 =	vld [tilespmem:s9+$0xFFFFFEC0];
	[tilespmem:s7+$0xFFFFFF90] =	vst v6  }
0x127: {  	v39 =	vbroadcast v26, $0x2;
	v40 =	vbroadcast v26, $0x3;
	v6 =	vld [tilespmem:s9+$0xFFFFFED0];
	[tilespmem:s7+$0xFFFFFFA0] =	vst v4  }
0x128: {  	v42 =	vbroadcast v26, $0x4;
	v43 =	vbroadcast v26, $0x5;
	v41 =	vld [tilespmem:s9+$0xFFFFFEE0];
	[tilespmem:s7+$0xFFFFFFB0] =	vst v5  }
0x129: {  	v45 =	vbroadcast v26, $0x6;
	v46 =	vbroadcast v26, $0x7;
	v44 =	vld [tilespmem:s9+$0xFFFFFEF0];
	[tilespmem:s7+$0xFFFFFFC0] =	vst v3  }
0x12a: {  	v48 =	vbroadcast v26, $0x8;
	v4 =	vbroadcast v26, $0x9;
	v47 =	vld [tilespmem:s9+$0xFFFFFF00];
	[tilespmem:s7+$0xFFFFFFD0] =	vst v2  }
0x12b: {  	v5 =	vbroadcast v26, $0xA;
	v3 =	vbroadcast v26, $0xB;
	v49 =	vld [tilespmem:s9+$0xFFFFFF10];
	[tilespmem:s7+$0xFFFFFFE0] =	vst v0  }
0x12c: {  	v2 =	vbroadcast v26, $0xC;
	v0 =	vbroadcast v26, $0xD;
	v50 =	vld [tilespmem:s9+$0xFFFFFF20];
	[tilespmem:s7+$0xFFFFFFF0] =	vst v1;
	s7 =	smov.u32 s9  }
0x12d: {  	v13 =	vmul.f32 v13, v18;
	v1 =	vbroadcast v26, $0xE;
	v51 =	vld [tilespmem:s9+$0xFFFFFF30]  }
0x12e: {  	v15 =	vmul.f32 v15, v22;
	v14 =	vmul.f32 v17, v14;
	v26 =	vld [tilespmem:s9+$0xFFFFFF40]  }
0x12f: {  	v11 =	vmul.f32 v23, v11;
	[tilespmem:s9+$0xFFFFFE10] =	vst v13;
	v13 =	vmul.f32 v24, v20;
	v23 =	vld [tilespmem:s9+$0xFFFFFF50]  }
0x130: {  	v12 =	vmul.f32 v25, v12;
	v17 =	vmul.f32 v28, v27;
	[tilespmem:s9+$0xFFFFFE20] =	vst v15;
	v24 =	vld [tilespmem:s9+$0xFFFFFF60]  }
0x131: {  	v9 =	vmul.f32 v9, v30;
	[tilespmem:s9+$0xFFFFFE30] =	vst v14;
	v14 =	vmul.f32 v29, v16;
	v25 =	vld [tilespmem:s9+$0xFFFFFF70]  }
0x132: {  	v10 =	vmul.f32 v10, v31;
	v27 =	vmul.f32 v7, v32;
	[tilespmem:s9+$0xFFFFFE40] =	vst v11;
	v28 =	vld [tilespmem:s9+$0xFFFFFF80]  }
0x133: {  	v19 =	vmul.f32 v8, v33;
	v16 =	vmul.f32 v6, v34;
	[tilespmem:s9+$0xFFFFFE50] =	vst v13;
	v6 =	vld [tilespmem:s9+$0xFFFFFF90]  }
0x134: {  	v18 =	vmul.f32 v41, v35;
	v15 =	vmul.f32 v44, v36;
	[tilespmem:s9+$0xFFFFFE60] =	vst v12;
	v20 =	vld [tilespmem:s9+$0xFFFFFFA0]  }
.Ltmp2:
0x135: {  	v13 =	vmul.f32 v21, v49;
	[tilespmem:s9+$0xFFFFFE70] =	vst v17;
	v17 =	vmul.f32 v47, v37;
	v21 =	vld [tilespmem:s9+$0xFFFFFFB0];
	(pc) =	sbr.rel @p0 .LBB2_6-.Ltmp2, $4  }
0x136: {  	v11 =	vmul.f32 v51, v39;
	[tilespmem:s9+$0xFFFFFE80] =	vst v14;
	v14 =	vmul.f32 v50, v38;
	v22 =	vld [tilespmem:s9+$0xFFFFFFC0]  }
0x137: {  	v12 =	vmul.f32 v26, v40;
	[tilespmem:s9+$0xFFFFFE90] =	vst v9;
	v9 =	vmul.f32 v23, v42;
	v23 =	vld [tilespmem:s9+$0xFFFFFFD0]  }
0x138: {  	v7 =	vmul.f32 v25, v45;
	[tilespmem:s9+$0xFFFFFEA0] =	vst v10;
	v10 =	vmul.f32 v24, v43;
	v24 =	vld [tilespmem:s9+$0xFFFFFFE0]  }
0x139: {  	s6 =	sadd.s32 $0x20, s6;
	v8 =	vmul.f32 v28, v46;
	v6 =	vmul.f32 v6, v48;
	[tilespmem:s9+$0xFFFFFEB0] =	vst v27;
	v25 =	vld [tilespmem:s9+$0xFFFFFFF0]  }
0x13a: {  	[tilespmem:s9+$0xFFFFFEC0] =	vst v19  }
0x13b: {  	[tilespmem:s7+$0xFFFFFF10] =	vst v13  }
0x13c: {  	[tilespmem:s7+$0xFFFFFF20] =	vst v14  }
0x13d: {  	[tilespmem:s7+$0xFFFFFF30] =	vst v11  }
0x13e: {  	[tilespmem:s7+$0xFFFFFF40] =	vst v12  }
0x13f: {  	[tilespmem:s7+$0xFFFFFF50] =	vst v9  }
0x140: {  	[tilespmem:s7+$0xFFFFFF60] =	vst v10  }
0x141: {  	[tilespmem:s7+$0xFFFFFF70] =	vst v7  }
0x142: {  	[tilespmem:s7+$0xFFFFFED0] =	vst v16  }
0x143: {  	[tilespmem:s7+$0xFFFFFEE0] =	vst v18  }
0x144: {  	[tilespmem:s7+$0xFFFFFEF0] =	vst v15  }
0x145: {  	[tilespmem:s7+$0xFFFFFF00] =	vst v17  }
0x146: {  	v4 =	vmul.f32 v20, v4;
	[tilespmem:s7+$0xFFFFFF80] =	vst v8  }
0x147: {  	v5 =	vmul.f32 v21, v5;
	[tilespmem:s7+$0xFFFFFF90] =	vst v6  }
0x148: {  	v3 =	vmul.f32 v22, v3;
	[tilespmem:s7+$0xFFFFFFA0] =	vst v4  }
0x149: {  	v2 =	vmul.f32 v23, v2;
	[tilespmem:s7+$0xFFFFFFB0] =	vst v5  }
0x14a: {  	v0 =	vmul.f32 v24, v0;
	[tilespmem:s7+$0xFFFFFFC0] =	vst v3  }
0x14b: {  	v1 =	vmul.f32 v25, v1;
	[tilespmem:s7+$0xFFFFFFD0] =	vst v2  }
0x14c: {  	[tilespmem:s7+$0xFFFFFFE0] =	vst v0  }
0x14d: {  	s6 =	sadd.s32 $0x8200, s11;
	[tilespmem:s7+$0xFFFFFFF0] =	vst v1  }
0x14e: {  	[spmem:s3] =	stream.indirect.scatter.add.f32 [tilespmem:s13], [sflag:$0x4], $0x10, s6, s12, $0xb8;
	[tilespmem:$0x1A600] =	vst v63  }
0x14f: {  	s7 =	sadd.s32 $0x8280, s11  }
0x150: {  	[spmem:s3] =	stream.indirect.scatter.add.f32 [tilespmem:s14], [sflag:$0x4], $0x10, s7, s12, $0xb8;
	[tilespmem:$0x1A600] =	vst v63  }
0x151: {  	s8 =	sadd.s32 $0x8300, s11;
	s1 =	sadd.s32 $0x1, s1  }
0x152: {  	[spmem:s3] =	stream.indirect.scatter.add.f32 [tilespmem:s15], [sflag:$0x4], $0x10, s8, s12, $0xb8;
	[tilespmem:$0x1A600] =	vst v63  }
0x153: {  	s9 =	sadd.s32 $0x8380, s11;
	p0 =	sne.s32 s1, $0xB  }
0x154: {  	[spmem:s3] =	stream.indirect.scatter.add.f32 [tilespmem:s16], [sflag:$0x4], $0x10, s9, s12, $0xb8;
	[tilespmem:$0x1A600] =	vst v63  }
.Ltmp3:
0x155: {  	_ = 	snop;
	(pc) =	sbr.rel @p0 .LBB2_3-.Ltmp3, $4  }
0x156: {  	s10 =	sadd.s32 $0x8400, s11  }
0x157: {  	[spmem:s3] =	stream.indirect.scatter.add.f32 [tilespmem:s17], [sflag:$0x4], $0x10, s10, s12, $0xb8;
	[tilespmem:$0x1A600] =	vst v63  }
0x158: {  	s2 =	sadd.s32 $0x600, s2;
	s4 =	sadd.s32 $0x600, s4;
	s11 =	sadd.s32 $0x8480, s11  }
0x159: {  	[spmem:s3] =	stream.indirect.scatter.add.f32 [tilespmem:s18], [sflag:$0x4], $0x10, s11, s12, $0xb8;
	[tilespmem:$0x1A600] =	vst v63  }
0x15a: {  	_ =	swait.ge [sflag:s29], $0x800  }
0x15b: {  	[sflag:s29] =	ssyncset.done $0x0  }
0x15c: {  	[sflag:s29] =	ssyncadd.s32 $0xFFFFF800  }
0x15d: {  	_ =	swait.ge [sflag:s29], $0x800  }
0x15e: {  	[sflag:s29] =	ssyncset.done $0x0  }
0x15f: {  	[sflag:s29] =	ssyncadd.s32 $0xFFFFF800  }
0x160: {  	_ =	swait.ge [sflag:s29], $0x800  }
0x161: {  	[sflag:s29] =	ssyncset.done $0x0  }
0x162: {  	[sflag:s29] =	ssyncadd.s32 $0xFFFFF800  }
0x163: {  	_ =	swait.ge [sflag:s29], $0x800  }
0x164: {  	[sflag:s29] =	ssyncset.done $0x0  }
0x165: {  	[sflag:s29] =	ssyncadd.s32 $0xFFFFF800  }
0x166: {  	_ =	swait.ge [sflag:s29], $0x800  }
0x167: {  	[sflag:s29] =	ssyncset.done $0x0  }
0x168: {  	[sflag:s29] =	ssyncadd.s32 $0xFFFFF800  }
0x169: {  	_ =	swait.ge [sflag:s29], $0x800  }
0x16a: {  	[sflag:s29] =	ssyncset.done $0x0  }
0x16b: {  	s9 =	simm.s32 $0x16600;
	s8 =	rddreg [dreg:$0x4];
	[sflag:s29] =	ssyncadd.s32 $0xFFFFF800  }
.LBB2_9:
0x16c: {  	[bflag:$0x0] =	sbarrier.arrive $0xFFFF  }
0x16d: {  	s0 =	rddreg [dreg:$0x6]  }
0x16e: {  	[tilespmem:s9], [sflag:$0x5] =	stream.linear.gather [spmem:s0], $0x4000, $0x38;
	[tilespmem:$0x1A600] =	vst v63  }
0x16f: {  	_ =	swait.ge [sflag:s5], $0x4000  }
0x170: {  	[sflag:s5] =	ssyncset.done $0x0  }
0x171: {  	s0 =	simm.s32 $0x16620;
	[sflag:s5] =	ssyncadd.s32 $0xFFFFC000  }
0x172: {  	v0 =	vld [tilespmem:s0+$0x10]  }
0x173: {  	v1 =	vld [tilespmem:s0+$0xFFFFFFF0]  }
0x174: {  	v2 =	vld [tilespmem:s0+$0x0]  }
0x175: {  	v3 =	vld [tilespmem:s0+$0xFFFFFFE0];
	_ =	sdelay $0x1  }
0x176: {  	v0 =	vsub.f32 $0.0e+00, v0  }
0x177: {  	s1 =	simm.s32 $0x16660;
	v1 =	vsub.f32 $0.0e+00, v1  }
0x178: {  	v5 =	vld [tilespmem:s1+$0xFFFFFFF0];
	v2 =	vsub.f32 $0.0e+00, v2;
	v0 =	vmul.f32 $1.442695020e+00, v0  }
0x179: {  	v4 =	vld [tilespmem:s1+$0x10];
	v3 =	vsub.f32 $0.0e+00, v3;
	v1 =	vmul.f32 $1.442695020e+00, v1  }
0x17a: {  	v2 =	vmul.f32 $1.442695020e+00, v2;
	(erf) = vpow2.f32 v0  }
0x17b: {  	v3 =	vmul.f32 $1.442695020e+00, v3;
	v0 =	vld [tilespmem:s1+$0x0];
	(erf) = vpow2.f32 v1  }
0x17c: {  	v1 =	vld [tilespmem:s1+$0xFFFFFFE0];
	(erf) = vpow2.f32 v2  }
0x17d: {  	(erf) = vpow2.f32 v3;
	v3 =	vsub.f32 $0.0e+00, v5  }
0x17e: {  	v2 =	vsub.f32 $0.0e+00, v4  }
0x17f: {  	v3 =	vmul.f32 $1.442695020e+00, v3  }
0x180: {  	s2 =	simm.s32 $0x166A0;
	v2 =	vmul.f32 $1.442695020e+00, v2;
	v0 =	vsub.f32 $0.0e+00, v0  }
0x181: {  	v4 =	vld [tilespmem:s2+$0x10];
	v1 =	vsub.f32 $0.0e+00, v1  }
0x182: {  	v5 =	vld [tilespmem:s2+$0xFFFFFFF0];
	(erf) = vpow2.f32 v2;
	v0 =	vmul.f32 $1.442695020e+00, v0  }
0x183: {  	v2 =	vld [tilespmem:s2+$0x0];
	(erf) = vpow2.f32 v3;
	v1 =	vmul.f32 $1.442695020e+00, v1;
	v3 =	vpop (erf)  }
0x184: {  	v6 =	vld [tilespmem:s2+$0xFFFFFFE0];
	(erf) = vpow2.f32 v0;
	v0 =	vadd.f32 $1.000000000e+00, v3;
	v3 =	vpop (erf)  }
0x185: {  	(erf) = vpow2.f32 v1;
	v1 =	vadd.f32 $1.000000000e+00, v3;
	v3 =	vpop (erf)  }
0x186: {  	v4 =	vsub.f32 $0.0e+00, v4;
	v3 =	vadd.f32 $1.000000000e+00, v3;
	v7 =	vpop (erf)  }
0x187: {  	(erf) = vrcp.f32 v0;
	v0 =	vsub.f32 $0.0e+00, v5;
	v5 =	vadd.f32 $1.000000000e+00, v7  }
0x188: {  	(erf) = vrcp.f32 v1;
	v1 =	vsub.f32 $0.0e+00, v2;
	v2 =	vmul.f32 $1.442695020e+00, v4  }
0x189: {  	v4 =	vsub.f32 $0.0e+00, v6;
	(erf) = vrcp.f32 v3;
	v0 =	vmul.f32 $1.442695020e+00, v0  }
0x18a: {  	s4 =	simm.s32 $0x166E0;
	(erf) = vrcp.f32 v5;
	v1 =	vmul.f32 $1.442695020e+00, v1  }
0x18b: {  	v3 =	vld [tilespmem:s4+$0x10];
	(erf) = vpow2.f32 v2;
	v2 =	vmul.f32 $1.442695020e+00, v4;
	_ =	sdelay $0x1  }
0x18c: {  	(erf) = vpow2.f32 v0;
	v0 =	vpop (erf)  }
0x18d: {  	(erf) = vpow2.f32 v1;
	v0 =	vadd.f32 $1.000000000e+00, v0;
	v1 =	vpop (erf)  }
0x18e: {  	v5 =	vld [tilespmem:s4+$0xFFFFFFF0];
	(erf) = vpow2.f32 v2;
	v1 =	vadd.f32 $1.000000000e+00, v1;
	v2 =	vpop (erf)  }
0x18f: {  	v6 =	vld [tilespmem:s4+$0x0];
	v7 =	vsub.f32 $0.0e+00, v3;
	v3 =	vpop (erf);
	(erf) = vrcp.f32 v0  }
0x190: {  	(erf) = vrcp.f32 v1;
	v1 =	vld [tilespmem:s4+$0xFFFFFFE0]  }
0x191: {  	v8 =	vadd.f32 $1.000000000e+00, v2;
	_ =	sdelay $0x1  }
0x192: {  	v2 =	vsub.f32 $0.0e+00, v5;
	v3 =	vadd.f32 $1.000000000e+00, v3;
	v0 =	vpop (erf);
	(erf) = vrcp.f32 v8  }
0x193: {  	s6 =	simm.s32 $0xC;
	s7 =	simm.s32 $0x16720;
	v4 =	vsub.f32 $0.0e+00, v6;
	v5 =	vmul.f32 $1.442695020e+00, v7;
	[tilespmem:s0+$0x10] =	vst v0;
	v0 =	vpop (erf)  }
.LBB2_10:
0x194: {  	v6 =	vld [tilespmem:s7+$0x10];
	s6 =	sadd.s32 $0x4, s6;
	v1 =	vsub.f32 $0.0e+00, v1;
	v8 =	vmul.f32 $1.442695020e+00, v2;
	(erf) = vrcp.f32 v3;
	[tilespmem:s0+$0xFFFFFFF0] =	vst v0;
	v0 =	vpop (erf)  }
0x195: {  	v3 =	vld [tilespmem:s7+$0xFFFFFFF0];
	p0 =	slt.u32 s6, $0x3FC;
	v4 =	vmul.f32 $1.442695020e+00, v4;
	(erf) = vpow2.f32 v5;
	[tilespmem:s0+$0x0] =	vst v0;
	v0 =	vpop (erf)  }
0x196: {  	v5 =	vld [tilespmem:s7+$0x0];
	v7 =	vmul.f32 $1.442695020e+00, v1;
	(erf) = vpow2.f32 v8;
	v2 =	vpop (erf);
	[tilespmem:s0+$0xFFFFFFE0] =	vst v0;
	s0 =	smov.u32 s1;
	s1 =	smov.u32 s2;
	s2 =	smov.u32 s4  }
.Ltmp4:
0x197: {  	s4 =	smov.u32 s7;
	v1 =	vld [tilespmem:s7+$0xFFFFFFE0];
	(erf) = vpow2.f32 v4;
	v9 =	vadd.f32 $1.000000000e+00, v2;
	v2 =	vpop (erf);
	(pc) =	sbr.rel @p0 .LBB2_10-.Ltmp4, $4  }
0x198: {  	(erf) = vpow2.f32 v7;
	v4 =	vadd.f32 $1.000000000e+00, v2;
	v2 =	vpop (erf)  }
0x199: {  	v6 =	vsub.f32 $0.0e+00, v6;
	v7 =	vadd.f32 $1.000000000e+00, v2;
	v8 =	vpop (erf);
	(erf) = vrcp.f32 v9  }
0x19a: {  	v2 =	vsub.f32 $0.0e+00, v3;
	v3 =	vadd.f32 $1.000000000e+00, v8;
	(erf) = vrcp.f32 v4;
	v0 =	vpop (erf)  }
0x19b: {  	s7 =	sadd.s32 $0x40, s7;
	v4 =	vsub.f32 $0.0e+00, v5;
	v5 =	vmul.f32 $1.442695020e+00, v6;
	(erf) = vrcp.f32 v7;
	[tilespmem:s0+$0x10] =	vst v0;
	v0 =	vpop (erf)  }
0x19c: {  	v1 =	vsub.f32 $0.0e+00, v1;
	v2 =	vmul.f32 $1.442695020e+00, v2;
	(erf) = vrcp.f32 v3;
	v42 =	vpop (erf)  }
0x19d: {  	v4 =	vmul.f32 $1.442695020e+00, v4;
	(erf) = vpow2.f32 v5;
	v43 =	vpop (erf)  }
0x19e: {  	v1 =	vmul.f32 $1.442695020e+00, v1;
	(erf) = vpow2.f32 v2;
	v44 =	vpop (erf)  }
0x19f: {  	(erf) = vpow2.f32 v4;
	v45 =	vpop (erf)  }
0x1a0: {  	(erf) = vpow2.f32 v1;
	v46 =	vpop (erf)  }
0x1a1: {  	v6 =	vpop (erf)  }
0x1a2: {  	v7 =	vpop (erf)  }
0x1a3: {  	v2 =	vadd.f32 $1.000000000e+00, v44;
	v8 =	vpop (erf)  }
0x1a4: {  	v4 =	vadd.f32 $1.000000000e+00, v45;
	v9 =	vpop (erf)  }
0x1a5: {  	v1 =	vadd.f32 $1.000000000e+00, v46;
	(erf) = vrcp.f32 v2;
	v47 =	vpop (erf)  }
0x1a6: {  	v6 =	vadd.f32 $1.000000000e+00, v6;
	(erf) = vrcp.f32 v4;
	v48 =	vpop (erf)  }
0x1a7: {  	(erf) = vrcp.f32 v1;
	v49 =	vadd.f32 $1.000000000e+00, v48;
	v50 =	vpop (erf)  }
0x1a8: {  	[tilespmem:s0+$0xFFFFFFF0] =	vst v0;
	(erf) = vrcp.f32 v6;
	v51 =	vadd.f32 $1.000000000e+00, v50;
	v52 =	vpop (erf)  }
0x1a9: {  	[tilespmem:s0+$0x0] =	vst v42;
	v53 =	vadd.f32 $1.000000000e+00, v52;
	(erf) = vrcp.f32 v49;
	v54 =	vpop (erf)  }
0x1aa: {  	[tilespmem:s0+$0xFFFFFFE0] =	vst v43;
	(erf) = vrcp.f32 v51;
	v55 =	vadd.f32 $1.000000000e+00, v54  }
0x1ab: {  	[tilespmem:s1+$0x10] =	vst v7;
	(erf) = vrcp.f32 v53  }
0x1ac: {  	[tilespmem:s1+$0xFFFFFFF0] =	vst v8;
	(erf) = vrcp.f32 v55  }
0x1ad: {  	[tilespmem:s1+$0x0] =	vst v9  }
0x1ae: {  	[tilespmem:s1+$0xFFFFFFE0] =	vst v47;
	v56 =	vpop (erf)  }
0x1af: {  	[tilespmem:s2+$0x10] =	vst v56;
	v57 =	vpop (erf)  }
0x1b0: {  	[tilespmem:s2+$0xFFFFFFF0] =	vst v57;
	v58 =	vpop (erf)  }
0x1b1: {  	[tilespmem:s2+$0x0] =	vst v58;
	v59 =	vpop (erf)  }
0x1b2: {  	[tilespmem:s2+$0xFFFFFFE0] =	vst v59;
	v60 =	vpop (erf)  }
0x1b3: {  	[tilespmem:s4+$0x10] =	vst v60;
	v61 =	vpop (erf)  }
0x1b4: {  	[tilespmem:s4+$0xFFFFFFF0] =	vst v61;
	v62 =	vpop (erf)  }
0x1b5: {  	s30 =	sadd.s32 $0x1, s30;
	[tilespmem:s4+$0x0] =	vst v62;
	v63 =	vpop (erf)  }
0x1b6: {  	s11 =	sadd.s32 s8, s31;
	s31 =	simm.s32 $0x0;
	p0 =	sne.s32 s30, $0x10;
	[tilespmem:s4+$0xFFFFFFE0] =	vst v63  }
0x1b7: {  	[hbm4b:s11+s31] =	stream.linear.scatter [tilespmem:s9], [sflag:$0x5], $0x4000, $0x38;
	[tilespmem:$0x1A600] =	vst v63  }
.Ltmp5:
0x1b8: {  	_ =	swait.ge [sflag:s5], $0x4000;
	(pc) =	sbr.rel @p0 .LBB2_1-.Ltmp5, $3  }
0x1b9: {  	[sflag:s5] =	ssyncset.done $0x0  }
0x1ba: {  	[sflag:s5] =	ssyncadd.s32 $0xFFFFC000  }
0x1bb: {  	[bflag:$0x0] =	sbarrier.arrive $0xFFFF;
	_ =	sdelay $0x1  }
0x1bc: {  	_ =	sfence.sel $0x180000  }
0x1bd: {  	[bflag:$0x0] =	sbarrier.arrive $0xFFFF  }
0x1be: {  	_ =	strace $0x90000047  }
0x1bf: {  	s0 =	stileid.u32;
	[bflag:$0x2] =	sbarrier.arrive $0xFFFF  }
0x1c0: {  	p0 =	sne.s32 s0, $0x0;
	s0 =	rddreg [dreg:$0x3]  }
0x1c1: {  	s0 =	sadd.s32 @!p0 $0x100000, s0  }
0x1c2: {  	[sflag:s0] =	ssyncadd.tile.s32 @!p0 $0x1;
	_ =	shalt  }
.Lfunc_end2:
_tile_overlayer_lowered:
.L_overlay_start_2:
0x1c3: {  	(tag) =	ssettag $0x2  }
0x1c4: {  	s0 =	rddreg [dreg:$0x0];
	s2 =	stileid.u32  }
0x1c5: {  	s1 =	rddreg [dreg:$0x1];
	p0 =	sne.s32 s2, $0x0  }
0x1c6: {  	s3 =	rddreg [dreg:$0x2];
	[bflag:$0x3] =	sbarrier.arrive $0xFFFF;
	s2 =	simm.s32 @!p0 $0x1C05  }
0x1c7: {  	[timem:s3], [sflag:s2] =	dma.local @!p0 [hbm:s0], s1  }
0x1c8: {  	s0 =	simm.s32 @!p0 $0x5  }
0x1c9: {  	_ =	swait.ge @!p0 [sflag:s0], s1  }
0x1ca: {  	s1 =	ssub.s32 @!p0 $0x0, s1;
	[sflag:s0] =	ssyncset.done @!p0 $0x0  }
0x1cb: {  	[sflag:s0] =	ssyncadd.s32 @!p0 s1  }
0x1cc: {  	[bflag:$0x3] =	sbarrier.arrive $0xFFFF  }
0x1cd: {  	_ =	shalt  }

</sc_bundles>
